<compile_context>
chip_gen: v7x
topology: tpu7x:2x2x1
jax: 0.10.2.dev20260603
libtpu: 0.0.44.dev20260713+nightly
codegen_flags: <defaults>
</compile_context>

<pallas_src>
import functools

import jax
import jax.numpy as jnp
from jax import lax
from jax.experimental import pallas as pl
from jax.experimental.pallas import tpu as pltpu
from jax.experimental.pallas import tpu_sc as plsc

T = 50
B = 128
K = 2048
NC = 2
NS = 16
NW = NC * NS
BPW = B // NW
LANES = 16
NACC = 4
GROUPS = K // (LANES * NACC)


def _gather_sc(lw, idx):
    mesh = plsc.VectorSubcoreMesh(core_axis_name="c", subcore_axis_name="s")

    @functools.partial(
        pl.kernel,
        out_type=jax.ShapeDtypeStruct((NW, LANES), jnp.float32),
        mesh=mesh,
        scratch_types=[
            pltpu.VMEM((BPW, K), jnp.float32),
            pltpu.VMEM((BPW, K), jnp.float32),
            pltpu.VMEM((BPW, K), jnp.float32),
            pltpu.VMEM((BPW, K), jnp.int32),
            pltpu.VMEM((BPW, K), jnp.int32),
            pltpu.VMEM((BPW, K), jnp.int32),
            pltpu.VMEM((LANES,), jnp.float32),
            pltpu.SemaphoreType.DMA,
            pltpu.SemaphoreType.DMA,
            pltpu.SemaphoreType.DMA,
        ],
        compiler_params=pltpu.CompilerParams(
            needs_layout_passes=False,
            skip_device_barrier=True,
            disable_bounds_checks=True,
            disable_semaphore_checks=True,
        ),
    )
    def body(lw_hbm, idx_hbm, gat_hbm, lw0, lw1, lw2, idx0, idx1, idx2,
             out_v, sem0, sem1, sem2):
        wid = lax.axis_index("s") * NC + lax.axis_index("c")
        b0 = wid * BPW
        lane = lax.iota(jnp.int32, LANES)
        lw_bufs, idx_bufs = (lw0, lw1, lw2), (idx0, idx1, idx2)
        sems = (sem0, sem1, sem2)

        def issue(t, phase):
            src = pl.ds(b0, BPW)
            pltpu.async_copy(lw_hbm.at[t, src], lw_bufs[phase], sems[phase])
            pltpu.async_copy(idx_hbm.at[t, src], idx_bufs[phase], sems[phase])

        def drain(t, phase):
            src = pl.ds(b0, BPW)
            pltpu.make_async_copy(lw_hbm.at[t, src], lw_bufs[phase],
                                  sems[phase]).wait()
            pltpu.make_async_copy(idx_hbm.at[t, src], idx_bufs[phase],
                                  sems[phase]).wait()

        def compute(phase, accs):
            lw_v, idx_v = lw_bufs[phase], idx_bufs[phase]
            new_accs = []
            zero = jnp.zeros((LANES,), jnp.float32)
            for j in range(BPW):
                row = jnp.full((LANES,), j, jnp.int32)

                def group_body(i, carry, j=j, row=row):
                    acc = list(carry)
                    base = i * (LANES * NACC)
                    for a in range(NACC):
                        off = pl.multiple_of(base + a * LANES, LANES)
                        iv = idx_v[j, pl.ds(off, LANES)]
                        acc[a] = acc[a] + plsc.load_gather(lw_v, [row, iv])
                    return tuple(acc)

                init = (accs[j], zero, zero, zero)
                res = lax.fori_loop(0, GROUPS, group_body, init, unroll=1)
                new_accs.append((res[0] + res[1]) + (res[2] + res[3]))
            return tuple(new_accs)

        issue(0, 0)
        issue(1, 1)

        def triple_body(tp, accs):
            t = 3 * tp
            for ph in range(3):
                drain(t + ph, ph)
                issue(jnp.minimum(t + ph + 2, T - 2), (ph + 2) % 3)
                accs = compute(ph, accs)
            return accs

        zero = jnp.zeros((LANES,), jnp.float32)
        accs = lax.fori_loop(0, (T - 1) // 3, triple_body, (zero,) * BPW)
        drain(T - 2, 0)
        accs = compute(0, accs)
        drain(T - 2, 1)

        out_vec = jnp.zeros((LANES,), jnp.float32)
        for j in range(BPW):
            out_vec = jnp.where(lane == j, jnp.sum(accs[j]), out_vec)
        out_v[...] = out_vec
        pltpu.sync_copy(out_v, gat_hbm.at[wid])

    return body(lw, idx)


def _lse_tc(lw):

    def body(lw_ref, out_ref):
        t = pl.program_id(0)
        x = lw_ref[0]
        m = jnp.max(x, axis=1, keepdims=True)
        s = jnp.sum(jnp.exp(x - m), axis=1)
        lse = m[:, 0] + jnp.log(s)

        @pl.when(t == 0)
        def _():
            out_ref[...] = jnp.zeros_like(out_ref)

        out_ref[0, :] += float(K) * lse

    return pl.pallas_call(
        body,
        grid=(T - 1,),
        in_specs=[pl.BlockSpec((1, B, K), lambda t: (t, 0, 0))],
        out_specs=pl.BlockSpec((1, B), lambda t: (0, 0)),
        out_shape=jax.ShapeDtypeStruct((1, B), jnp.float32),
    )(lw)


def kernel(log_weights, ancestral_indices):
    gat = _gather_sc(log_weights, ancestral_indices)
    lse = _lse_tc(log_weights)
    return gat[:, :BPW].reshape(B) - lse[0]

# --- scband reference (transcript-rebuilt; emitter-appended) ---
"""Pipeline reference for scband-auto-encoder-43525198578084 (READ-ONLY COPY).

The authoritative reference and input builder live on the scoring server;
editing this copy changes nothing except your own understanding.
"""

import jax, jax.numpy as jnp
import numpy as np

T = 50
B = 128
K = 2048

def setup_inputs(seed: int = 0) -> dict:
    key = jax.random.key(seed)
    k1, k2 = jax.random.split(key)
    log_weights = jax.random.normal(k1, (T, B, K), dtype=jnp.float32)
    ancestral_indices = jax.random.randint(k2, (T - 1, B, K), 0, K, dtype=jnp.int64 if jax.config.jax_enable_x64 else jnp.int32).astype(jnp.int32)
    return {"log_weights": log_weights, "ancestral_indices": ancestral_indices}

def reference(log_weights, ancestral_indices):
    # log_ancestral_indices_proposal:
    # lognormexp over particle dim, gather by ancestral indices, sum over
    # particles and timesteps -> [batch_size]
    log_normalized_weights = log_weights - jax.nn.logsumexp(log_weights, axis=2, keepdims=True)
    gathered = jnp.take_along_axis(log_normalized_weights[:-1], ancestral_indices, axis=2)
    return jnp.sum(jnp.sum(gathered, axis=2), axis=0)

if __name__ == "__main__":
    import jax
    _d = setup_inputs()
    print(jax.jit(kernel)(*tuple(_d.values())))

</pallas_src>

<mosaic_0001>
#map = affine_map<(d0, d1) -> (0, 0, 0)>
#map1 = affine_map<(d0, d1) -> (0, 0)>
module attributes {stable_mosaic.version = 14 : i64} {
  func.func @body(%arg0: i32, %arg1: i32, %arg2: memref<50x128x2048xf32, #tpu.memory_space<hbm>>, %arg3: memref<49x128x2048xi32, #tpu.memory_space<hbm>>, %arg4: memref<32x16xf32, #tpu.memory_space<hbm>>, %arg5: memref<4x2048xf32, #tpu.memory_space<vmem>>, %arg6: memref<4x2048xf32, #tpu.memory_space<vmem>>, %arg7: memref<4x2048xf32, #tpu.memory_space<vmem>>, %arg8: memref<4x2048xi32, #tpu.memory_space<vmem>>, %arg9: memref<4x2048xi32, #tpu.memory_space<vmem>>, %arg10: memref<4x2048xi32, #tpu.memory_space<vmem>>, %arg11: memref<16xf32, #tpu.memory_space<vmem>>, %arg12: memref<!tpu.dma_semaphore, #tpu.memory_space<semaphore_mem>>, %arg13: memref<!tpu.dma_semaphore, #tpu.memory_space<semaphore_mem>>, %arg14: memref<!tpu.dma_semaphore, #tpu.memory_space<semaphore_mem>>) attributes {dimension_semantics = [#tpu.dimension_semantics<core_parallel>, #tpu.dimension_semantics<subcore_parallel>], iteration_bounds = array<i64: 2, 16>, scalar_prefetch = 0 : i64, scratch_operands = 10 : i64, tpu.core_type = #tpu.core_type<sc_vector_subcore>, window_params = [{transform_indices = #map}, {transform_indices = #map}, {transform_indices = #map1}]} {
    %mul3A = arith.constant 2 : i32
    %mul3A_0 = arith.muli %arg1, %mul3A : i32
    %add3A = arith.addi %mul3A_0, %arg0 : i32
    %mul3A_1 = arith.constant 4 : i32
    %mul3A_2 = arith.muli %add3A, %mul3A_1 : i32
    %iota3A = tpu.iota {dimensions = array<i32: 0>} : vector<16xi32>
    %dma_start3A = arith.constant 0 : i32
    %dma_start3A_3 = arith.constant 0 : i32
    %dma_start3A_4 = tpu.memref_slice %arg2[%dma_start3A, %mul3A_2, %dma_start3A_3] : memref<50x128x2048xf32, #tpu.memory_space<hbm>> -> memref<1x4x2048xf32, #tpu.memory_space<hbm>>
    %dma_start3A_5 = tpu.memref_squeeze %dma_start3A_4 : memref<1x4x2048xf32, #tpu.memory_space<hbm>> -> memref<4x2048xf32, #tpu.memory_space<hbm>>
    %dma_start3A_6 = arith.constant 0 : i32
    %dma_start3A_7 = tpu.memref_slice %arg2[%dma_start3A, %mul3A_2, %dma_start3A_6] : memref<50x128x2048xf32, #tpu.memory_space<hbm>> -> memref<1x4x2048xf32, #tpu.memory_space<hbm>>
    %dma_start3A_8 = tpu.memref_squeeze %dma_start3A_7 : memref<1x4x2048xf32, #tpu.memory_space<hbm>> -> memref<4x2048xf32, #tpu.memory_space<hbm>>
    tpu.enqueue_dma source(%dma_start3A_8 : memref<4x2048xf32, #tpu.memory_space<hbm>>) target(%arg5 : memref<4x2048xf32, #tpu.memory_space<vmem>>) target_semaphore(%arg12 : memref<!tpu.dma_semaphore, #tpu.memory_space<semaphore_mem>>)
    %dma_start3A_9 = arith.constant 0 : i32
    %dma_start3A_10 = arith.constant 0 : i32
    %dma_start3A_11 = tpu.memref_slice %arg3[%dma_start3A_9, %mul3A_2, %dma_start3A_10] : memref<49x128x2048xi32, #tpu.memory_space<hbm>> -> memref<1x4x2048xi32, #tpu.memory_space<hbm>>
    %dma_start3A_12 = tpu.memref_squeeze %dma_start3A_11 : memref<1x4x2048xi32, #tpu.memory_space<hbm>> -> memref<4x2048xi32, #tpu.memory_space<hbm>>
    %dma_start3A_13 = arith.constant 0 : i32
    %dma_start3A_14 = tpu.memref_slice %arg3[%dma_start3A_9, %mul3A_2, %dma_start3A_13] : memref<49x128x2048xi32, #tpu.memory_space<hbm>> -> memref<1x4x2048xi32, #tpu.memory_space<hbm>>
    %dma_start3A_15 = tpu.memref_squeeze %dma_start3A_14 : memref<1x4x2048xi32, #tpu.memory_space<hbm>> -> memref<4x2048xi32, #tpu.memory_space<hbm>>
    tpu.enqueue_dma source(%dma_start3A_15 : memref<4x2048xi32, #tpu.memory_space<hbm>>) target(%arg8 : memref<4x2048xi32, #tpu.memory_space<vmem>>) target_semaphore(%arg12 : memref<!tpu.dma_semaphore, #tpu.memory_space<semaphore_mem>>)
    %dma_start3A_16 = arith.constant 1 : i32
    %dma_start3A_17 = arith.constant 0 : i32
    %dma_start3A_18 = tpu.memref_slice %arg2[%dma_start3A_16, %mul3A_2, %dma_start3A_17] : memref<50x128x2048xf32, #tpu.memory_space<hbm>> -> memref<1x4x2048xf32, #tpu.memory_space<hbm>>
    %dma_start3A_19 = tpu.memref_squeeze %dma_start3A_18 : memref<1x4x2048xf32, #tpu.memory_space<hbm>> -> memref<4x2048xf32, #tpu.memory_space<hbm>>
    %dma_start3A_20 = arith.constant 0 : i32
    %dma_start3A_21 = tpu.memref_slice %arg2[%dma_start3A_16, %mul3A_2, %dma_start3A_20] : memref<50x128x2048xf32, #tpu.memory_space<hbm>> -> memref<1x4x2048xf32, #tpu.memory_space<hbm>>
    %dma_start3A_22 = tpu.memref_squeeze %dma_start3A_21 : memref<1x4x2048xf32, #tpu.memory_space<hbm>> -> memref<4x2048xf32, #tpu.memory_space<hbm>>
    tpu.enqueue_dma source(%dma_start3A_22 : memref<4x2048xf32, #tpu.memory_space<hbm>>) target(%arg6 : memref<4x2048xf32, #tpu.memory_space<vmem>>) target_semaphore(%arg13 : memref<!tpu.dma_semaphore, #tpu.memory_space<semaphore_mem>>)
    %dma_start3A_23 = arith.constant 1 : i32
    %dma_start3A_24 = arith.constant 0 : i32
    %dma_start3A_25 = tpu.memref_slice %arg3[%dma_start3A_23, %mul3A_2, %dma_start3A_24] : memref<49x128x2048xi32, #tpu.memory_space<hbm>> -> memref<1x4x2048xi32, #tpu.memory_space<hbm>>
    %dma_start3A_26 = tpu.memref_squeeze %dma_start3A_25 : memref<1x4x2048xi32, #tpu.memory_space<hbm>> -> memref<4x2048xi32, #tpu.memory_space<hbm>>
    %dma_start3A_27 = arith.constant 0 : i32
    %dma_start3A_28 = tpu.memref_slice %arg3[%dma_start3A_23, %mul3A_2, %dma_start3A_27] : memref<49x128x2048xi32, #tpu.memory_space<hbm>> -> memref<1x4x2048xi32, #tpu.memory_space<hbm>>
    %dma_start3A_29 = tpu.memref_squeeze %dma_start3A_28 : memref<1x4x2048xi32, #tpu.memory_space<hbm>> -> memref<4x2048xi32, #tpu.memory_space<hbm>>
    tpu.enqueue_dma source(%dma_start3A_29 : memref<4x2048xi32, #tpu.memory_space<hbm>>) target(%arg9 : memref<4x2048xi32, #tpu.memory_space<vmem>>) target_semaphore(%arg13 : memref<!tpu.dma_semaphore, #tpu.memory_space<semaphore_mem>>)
    %broadcast_in_dim3A = arith.constant 0.000000e+00 : f32
    %broadcast_in_dim3A_30 = vector.broadcast %broadcast_in_dim3A : f32 to vector<16xf32>
    %scan3A = arith.constant 0 : i32
    %scan3A_31 = arith.constant 16 : i32
    %scan3A_32 = arith.addi %scan3A, %scan3A_31 : i32
    %scan3A_33 = arith.constant 1 : i32
    %scan3A_34:4 = scf.for %scan3A_145 = %scan3A to %scan3A_32 step %scan3A_33 iter_args(%scan3A_146 = %broadcast_in_dim3A_30, %scan3A_147 = %broadcast_in_dim3A_30, %scan3A_148 = %broadcast_in_dim3A_30, %scan3A_149 = %broadcast_in_dim3A_30) -> (vector<16xf32>, vector<16xf32>, vector<16xf32>, vector<16xf32>)  : i32 {
      %mul3A_150 = arith.constant 3 : i32
      %mul3A_151 = arith.muli %mul3A_150, %scan3A_145 : i32
      %add3A_152 = arith.constant 0 : i32
      %add3A_153 = arith.addi %mul3A_151, %add3A_152 : i32
      %dma_wait3A_154 = arith.constant 0 : i32
      %dma_wait3A_155 = tpu.memref_slice %arg2[%add3A_153, %mul3A_2, %dma_wait3A_154] : memref<50x128x2048xf32, #tpu.memory_space<hbm>> -> memref<1x4x2048xf32, #tpu.memory_space<hbm>>
      %dma_wait3A_156 = tpu.memref_squeeze %dma_wait3A_155 : memref<1x4x2048xf32, #tpu.memory_space<hbm>> -> memref<4x2048xf32, #tpu.memory_space<hbm>>
      %dma_wait3A_157 = arith.constant 0 : i32
      %dma_wait3A_158 = tpu.memref_slice %arg2[%add3A_153, %mul3A_2, %dma_wait3A_157] : memref<50x128x2048xf32, #tpu.memory_space<hbm>> -> memref<1x4x2048xf32, #tpu.memory_space<hbm>>
      %dma_wait3A_159 = tpu.memref_squeeze %dma_wait3A_158 : memref<1x4x2048xf32, #tpu.memory_space<hbm>> -> memref<4x2048xf32, #tpu.memory_space<hbm>>
      tpu.wait_dma2 semaphore(%arg12 : memref<!tpu.dma_semaphore, #tpu.memory_space<semaphore_mem>>) src(%dma_wait3A_159 : memref<4x2048xf32, #tpu.memory_space<hbm>>) dst(%arg5 : memref<4x2048xf32, #tpu.memory_space<vmem>>)
      %dma_wait3A_160 = arith.constant 0 : i32
      %dma_wait3A_161 = tpu.memref_slice %arg3[%add3A_153, %mul3A_2, %dma_wait3A_160] : memref<49x128x2048xi32, #tpu.memory_space<hbm>> -> memref<1x4x2048xi32, #tpu.memory_space<hbm>>
      %dma_wait3A_162 = tpu.memref_squeeze %dma_wait3A_161 : memref<1x4x2048xi32, #tpu.memory_space<hbm>> -> memref<4x2048xi32, #tpu.memory_space<hbm>>
      %dma_wait3A_163 = arith.constant 0 : i32
      %dma_wait3A_164 = tpu.memref_slice %arg3[%add3A_153, %mul3A_2, %dma_wait3A_163] : memref<49x128x2048xi32, #tpu.memory_space<hbm>> -> memref<1x4x2048xi32, #tpu.memory_space<hbm>>
      %dma_wait3A_165 = tpu.memref_squeeze %dma_wait3A_164 : memref<1x4x2048xi32, #tpu.memory_space<hbm>> -> memref<4x2048xi32, #tpu.memory_space<hbm>>
      tpu.wait_dma2 semaphore(%arg12 : memref<!tpu.dma_semaphore, #tpu.memory_space<semaphore_mem>>) src(%dma_wait3A_165 : memref<4x2048xi32, #tpu.memory_space<hbm>>) dst(%arg8 : memref<4x2048xi32, #tpu.memory_space<vmem>>)
      %add3A_166 = arith.constant 0 : i32
      %add3A_167 = arith.addi %mul3A_151, %add3A_166 : i32
      %add3A_168 = arith.constant 2 : i32
      %add3A_169 = arith.addi %add3A_167, %add3A_168 : i32
      %min3A = arith.constant 48 : i32
      %min3A_170 = arith.minsi %add3A_169, %min3A : i32
      %dma_start3A_171 = arith.constant 0 : i32
      %dma_start3A_172 = tpu.memref_slice %arg2[%min3A_170, %mul3A_2, %dma_start3A_171] : memref<50x128x2048xf32, #tpu.memory_space<hbm>> -> memref<1x4x2048xf32, #tpu.memory_space<hbm>>
      %dma_start3A_173 = tpu.memref_squeeze %dma_start3A_172 : memref<1x4x2048xf32, #tpu.memory_space<hbm>> -> memref<4x2048xf32, #tpu.memory_space<hbm>>
      %dma_start3A_174 = arith.constant 0 : i32
      %dma_start3A_175 = tpu.memref_slice %arg2[%min3A_170, %mul3A_2, %dma_start3A_174] : memref<50x128x2048xf32, #tpu.memory_space<hbm>> -> memref<1x4x2048xf32, #tpu.memory_space<hbm>>
      %dma_start3A_176 = tpu.memref_squeeze %dma_start3A_175 : memref<1x4x2048xf32, #tpu.memory_space<hbm>> -> memref<4x2048xf32, #tpu.memory_space<hbm>>
      tpu.enqueue_dma source(%dma_start3A_176 : memref<4x2048xf32, #tpu.memory_space<hbm>>) target(%arg7 : memref<4x2048xf32, #tpu.memory_space<vmem>>) target_semaphore(%arg14 : memref<!tpu.dma_semaphore, #tpu.memory_space<semaphore_mem>>)
      %dma_start3A_177 = arith.constant 0 : i32
      %dma_start3A_178 = tpu.memref_slice %arg3[%min3A_170, %mul3A_2, %dma_start3A_177] : memref<49x128x2048xi32, #tpu.memory_space<hbm>> -> memref<1x4x2048xi32, #tpu.memory_space<hbm>>
      %dma_start3A_179 = tpu.memref_squeeze %dma_start3A_178 : memref<1x4x2048xi32, #tpu.memory_space<hbm>> -> memref<4x2048xi32, #tpu.memory_space<hbm>>
      %dma_start3A_180 = arith.constant 0 : i32
      %dma_start3A_181 = tpu.memref_slice %arg3[%min3A_170, %mul3A_2, %dma_start3A_180] : memref<49x128x2048xi32, #tpu.memory_space<hbm>> -> memref<1x4x2048xi32, #tpu.memory_space<hbm>>
      %dma_start3A_182 = tpu.memref_squeeze %dma_start3A_181 : memref<1x4x2048xi32, #tpu.memory_space<hbm>> -> memref<4x2048xi32, #tpu.memory_space<hbm>>
      tpu.enqueue_dma source(%dma_start3A_182 : memref<4x2048xi32, #tpu.memory_space<hbm>>) target(%arg10 : memref<4x2048xi32, #tpu.memory_space<vmem>>) target_semaphore(%arg14 : memref<!tpu.dma_semaphore, #tpu.memory_space<semaphore_mem>>)
      %broadcast_in_dim3A_183 = arith.constant 0.000000e+00 : f32
      %broadcast_in_dim3A_184 = vector.broadcast %broadcast_in_dim3A_183 : f32 to vector<16xf32>
      %broadcast_in_dim3A_185 = arith.constant 0 : i32
      %broadcast_in_dim3A_186 = vector.broadcast %broadcast_in_dim3A_185 : i32 to vector<16xi32>
      %scan3A_187 = arith.constant 0 : i32
      %scan3A_188 = arith.constant 32 : i32
      %scan3A_189 = arith.addi %scan3A_187, %scan3A_188 : i32
      %scan3A_190 = arith.constant 1 : i32
      %scan3A_191:4 = scf.for %scan3A_385 = %scan3A_187 to %scan3A_189 step %scan3A_190 iter_args(%scan3A_386 = %scan3A_146, %scan3A_387 = %broadcast_in_dim3A_184, %scan3A_388 = %broadcast_in_dim3A_184, %scan3A_389 = %broadcast_in_dim3A_184) -> (vector<16xf32>, vector<16xf32>, vector<16xf32>, vector<16xf32>)  : i32 {
        %mul3A_390 = arith.constant 64 : i32
        %mul3A_391 = arith.muli %scan3A_385, %mul3A_390 : i32
        %add3A_392 = arith.constant 0 : i32
        %add3A_393 = arith.addi %mul3A_391, %add3A_392 : i32
        %multiple_of3A = tpu.assume_multiple %add3A_393, 16 : i32
        %get3A = arith.constant 0 : i32
        %get3A_394 = arith.index_cast %get3A : i32 to index
        %get3A_395 = arith.index_cast %multiple_of3A : i32 to index
        %get3A_396 = tpu.vector_load %arg8[%get3A_394, %get3A_395] {strides = array<i32>} : memref<4x2048xi32, #tpu.memory_space<vmem>>, vector<16xi32>,
        %gather3A = tpu.vector_load_idx %arg5[%broadcast_in_dim3A_186, %get3A_396] : memref<4x2048xf32, #tpu.memory_space<vmem>>[vector<16xi32>, vector<16xi32>], vector<16xf32>,
        %add3A_397 = arith.addf %scan3A_386, %gather3A : vector<16xf32>
        %add3A_398 = arith.constant 16 : i32
        %add3A_399 = arith.addi %mul3A_391, %add3A_398 : i32
        %multiple_of3A_400 = tpu.assume_multiple %add3A_399, 16 : i32
        %get3A_401 = arith.constant 0 : i32
        %get3A_402 = arith.index_cast %get3A_401 : i32 to index
        %get3A_403 = arith.index_cast %multiple_of3A_400 : i32 to index
        %get3A_404 = tpu.vector_load %arg8[%get3A_402, %get3A_403] {strides = array<i32>} : memref<4x2048xi32, #tpu.memory_space<vmem>>, vector<16xi32>,
        %gather3A_405 = tpu.vector_load_idx %arg5[%broadcast_in_dim3A_186, %get3A_404] : memref<4x2048xf32, #tpu.memory_space<vmem>>[vector<16xi32>, vector<16xi32>], vector<16xf32>,
        %add3A_406 = arith.addf %scan3A_387, %gather3A_405 : vector<16xf32>
        %add3A_407 = arith.constant 32 : i32
        %add3A_408 = arith.addi %mul3A_391, %add3A_407 : i32
        %multiple_of3A_409 = tpu.assume_multiple %add3A_408, 16 : i32
        %get3A_410 = arith.constant 0 : i32
        %get3A_411 = arith.index_cast %get3A_410 : i32 to index
        %get3A_412 = arith.index_cast %multiple_of3A_409 : i32 to index
        %get3A_413 = tpu.vector_load %arg8[%get3A_411, %get3A_412] {strides = array<i32>} : memref<4x2048xi32, #tpu.memory_space<vmem>>, vector<16xi32>,
        %gather3A_414 = tpu.vector_load_idx %arg5[%broadcast_in_dim3A_186, %get3A_413] : memref<4x2048xf32, #tpu.memory_space<vmem>>[vector<16xi32>, vector<16xi32>], vector<16xf32>,
        %add3A_415 = arith.addf %scan3A_388, %gather3A_414 : vector<16xf32>
        %add3A_416 = arith.constant 48 : i32
        %add3A_417 = arith.addi %mul3A_391, %add3A_416 : i32
        %multiple_of3A_418 = tpu.assume_multiple %add3A_417, 16 : i32
        %get3A_419 = arith.constant 0 : i32
        %get3A_420 = arith.index_cast %get3A_419 : i32 to index
        %get3A_421 = arith.index_cast %multiple_of3A_418 : i32 to index
        %get3A_422 = tpu.vector_load %arg8[%get3A_420, %get3A_421] {strides = array<i32>} : memref<4x2048xi32, #tpu.memory_space<vmem>>, vector<16xi32>,
        %gather3A_423 = tpu.vector_load_idx %arg5[%broadcast_in_dim3A_186, %get3A_422] : memref<4x2048xf32, #tpu.memory_space<vmem>>[vector<16xi32>, vector<16xi32>], vector<16xf32>,
        %add3A_424 = arith.addf %scan3A_389, %gather3A_423 : vector<16xf32>
        scf.yield %add3A_397, %add3A_406, %add3A_415, %add3A_424 : vector<16xf32>, vector<16xf32>, vector<16xf32>, vector<16xf32>
      }
      %scan3A_192 = arith.constant 32 : i32
      %add3A_193 = arith.addf %scan3A_191#0, %scan3A_191#1 : vector<16xf32>
      %add3A_194 = arith.addf %scan3A_191#2, %scan3A_191#3 : vector<16xf32>
      %add3A_195 = arith.addf %add3A_193, %add3A_194 : vector<16xf32>
      %broadcast_in_dim3A_196 = arith.constant 1 : i32
      %broadcast_in_dim3A_197 = vector.broadcast %broadcast_in_dim3A_196 : i32 to vector<16xi32>
      %scan3A_198 = arith.constant 0 : i32
      %scan3A_199 = arith.constant 32 : i32
      %scan3A_200 = arith.addi %scan3A_198, %scan3A_199 : i32
      %scan3A_201 = arith.constant 1 : i32
      %scan3A_202:4 = scf.for %scan3A_385 = %scan3A_198 to %scan3A_200 step %scan3A_201 iter_args(%scan3A_386 = %scan3A_147, %scan3A_387 = %broadcast_in_dim3A_184, %scan3A_388 = %broadcast_in_dim3A_184, %scan3A_389 = %broadcast_in_dim3A_184) -> (vector<16xf32>, vector<16xf32>, vector<16xf32>, vector<16xf32>)  : i32 {
        %mul3A_390 = arith.constant 64 : i32
        %mul3A_391 = arith.muli %scan3A_385, %mul3A_390 : i32
        %add3A_392 = arith.constant 0 : i32
        %add3A_393 = arith.addi %mul3A_391, %add3A_392 : i32
        %multiple_of3A = tpu.assume_multiple %add3A_393, 16 : i32
        %get3A = arith.constant 1 : i32
        %get3A_394 = arith.index_cast %get3A : i32 to index
        %get3A_395 = arith.index_cast %multiple_of3A : i32 to index
        %get3A_396 = tpu.vector_load %arg8[%get3A_394, %get3A_395] {strides = array<i32>} : memref<4x2048xi32, #tpu.memory_space<vmem>>, vector<16xi32>,
        %gather3A = tpu.vector_load_idx %arg5[%broadcast_in_dim3A_197, %get3A_396] : memref<4x2048xf32, #tpu.memory_space<vmem>>[vector<16xi32>, vector<16xi32>], vector<16xf32>,
        %add3A_397 = arith.addf %scan3A_386, %gather3A : vector<16xf32>
        %add3A_398 = arith.constant 16 : i32
        %add3A_399 = arith.addi %mul3A_391, %add3A_398 : i32
        %multiple_of3A_400 = tpu.assume_multiple %add3A_399, 16 : i32
        %get3A_401 = arith.constant 1 : i32
        %get3A_402 = arith.index_cast %get3A_401 : i32 to index
        %get3A_403 = arith.index_cast %multiple_of3A_400 : i32 to index
        %get3A_404 = tpu.vector_load %arg8[%get3A_402, %get3A_403] {strides = array<i32>} : memref<4x2048xi32, #tpu.memory_space<vmem>>, vector<16xi32>,
        %gather3A_405 = tpu.vector_load_idx %arg5[%broadcast_in_dim3A_197, %get3A_404] : memref<4x2048xf32, #tpu.memory_space<vmem>>[vector<16xi32>, vector<16xi32>], vector<16xf32>,
        %add3A_406 = arith.addf %scan3A_387, %gather3A_405 : vector<16xf32>
        %add3A_407 = arith.constant 32 : i32
        %add3A_408 = arith.addi %mul3A_391, %add3A_407 : i32
        %multiple_of3A_409 = tpu.assume_multiple %add3A_408, 16 : i32
        %get3A_410 = arith.constant 1 : i32
        %get3A_411 = arith.index_cast %get3A_410 : i32 to index
        %get3A_412 = arith.index_cast %multiple_of3A_409 : i32 to index
        %get3A_413 = tpu.vector_load %arg8[%get3A_411, %get3A_412] {strides = array<i32>} : memref<4x2048xi32, #tpu.memory_space<vmem>>, vector<16xi32>,
        %gather3A_414 = tpu.vector_load_idx %arg5[%broadcast_in_dim3A_197, %get3A_413] : memref<4x2048xf32, #tpu.memory_space<vmem>>[vector<16xi32>, vector<16xi32>], vector<16xf32>,
        %add3A_415 = arith.addf %scan3A_388, %gather3A_414 : vector<16xf32>
        %add3A_416 = arith.constant 48 : i32
        %add3A_417 = arith.addi %mul3A_391, %add3A_416 : i32
        %multiple_of3A_418 = tpu.assume_multiple %add3A_417, 16 : i32
        %get3A_419 = arith.constant 1 : i32
        %get3A_420 = arith.index_cast %get3A_419 : i32 to index
        %get3A_421 = arith.index_cast %multiple_of3A_418 : i32 to index
        %get3A_422 = tpu.vector_load %arg8[%get3A_420, %get3A_421] {strides = array<i32>} : memref<4x2048xi32, #tpu.memory_space<vmem>>, vector<16xi32>,
        %gather3A_423 = tpu.vector_load_idx %arg5[%broadcast_in_dim3A_197, %get3A_422] : memref<4x2048xf32, #tpu.memory_space<vmem>>[vector<16xi32>, vector<16xi32>], vector<16xf32>,
        %add3A_424 = arith.addf %scan3A_389, %gather3A_423 : vector<16xf32>
        scf.yield %add3A_397, %add3A_406, %add3A_415, %add3A_424 : vector<16xf32>, vector<16xf32>, vector<16xf32>, vector<16xf32>
      }
      %scan3A_203 = arith.constant 32 : i32
      %add3A_204 = arith.addf %scan3A_202#0, %scan3A_202#1 : vector<16xf32>
      %add3A_205 = arith.addf %scan3A_202#2, %scan3A_202#3 : vector<16xf32>
      %add3A_206 = arith.addf %add3A_204, %add3A_205 : vector<16xf32>
      %broadcast_in_dim3A_207 = arith.constant 2 : i32
      %broadcast_in_dim3A_208 = vector.broadcast %broadcast_in_dim3A_207 : i32 to vector<16xi32>
      %scan3A_209 = arith.constant 0 : i32
      %scan3A_210 = arith.constant 32 : i32
      %scan3A_211 = arith.addi %scan3A_209, %scan3A_210 : i32
      %scan3A_212 = arith.constant 1 : i32
      %scan3A_213:4 = scf.for %scan3A_385 = %scan3A_209 to %scan3A_211 step %scan3A_212 iter_args(%scan3A_386 = %scan3A_148, %scan3A_387 = %broadcast_in_dim3A_184, %scan3A_388 = %broadcast_in_dim3A_184, %scan3A_389 = %broadcast_in_dim3A_184) -> (vector<16xf32>, vector<16xf32>, vector<16xf32>, vector<16xf32>)  : i32 {
        %mul3A_390 = arith.constant 64 : i32
        %mul3A_391 = arith.muli %scan3A_385, %mul3A_390 : i32
        %add3A_392 = arith.constant 0 : i32
        %add3A_393 = arith.addi %mul3A_391, %add3A_392 : i32
        %multiple_of3A = tpu.assume_multiple %add3A_393, 16 : i32
        %get3A = arith.constant 2 : i32
        %get3A_394 = arith.index_cast %get3A : i32 to index
        %get3A_395 = arith.index_cast %multiple_of3A : i32 to index
        %get3A_396 = tpu.vector_load %arg8[%get3A_394, %get3A_395] {strides = array<i32>} : memref<4x2048xi32, #tpu.memory_space<vmem>>, vector<16xi32>,
        %gather3A = tpu.vector_load_idx %arg5[%broadcast_in_dim3A_208, %get3A_396] : memref<4x2048xf32, #tpu.memory_space<vmem>>[vector<16xi32>, vector<16xi32>], vector<16xf32>,
        %add3A_397 = arith.addf %scan3A_386, %gather3A : vector<16xf32>
        %add3A_398 = arith.constant 16 : i32
        %add3A_399 = arith.addi %mul3A_391, %add3A_398 : i32
        %multiple_of3A_400 = tpu.assume_multiple %add3A_399, 16 : i32
        %get3A_401 = arith.constant 2 : i32
        %get3A_402 = arith.index_cast %get3A_401 : i32 to index
        %get3A_403 = arith.index_cast %multiple_of3A_400 : i32 to index
        %get3A_404 = tpu.vector_load %arg8[%get3A_402, %get3A_403] {strides = array<i32>} : memref<4x2048xi32, #tpu.memory_space<vmem>>, vector<16xi32>,
        %gather3A_405 = tpu.vector_load_idx %arg5[%broadcast_in_dim3A_208, %get3A_404] : memref<4x2048xf32, #tpu.memory_space<vmem>>[vector<16xi32>, vector<16xi32>], vector<16xf32>,
        %add3A_406 = arith.addf %scan3A_387, %gather3A_405 : vector<16xf32>
        %add3A_407 = arith.constant 32 : i32
        %add3A_408 = arith.addi %mul3A_391, %add3A_407 : i32
        %multiple_of3A_409 = tpu.assume_multiple %add3A_408, 16 : i32
        %get3A_410 = arith.constant 2 : i32
        %get3A_411 = arith.index_cast %get3A_410 : i32 to index
        %get3A_412 = arith.index_cast %multiple_of3A_409 : i32 to index
        %get3A_413 = tpu.vector_load %arg8[%get3A_411, %get3A_412] {strides = array<i32>} : memref<4x2048xi32, #tpu.memory_space<vmem>>, vector<16xi32>,
        %gather3A_414 = tpu.vector_load_idx %arg5[%broadcast_in_dim3A_208, %get3A_413] : memref<4x2048xf32, #tpu.memory_space<vmem>>[vector<16xi32>, vector<16xi32>], vector<16xf32>,
        %add3A_415 = arith.addf %scan3A_388, %gather3A_414 : vector<16xf32>
        %add3A_416 = arith.constant 48 : i32
        %add3A_417 = arith.addi %mul3A_391, %add3A_416 : i32
        %multiple_of3A_418 = tpu.assume_multiple %add3A_417, 16 : i32
        %get3A_419 = arith.constant 2 : i32
        %get3A_420 = arith.index_cast %get3A_419 : i32 to index
        %get3A_421 = arith.index_cast %multiple_of3A_418 : i32 to index
        %get3A_422 = tpu.vector_load %arg8[%get3A_420, %get3A_421] {strides = array<i32>} : memref<4x2048xi32, #tpu.memory_space<vmem>>, vector<16xi32>,
        %gather3A_423 = tpu.vector_load_idx %arg5[%broadcast_in_dim3A_208, %get3A_422] : memref<4x2048xf32, #tpu.memory_space<vmem>>[vector<16xi32>, vector<16xi32>], vector<16xf32>,
        %add3A_424 = arith.addf %scan3A_389, %gather3A_423 : vector<16xf32>
        scf.yield %add3A_397, %add3A_406, %add3A_415, %add3A_424 : vector<16xf32>, vector<16xf32>, vector<16xf32>, vector<16xf32>
      }
      %scan3A_214 = arith.constant 32 : i32
      %add3A_215 = arith.addf %scan3A_213#0, %scan3A_213#1 : vector<16xf32>
      %add3A_216 = arith.addf %scan3A_213#2, %scan3A_213#3 : vector<16xf32>
      %add3A_217 = arith.addf %add3A_215, %add3A_216 : vector<16xf32>
      %broadcast_in_dim3A_218 = arith.constant 3 : i32
      %broadcast_in_dim3A_219 = vector.broadcast %broadcast_in_dim3A_218 : i32 to vector<16xi32>
      %scan3A_220 = arith.constant 0 : i32
      %scan3A_221 = arith.constant 32 : i32
      %scan3A_222 = arith.addi %scan3A_220, %scan3A_221 : i32
      %scan3A_223 = arith.constant 1 : i32
      %scan3A_224:4 = scf.for %scan3A_385 = %scan3A_220 to %scan3A_222 step %scan3A_223 iter_args(%scan3A_386 = %scan3A_149, %scan3A_387 = %broadcast_in_dim3A_184, %scan3A_388 = %broadcast_in_dim3A_184, %scan3A_389 = %broadcast_in_dim3A_184) -> (vector<16xf32>, vector<16xf32>, vector<16xf32>, vector<16xf32>)  : i32 {
        %mul3A_390 = arith.constant 64 : i32
        %mul3A_391 = arith.muli %scan3A_385, %mul3A_390 : i32
        %add3A_392 = arith.constant 0 : i32
        %add3A_393 = arith.addi %mul3A_391, %add3A_392 : i32
        %multiple_of3A = tpu.assume_multiple %add3A_393, 16 : i32
        %get3A = arith.constant 3 : i32
        %get3A_394 = arith.index_cast %get3A : i32 to index
        %get3A_395 = arith.index_cast %multiple_of3A : i32 to index
        %get3A_396 = tpu.vector_load %arg8[%get3A_394, %get3A_395] {strides = array<i32>} : memref<4x2048xi32, #tpu.memory_space<vmem>>, vector<16xi32>,
        %gather3A = tpu.vector_load_idx %arg5[%broadcast_in_dim3A_219, %get3A_396] : memref<4x2048xf32, #tpu.memory_space<vmem>>[vector<16xi32>, vector<16xi32>], vector<16xf32>,
        %add3A_397 = arith.addf %scan3A_386, %gather3A : vector<16xf32>
        %add3A_398 = arith.constant 16 : i32
        %add3A_399 = arith.addi %mul3A_391, %add3A_398 : i32
        %multiple_of3A_400 = tpu.assume_multiple %add3A_399, 16 : i32
        %get3A_401 = arith.constant 3 : i32
        %get3A_402 = arith.index_cast %get3A_401 : i32 to index
        %get3A_403 = arith.index_cast %multiple_of3A_400 : i32 to index
        %get3A_404 = tpu.vector_load %arg8[%get3A_402, %get3A_403] {strides = array<i32>} : memref<4x2048xi32, #tpu.memory_space<vmem>>, vector<16xi32>,
        %gather3A_405 = tpu.vector_load_idx %arg5[%broadcast_in_dim3A_219, %get3A_404] : memref<4x2048xf32, #tpu.memory_space<vmem>>[vector<16xi32>, vector<16xi32>], vector<16xf32>,
        %add3A_406 = arith.addf %scan3A_387, %gather3A_405 : vector<16xf32>
        %add3A_407 = arith.constant 32 : i32
        %add3A_408 = arith.addi %mul3A_391, %add3A_407 : i32
        %multiple_of3A_409 = tpu.assume_multiple %add3A_408, 16 : i32
        %get3A_410 = arith.constant 3 : i32
        %get3A_411 = arith.index_cast %get3A_410 : i32 to index
        %get3A_412 = arith.index_cast %multiple_of3A_409 : i32 to index
        %get3A_413 = tpu.vector_load %arg8[%get3A_411, %get3A_412] {strides = array<i32>} : memref<4x2048xi32, #tpu.memory_space<vmem>>, vector<16xi32>,
        %gather3A_414 = tpu.vector_load_idx %arg5[%broadcast_in_dim3A_219, %get3A_413] : memref<4x2048xf32, #tpu.memory_space<vmem>>[vector<16xi32>, vector<16xi32>], vector<16xf32>,
        %add3A_415 = arith.addf %scan3A_388, %gather3A_414 : vector<16xf32>
        %add3A_416 = arith.constant 48 : i32
        %add3A_417 = arith.addi %mul3A_391, %add3A_416 : i32
        %multiple_of3A_418 = tpu.assume_multiple %add3A_417, 16 : i32
        %get3A_419 = arith.constant 3 : i32
        %get3A_420 = arith.index_cast %get3A_419 : i32 to index
        %get3A_421 = arith.index_cast %multiple_of3A_418 : i32 to index
        %get3A_422 = tpu.vector_load %arg8[%get3A_420, %get3A_421] {strides = array<i32>} : memref<4x2048xi32, #tpu.memory_space<vmem>>, vector<16xi32>,
        %gather3A_423 = tpu.vector_load_idx %arg5[%broadcast_in_dim3A_219, %get3A_422] : memref<4x2048xf32, #tpu.memory_space<vmem>>[vector<16xi32>, vector<16xi32>], vector<16xf32>,
        %add3A_424 = arith.addf %scan3A_389, %gather3A_423 : vector<16xf32>
        scf.yield %add3A_397, %add3A_406, %add3A_415, %add3A_424 : vector<16xf32>, vector<16xf32>, vector<16xf32>, vector<16xf32>
      }
      %scan3A_225 = arith.constant 32 : i32
      %add3A_226 = arith.addf %scan3A_224#0, %scan3A_224#1 : vector<16xf32>
      %add3A_227 = arith.addf %scan3A_224#2, %scan3A_224#3 : vector<16xf32>
      %add3A_228 = arith.addf %add3A_226, %add3A_227 : vector<16xf32>
      %add3A_229 = arith.constant 1 : i32
      %add3A_230 = arith.addi %mul3A_151, %add3A_229 : i32
      %dma_wait3A_231 = arith.constant 0 : i32
      %dma_wait3A_232 = tpu.memref_slice %arg2[%add3A_230, %mul3A_2, %dma_wait3A_231] : memref<50x128x2048xf32, #tpu.memory_space<hbm>> -> memref<1x4x2048xf32, #tpu.memory_space<hbm>>
      %dma_wait3A_233 = tpu.memref_squeeze %dma_wait3A_232 : memref<1x4x2048xf32, #tpu.memory_space<hbm>> -> memref<4x2048xf32, #tpu.memory_space<hbm>>
      %dma_wait3A_234 = arith.constant 0 : i32
      %dma_wait3A_235 = tpu.memref_slice %arg2[%add3A_230, %mul3A_2, %dma_wait3A_234] : memref<50x128x2048xf32, #tpu.memory_space<hbm>> -> memref<1x4x2048xf32, #tpu.memory_space<hbm>>
      %dma_wait3A_236 = tpu.memref_squeeze %dma_wait3A_235 : memref<1x4x2048xf32, #tpu.memory_space<hbm>> -> memref<4x2048xf32, #tpu.memory_space<hbm>>
      tpu.wait_dma2 semaphore(%arg13 : memref<!tpu.dma_semaphore, #tpu.memory_space<semaphore_mem>>) src(%dma_wait3A_236 : memref<4x2048xf32, #tpu.memory_space<hbm>>) dst(%arg6 : memref<4x2048xf32, #tpu.memory_space<vmem>>)
      %dma_wait3A_237 = arith.constant 0 : i32
      %dma_wait3A_238 = tpu.memref_slice %arg3[%add3A_230, %mul3A_2, %dma_wait3A_237] : memref<49x128x2048xi32, #tpu.memory_space<hbm>> -> memref<1x4x2048xi32, #tpu.memory_space<hbm>>
      %dma_wait3A_239 = tpu.memref_squeeze %dma_wait3A_238 : memref<1x4x2048xi32, #tpu.memory_space<hbm>> -> memref<4x2048xi32, #tpu.memory_space<hbm>>
      %dma_wait3A_240 = arith.constant 0 : i32
      %dma_wait3A_241 = tpu.memref_slice %arg3[%add3A_230, %mul3A_2, %dma_wait3A_240] : memref<49x128x2048xi32, #tpu.memory_space<hbm>> -> memref<1x4x2048xi32, #tpu.memory_space<hbm>>
      %dma_wait3A_242 = tpu.memref_squeeze %dma_wait3A_241 : memref<1x4x2048xi32, #tpu.memory_space<hbm>> -> memref<4x2048xi32, #tpu.memory_space<hbm>>
      tpu.wait_dma2 semaphore(%arg13 : memref<!tpu.dma_semaphore, #tpu.memory_space<semaphore_mem>>) src(%dma_wait3A_242 : memref<4x2048xi32, #tpu.memory_space<hbm>>) dst(%arg9 : memref<4x2048xi32, #tpu.memory_space<vmem>>)
      %add3A_243 = arith.constant 1 : i32
      %add3A_244 = arith.addi %mul3A_151, %add3A_243 : i32
      %add3A_245 = arith.constant 2 : i32
      %add3A_246 = arith.addi %add3A_244, %add3A_245 : i32
      %min3A_247 = arith.constant 48 : i32
      %min3A_248 = arith.minsi %add3A_246, %min3A_247 : i32
      %dma_start3A_249 = arith.constant 0 : i32
      %dma_start3A_250 = tpu.memref_slice %arg2[%min3A_248, %mul3A_2, %dma_start3A_249] : memref<50x128x2048xf32, #tpu.memory_space<hbm>> -> memref<1x4x2048xf32, #tpu.memory_space<hbm>>
      %dma_start3A_251 = tpu.memref_squeeze %dma_start3A_250 : memref<1x4x2048xf32, #tpu.memory_space<hbm>> -> memref<4x2048xf32, #tpu.memory_space<hbm>>
      %dma_start3A_252 = arith.constant 0 : i32
      %dma_start3A_253 = tpu.memref_slice %arg2[%min3A_248, %mul3A_2, %dma_start3A_252] : memref<50x128x2048xf32, #tpu.memory_space<hbm>> -> memref<1x4x2048xf32, #tpu.memory_space<hbm>>
      %dma_start3A_254 = tpu.memref_squeeze %dma_start3A_253 : memref<1x4x2048xf32, #tpu.memory_space<hbm>> -> memref<4x2048xf32, #tpu.memory_space<hbm>>
      tpu.enqueue_dma source(%dma_start3A_254 : memref<4x2048xf32, #tpu.memory_space<hbm>>) target(%arg5 : memref<4x2048xf32, #tpu.memory_space<vmem>>) target_semaphore(%arg12 : memref<!tpu.dma_semaphore, #tpu.memory_space<semaphore_mem>>)
      %dma_start3A_255 = arith.constant 0 : i32
      %dma_start3A_256 = tpu.memref_slice %arg3[%min3A_248, %mul3A_2, %dma_start3A_255] : memref<49x128x2048xi32, #tpu.memory_space<hbm>> -> memref<1x4x2048xi32, #tpu.memory_space<hbm>>
      %dma_start3A_257 = tpu.memref_squeeze %dma_start3A_256 : memref<1x4x2048xi32, #tpu.memory_space<hbm>> -> memref<4x2048xi32, #tpu.memory_space<hbm>>
      %dma_start3A_258 = arith.constant 0 : i32
      %dma_start3A_259 = tpu.memref_slice %arg3[%min3A_248, %mul3A_2, %dma_start3A_258] : memref<49x128x2048xi32, #tpu.memory_space<hbm>> -> memref<1x4x2048xi32, #tpu.memory_space<hbm>>
      %dma_start3A_260 = tpu.memref_squeeze %dma_start3A_259 : memref<1x4x2048xi32, #tpu.memory_space<hbm>> -> memref<4x2048xi32, #tpu.memory_space<hbm>>
      tpu.enqueue_dma source(%dma_start3A_260 : memref<4x2048xi32, #tpu.memory_space<hbm>>) target(%arg8 : memref<4x2048xi32, #tpu.memory_space<vmem>>) target_semaphore(%arg12 : memref<!tpu.dma_semaphore, #tpu.memory_space<semaphore_mem>>)
      %broadcast_in_dim3A_261 = arith.constant 0.000000e+00 : f32
      %broadcast_in_dim3A_262 = vector.broadcast %broadcast_in_dim3A_261 : f32 to vector<16xf32>
      %broadcast_in_dim3A_263 = arith.constant 0 : i32
      %broadcast_in_dim3A_264 = vector.broadcast %broadcast_in_dim3A_263 : i32 to vector<16xi32>
      %scan3A_265 = arith.constant 0 : i32
      %scan3A_266 = arith.constant 32 : i32
      %scan3A_267 = arith.addi %scan3A_265, %scan3A_266 : i32
      %scan3A_268 = arith.constant 1 : i32
      %scan3A_269:4 = scf.for %scan3A_385 = %scan3A_265 to %scan3A_267 step %scan3A_268 iter_args(%scan3A_386 = %add3A_195, %scan3A_387 = %broadcast_in_dim3A_262, %scan3A_388 = %broadcast_in_dim3A_262, %scan3A_389 = %broadcast_in_dim3A_262) -> (vector<16xf32>, vector<16xf32>, vector<16xf32>, vector<16xf32>)  : i32 {
        %mul3A_390 = arith.constant 64 : i32
        %mul3A_391 = arith.muli %scan3A_385, %mul3A_390 : i32
        %add3A_392 = arith.constant 0 : i32
        %add3A_393 = arith.addi %mul3A_391, %add3A_392 : i32
        %multiple_of3A = tpu.assume_multiple %add3A_393, 16 : i32
        %get3A = arith.constant 0 : i32
        %get3A_394 = arith.index_cast %get3A : i32 to index
        %get3A_395 = arith.index_cast %multiple_of3A : i32 to index
        %get3A_396 = tpu.vector_load %arg9[%get3A_394, %get3A_395] {strides = array<i32>} : memref<4x2048xi32, #tpu.memory_space<vmem>>, vector<16xi32>,
        %gather3A = tpu.vector_load_idx %arg6[%broadcast_in_dim3A_264, %get3A_396] : memref<4x2048xf32, #tpu.memory_space<vmem>>[vector<16xi32>, vector<16xi32>], vector<16xf32>,
        %add3A_397 = arith.addf %scan3A_386, %gather3A : vector<16xf32>
        %add3A_398 = arith.constant 16 : i32
        %add3A_399 = arith.addi %mul3A_391, %add3A_398 : i32
        %multiple_of3A_400 = tpu.assume_multiple %add3A_399, 16 : i32
        %get3A_401 = arith.constant 0 : i32
        %get3A_402 = arith.index_cast %get3A_401 : i32 to index
        %get3A_403 = arith.index_cast %multiple_of3A_400 : i32 to index
        %get3A_404 = tpu.vector_load %arg9[%get3A_402, %get3A_403] {strides = array<i32>} : memref<4x2048xi32, #tpu.memory_space<vmem>>, vector<16xi32>,
        %gather3A_405 = tpu.vector_load_idx %arg6[%broadcast_in_dim3A_264, %get3A_404] : memref<4x2048xf32, #tpu.memory_space<vmem>>[vector<16xi32>, vector<16xi32>], vector<16xf32>,
        %add3A_406 = arith.addf %scan3A_387, %gather3A_405 : vector<16xf32>
        %add3A_407 = arith.constant 32 : i32
        %add3A_408 = arith.addi %mul3A_391, %add3A_407 : i32
        %multiple_of3A_409 = tpu.assume_multiple %add3A_408, 16 : i32
        %get3A_410 = arith.constant 0 : i32
        %get3A_411 = arith.index_cast %get3A_410 : i32 to index
        %get3A_412 = arith.index_cast %multiple_of3A_409 : i32 to index
        %get3A_413 = tpu.vector_load %arg9[%get3A_411, %get3A_412] {strides = array<i32>} : memref<4x2048xi32, #tpu.memory_space<vmem>>, vector<16xi32>,
        %gather3A_414 = tpu.vector_load_idx %arg6[%broadcast_in_dim3A_264, %get3A_413] : memref<4x2048xf32, #tpu.memory_space<vmem>>[vector<16xi32>, vector<16xi32>], vector<16xf32>,
        %add3A_415 = arith.addf %scan3A_388, %gather3A_414 : vector<16xf32>
        %add3A_416 = arith.constant 48 : i32
        %add3A_417 = arith.addi %mul3A_391, %add3A_416 : i32
        %multiple_of3A_418 = tpu.assume_multiple %add3A_417, 16 : i32
        %get3A_419 = arith.constant 0 : i32
        %get3A_420 = arith.index_cast %get3A_419 : i32 to index
        %get3A_421 = arith.index_cast %multiple_of3A_418 : i32 to index
        %get3A_422 = tpu.vector_load %arg9[%get3A_420, %get3A_421] {strides = array<i32>} : memref<4x2048xi32, #tpu.memory_space<vmem>>, vector<16xi32>,
        %gather3A_423 = tpu.vector_load_idx %arg6[%broadcast_in_dim3A_264, %get3A_422] : memref<4x2048xf32, #tpu.memory_space<vmem>>[vector<16xi32>, vector<16xi32>], vector<16xf32>,
        %add3A_424 = arith.addf %scan3A_389, %gather3A_423 : vector<16xf32>
        scf.yield %add3A_397, %add3A_406, %add3A_415, %add3A_424 : vector<16xf32>, vector<16xf32>, vector<16xf32>, vector<16xf32>
      }
      %scan3A_270 = arith.constant 32 : i32
      %add3A_271 = arith.addf %scan3A_269#0, %scan3A_269#1 : vector<16xf32>
      %add3A_272 = arith.addf %scan3A_269#2, %scan3A_269#3 : vector<16xf32>
      %add3A_273 = arith.addf %add3A_271, %add3A_272 : vector<16xf32>
      %broadcast_in_dim3A_274 = arith.constant 1 : i32
      %broadcast_in_dim3A_275 = vector.broadcast %broadcast_in_dim3A_274 : i32 to vector<16xi32>
      %scan3A_276 = arith.constant 0 : i32
      %scan3A_277 = arith.constant 32 : i32
      %scan3A_278 = arith.addi %scan3A_276, %scan3A_277 : i32
      %scan3A_279 = arith.constant 1 : i32
      %scan3A_280:4 = scf.for %scan3A_385 = %scan3A_276 to %scan3A_278 step %scan3A_279 iter_args(%scan3A_386 = %add3A_206, %scan3A_387 = %broadcast_in_dim3A_262, %scan3A_388 = %broadcast_in_dim3A_262, %scan3A_389 = %broadcast_in_dim3A_262) -> (vector<16xf32>, vector<16xf32>, vector<16xf32>, vector<16xf32>)  : i32 {
        %mul3A_390 = arith.constant 64 : i32
        %mul3A_391 = arith.muli %scan3A_385, %mul3A_390 : i32
        %add3A_392 = arith.constant 0 : i32
        %add3A_393 = arith.addi %mul3A_391, %add3A_392 : i32
        %multiple_of3A = tpu.assume_multiple %add3A_393, 16 : i32
        %get3A = arith.constant 1 : i32
        %get3A_394 = arith.index_cast %get3A : i32 to index
        %get3A_395 = arith.index_cast %multiple_of3A : i32 to index
        %get3A_396 = tpu.vector_load %arg9[%get3A_394, %get3A_395] {strides = array<i32>} : memref<4x2048xi32, #tpu.memory_space<vmem>>, vector<16xi32>,
        %gather3A = tpu.vector_load_idx %arg6[%broadcast_in_dim3A_275, %get3A_396] : memref<4x2048xf32, #tpu.memory_space<vmem>>[vector<16xi32>, vector<16xi32>], vector<16xf32>,
        %add3A_397 = arith.addf %scan3A_386, %gather3A : vector<16xf32>
        %add3A_398 = arith.constant 16 : i32
        %add3A_399 = arith.addi %mul3A_391, %add3A_398 : i32
        %multiple_of3A_400 = tpu.assume_multiple %add3A_399, 16 : i32
        %get3A_401 = arith.constant 1 : i32
        %get3A_402 = arith.index_cast %get3A_401 : i32 to index
        %get3A_403 = arith.index_cast %multiple_of3A_400 : i32 to index
        %get3A_404 = tpu.vector_load %arg9[%get3A_402, %get3A_403] {strides = array<i32>} : memref<4x2048xi32, #tpu.memory_space<vmem>>, vector<16xi32>,
        %gather3A_405 = tpu.vector_load_idx %arg6[%broadcast_in_dim3A_275, %get3A_404] : memref<4x2048xf32, #tpu.memory_space<vmem>>[vector<16xi32>, vector<16xi32>], vector<16xf32>,
        %add3A_406 = arith.addf %scan3A_387, %gather3A_405 : vector<16xf32>
        %add3A_407 = arith.constant 32 : i32
        %add3A_408 = arith.addi %mul3A_391, %add3A_407 : i32
        %multiple_of3A_409 = tpu.assume_multiple %add3A_408, 16 : i32
        %get3A_410 = arith.constant 1 : i32
        %get3A_411 = arith.index_cast %get3A_410 : i32 to index
        %get3A_412 = arith.index_cast %multiple_of3A_409 : i32 to index
        %get3A_413 = tpu.vector_load %arg9[%get3A_411, %get3A_412] {strides = array<i32>} : memref<4x2048xi32, #tpu.memory_space<vmem>>, vector<16xi32>,
        %gather3A_414 = tpu.vector_load_idx %arg6[%broadcast_in_dim3A_275, %get3A_413] : memref<4x2048xf32, #tpu.memory_space<vmem>>[vector<16xi32>, vector<16xi32>], vector<16xf32>,
        %add3A_415 = arith.addf %scan3A_388, %gather3A_414 : vector<16xf32>
        %add3A_416 = arith.constant 48 : i32
        %add3A_417 = arith.addi %mul3A_391, %add3A_416 : i32
        %multiple_of3A_418 = tpu.assume_multiple %add3A_417, 16 : i32
        %get3A_419 = arith.constant 1 : i32
        %get3A_420 = arith.index_cast %get3A_419 : i32 to index
        %get3A_421 = arith.index_cast %multiple_of3A_418 : i32 to index
        %get3A_422 = tpu.vector_load %arg9[%get3A_420, %get3A_421] {strides = array<i32>} : memref<4x2048xi32, #tpu.memory_space<vmem>>, vector<16xi32>,
        %gather3A_423 = tpu.vector_load_idx %arg6[%broadcast_in_dim3A_275, %get3A_422] : memref<4x2048xf32, #tpu.memory_space<vmem>>[vector<16xi32>, vector<16xi32>], vector<16xf32>,
        %add3A_424 = arith.addf %scan3A_389, %gather3A_423 : vector<16xf32>
        scf.yield %add3A_397, %add3A_406, %add3A_415, %add3A_424 : vector<16xf32>, vector<16xf32>, vector<16xf32>, vector<16xf32>
      }
      %scan3A_281 = arith.constant 32 : i32
      %add3A_282 = arith.addf %scan3A_280#0, %scan3A_280#1 : vector<16xf32>
      %add3A_283 = arith.addf %scan3A_280#2, %scan3A_280#3 : vector<16xf32>
      %add3A_284 = arith.addf %add3A_282, %add3A_283 : vector<16xf32>
      %broadcast_in_dim3A_285 = arith.constant 2 : i32
      %broadcast_in_dim3A_286 = vector.broadcast %broadcast_in_dim3A_285 : i32 to vector<16xi32>
      %scan3A_287 = arith.constant 0 : i32
      %scan3A_288 = arith.constant 32 : i32
      %scan3A_289 = arith.addi %scan3A_287, %scan3A_288 : i32
      %scan3A_290 = arith.constant 1 : i32
      %scan3A_291:4 = scf.for %scan3A_385 = %scan3A_287 to %scan3A_289 step %scan3A_290 iter_args(%scan3A_386 = %add3A_217, %scan3A_387 = %broadcast_in_dim3A_262, %scan3A_388 = %broadcast_in_dim3A_262, %scan3A_389 = %broadcast_in_dim3A_262) -> (vector<16xf32>, vector<16xf32>, vector<16xf32>, vector<16xf32>)  : i32 {
        %mul3A_390 = arith.constant 64 : i32
        %mul3A_391 = arith.muli %scan3A_385, %mul3A_390 : i32
        %add3A_392 = arith.constant 0 : i32
        %add3A_393 = arith.addi %mul3A_391, %add3A_392 : i32
        %multiple_of3A = tpu.assume_multiple %add3A_393, 16 : i32
        %get3A = arith.constant 2 : i32
        %get3A_394 = arith.index_cast %get3A : i32 to index
        %get3A_395 = arith.index_cast %multiple_of3A : i32 to index
        %get3A_396 = tpu.vector_load %arg9[%get3A_394, %get3A_395] {strides = array<i32>} : memref<4x2048xi32, #tpu.memory_space<vmem>>, vector<16xi32>,
        %gather3A = tpu.vector_load_idx %arg6[%broadcast_in_dim3A_286, %get3A_396] : memref<4x2048xf32, #tpu.memory_space<vmem>>[vector<16xi32>, vector<16xi32>], vector<16xf32>,
        %add3A_397 = arith.addf %scan3A_386, %gather3A : vector<16xf32>
        %add3A_398 = arith.constant 16 : i32
        %add3A_399 = arith.addi %mul3A_391, %add3A_398 : i32
        %multiple_of3A_400 = tpu.assume_multiple %add3A_399, 16 : i32
        %get3A_401 = arith.constant 2 : i32
        %get3A_402 = arith.index_cast %get3A_401 : i32 to index
        %get3A_403 = arith.index_cast %multiple_of3A_400 : i32 to index
        %get3A_404 = tpu.vector_load %arg9[%get3A_402, %get3A_403] {strides = array<i32>} : memref<4x2048xi32, #tpu.memory_space<vmem>>, vector<16xi32>,
        %gather3A_405 = tpu.vector_load_idx %arg6[%broadcast_in_dim3A_286, %get3A_404] : memref<4x2048xf32, #tpu.memory_space<vmem>>[vector<16xi32>, vector<16xi32>], vector<16xf32>,
        %add3A_406 = arith.addf %scan3A_387, %gather3A_405 : vector<16xf32>
        %add3A_407 = arith.constant 32 : i32
        %add3A_408 = arith.addi %mul3A_391, %add3A_407 : i32
        %multiple_of3A_409 = tpu.assume_multiple %add3A_408, 16 : i32
        %get3A_410 = arith.constant 2 : i32
        %get3A_411 = arith.index_cast %get3A_410 : i32 to index
        %get3A_412 = arith.index_cast %multiple_of3A_409 : i32 to index
        %get3A_413 = tpu.vector_load %arg9[%get3A_411, %get3A_412] {strides = array<i32>} : memref<4x2048xi32, #tpu.memory_space<vmem>>, vector<16xi32>,
        %gather3A_414 = tpu.vector_load_idx %arg6[%broadcast_in_dim3A_286, %get3A_413] : memref<4x2048xf32, #tpu.memory_space<vmem>>[vector<16xi32>, vector<16xi32>], vector<16xf32>,
        %add3A_415 = arith.addf %scan3A_388, %gather3A_414 : vector<16xf32>
        %add3A_416 = arith.constant 48 : i32
        %add3A_417 = arith.addi %mul3A_391, %add3A_416 : i32
        %multiple_of3A_418 = tpu.assume_multiple %add3A_417, 16 : i32
        %get3A_419 = arith.constant 2 : i32
        %get3A_420 = arith.index_cast %get3A_419 : i32 to index
        %get3A_421 = arith.index_cast %multiple_of3A_418 : i32 to index
        %get3A_422 = tpu.vector_load %arg9[%get3A_420, %get3A_421] {strides = array<i32>} : memref<4x2048xi32, #tpu.memory_space<vmem>>, vector<16xi32>,
        %gather3A_423 = tpu.vector_load_idx %arg6[%broadcast_in_dim3A_286, %get3A_422] : memref<4x2048xf32, #tpu.memory_space<vmem>>[vector<16xi32>, vector<16xi32>], vector<16xf32>,
        %add3A_424 = arith.addf %scan3A_389, %gather3A_423 : vector<16xf32>
        scf.yield %add3A_397, %add3A_406, %add3A_415, %add3A_424 : vector<16xf32>, vector<16xf32>, vector<16xf32>, vector<16xf32>
      }
      %scan3A_292 = arith.constant 32 : i32
      %add3A_293 = arith.addf %scan3A_291#0, %scan3A_291#1 : vector<16xf32>
      %add3A_294 = arith.addf %scan3A_291#2, %scan3A_291#3 : vector<16xf32>
      %add3A_295 = arith.addf %add3A_293, %add3A_294 : vector<16xf32>
      %broadcast_in_dim3A_296 = arith.constant 3 : i32
      %broadcast_in_dim3A_297 = vector.broadcast %broadcast_in_dim3A_296 : i32 to vector<16xi32>
      %scan3A_298 = arith.constant 0 : i32
      %scan3A_299 = arith.constant 32 : i32
      %scan3A_300 = arith.addi %scan3A_298, %scan3A_299 : i32
      %scan3A_301 = arith.constant 1 : i32
      %scan3A_302:4 = scf.for %scan3A_385 = %scan3A_298 to %scan3A_300 step %scan3A_301 iter_args(%scan3A_386 = %add3A_228, %scan3A_387 = %broadcast_in_dim3A_262, %scan3A_388 = %broadcast_in_dim3A_262, %scan3A_389 = %broadcast_in_dim3A_262) -> (vector<16xf32>, vector<16xf32>, vector<16xf32>, vector<16xf32>)  : i32 {
        %mul3A_390 = arith.constant 64 : i32
        %mul3A_391 = arith.muli %scan3A_385, %mul3A_390 : i32
        %add3A_392 = arith.constant 0 : i32
        %add3A_393 = arith.addi %mul3A_391, %add3A_392 : i32
        %multiple_of3A = tpu.assume_multiple %add3A_393, 16 : i32
        %get3A = arith.constant 3 : i32
        %get3A_394 = arith.index_cast %get3A : i32 to index
        %get3A_395 = arith.index_cast %multiple_of3A : i32 to index
        %get3A_396 = tpu.vector_load %arg9[%get3A_394, %get3A_395] {strides = array<i32>} : memref<4x2048xi32, #tpu.memory_space<vmem>>, vector<16xi32>,
        %gather3A = tpu.vector_load_idx %arg6[%broadcast_in_dim3A_297, %get3A_396] : memref<4x2048xf32, #tpu.memory_space<vmem>>[vector<16xi32>, vector<16xi32>], vector<16xf32>,
        %add3A_397 = arith.addf %scan3A_386, %gather3A : vector<16xf32>
        %add3A_398 = arith.constant 16 : i32
        %add3A_399 = arith.addi %mul3A_391, %add3A_398 : i32
        %multiple_of3A_400 = tpu.assume_multiple %add3A_399, 16 : i32
        %get3A_401 = arith.constant 3 : i32
        %get3A_402 = arith.index_cast %get3A_401 : i32 to index
        %get3A_403 = arith.index_cast %multiple_of3A_400 : i32 to index
        %get3A_404 = tpu.vector_load %arg9[%get3A_402, %get3A_403] {strides = array<i32>} : memref<4x2048xi32, #tpu.memory_space<vmem>>, vector<16xi32>,
        %gather3A_405 = tpu.vector_load_idx %arg6[%broadcast_in_dim3A_297, %get3A_404] : memref<4x2048xf32, #tpu.memory_space<vmem>>[vector<16xi32>, vector<16xi32>], vector<16xf32>,
        %add3A_406 = arith.addf %scan3A_387, %gather3A_405 : vector<16xf32>
        %add3A_407 = arith.constant 32 : i32
        %add3A_408 = arith.addi %mul3A_391, %add3A_407 : i32
        %multiple_of3A_409 = tpu.assume_multiple %add3A_408, 16 : i32
        %get3A_410 = arith.constant 3 : i32
        %get3A_411 = arith.index_cast %get3A_410 : i32 to index
        %get3A_412 = arith.index_cast %multiple_of3A_409 : i32 to index
        %get3A_413 = tpu.vector_load %arg9[%get3A_411, %get3A_412] {strides = array<i32>} : memref<4x2048xi32, #tpu.memory_space<vmem>>, vector<16xi32>,
        %gather3A_414 = tpu.vector_load_idx %arg6[%broadcast_in_dim3A_297, %get3A_413] : memref<4x2048xf32, #tpu.memory_space<vmem>>[vector<16xi32>, vector<16xi32>], vector<16xf32>,
        %add3A_415 = arith.addf %scan3A_388, %gather3A_414 : vector<16xf32>
        %add3A_416 = arith.constant 48 : i32
        %add3A_417 = arith.addi %mul3A_391, %add3A_416 : i32
        %multiple_of3A_418 = tpu.assume_multiple %add3A_417, 16 : i32
        %get3A_419 = arith.constant 3 : i32
        %get3A_420 = arith.index_cast %get3A_419 : i32 to index
        %get3A_421 = arith.index_cast %multiple_of3A_418 : i32 to index
        %get3A_422 = tpu.vector_load %arg9[%get3A_420, %get3A_421] {strides = array<i32>} : memref<4x2048xi32, #tpu.memory_space<vmem>>, vector<16xi32>,
        %gather3A_423 = tpu.vector_load_idx %arg6[%broadcast_in_dim3A_297, %get3A_422] : memref<4x2048xf32, #tpu.memory_space<vmem>>[vector<16xi32>, vector<16xi32>], vector<16xf32>,
        %add3A_424 = arith.addf %scan3A_389, %gather3A_423 : vector<16xf32>
        scf.yield %add3A_397, %add3A_406, %add3A_415, %add3A_424 : vector<16xf32>, vector<16xf32>, vector<16xf32>, vector<16xf32>
      }
      %scan3A_303 = arith.constant 32 : i32
      %add3A_304 = arith.addf %scan3A_302#0, %scan3A_302#1 : vector<16xf32>
      %add3A_305 = arith.addf %scan3A_302#2, %scan3A_302#3 : vector<16xf32>
      %add3A_306 = arith.addf %add3A_304, %add3A_305 : vector<16xf32>
      %add3A_307 = arith.constant 2 : i32
      %add3A_308 = arith.addi %mul3A_151, %add3A_307 : i32
      %dma_wait3A_309 = arith.constant 0 : i32
      %dma_wait3A_310 = tpu.memref_slice %arg2[%add3A_308, %mul3A_2, %dma_wait3A_309] : memref<50x128x2048xf32, #tpu.memory_space<hbm>> -> memref<1x4x2048xf32, #tpu.memory_space<hbm>>
      %dma_wait3A_311 = tpu.memref_squeeze %dma_wait3A_310 : memref<1x4x2048xf32, #tpu.memory_space<hbm>> -> memref<4x2048xf32, #tpu.memory_space<hbm>>
      %dma_wait3A_312 = arith.constant 0 : i32
      %dma_wait3A_313 = tpu.memref_slice %arg2[%add3A_308, %mul3A_2, %dma_wait3A_312] : memref<50x128x2048xf32, #tpu.memory_space<hbm>> -> memref<1x4x2048xf32, #tpu.memory_space<hbm>>
      %dma_wait3A_314 = tpu.memref_squeeze %dma_wait3A_313 : memref<1x4x2048xf32, #tpu.memory_space<hbm>> -> memref<4x2048xf32, #tpu.memory_space<hbm>>
      tpu.wait_dma2 semaphore(%arg14 : memref<!tpu.dma_semaphore, #tpu.memory_space<semaphore_mem>>) src(%dma_wait3A_314 : memref<4x2048xf32, #tpu.memory_space<hbm>>) dst(%arg7 : memref<4x2048xf32, #tpu.memory_space<vmem>>)
      %dma_wait3A_315 = arith.constant 0 : i32
      %dma_wait3A_316 = tpu.memref_slice %arg3[%add3A_308, %mul3A_2, %dma_wait3A_315] : memref<49x128x2048xi32, #tpu.memory_space<hbm>> -> memref<1x4x2048xi32, #tpu.memory_space<hbm>>
      %dma_wait3A_317 = tpu.memref_squeeze %dma_wait3A_316 : memref<1x4x2048xi32, #tpu.memory_space<hbm>> -> memref<4x2048xi32, #tpu.memory_space<hbm>>
      %dma_wait3A_318 = arith.constant 0 : i32
      %dma_wait3A_319 = tpu.memref_slice %arg3[%add3A_308, %mul3A_2, %dma_wait3A_318] : memref<49x128x2048xi32, #tpu.memory_space<hbm>> -> memref<1x4x2048xi32, #tpu.memory_space<hbm>>
      %dma_wait3A_320 = tpu.memref_squeeze %dma_wait3A_319 : memref<1x4x2048xi32, #tpu.memory_space<hbm>> -> memref<4x2048xi32, #tpu.memory_space<hbm>>
      tpu.wait_dma2 semaphore(%arg14 : memref<!tpu.dma_semaphore, #tpu.memory_space<semaphore_mem>>) src(%dma_wait3A_320 : memref<4x2048xi32, #tpu.memory_space<hbm>>) dst(%arg10 : memref<4x2048xi32, #tpu.memory_space<vmem>>)
      %add3A_321 = arith.constant 2 : i32
      %add3A_322 = arith.addi %mul3A_151, %add3A_321 : i32
      %add3A_323 = arith.constant 2 : i32
      %add3A_324 = arith.addi %add3A_322, %add3A_323 : i32
      %min3A_325 = arith.constant 48 : i32
      %min3A_326 = arith.minsi %add3A_324, %min3A_325 : i32
      %dma_start3A_327 = arith.constant 0 : i32
      %dma_start3A_328 = tpu.memref_slice %arg2[%min3A_326, %mul3A_2, %dma_start3A_327] : memref<50x128x2048xf32, #tpu.memory_space<hbm>> -> memref<1x4x2048xf32, #tpu.memory_space<hbm>>
      %dma_start3A_329 = tpu.memref_squeeze %dma_start3A_328 : memref<1x4x2048xf32, #tpu.memory_space<hbm>> -> memref<4x2048xf32, #tpu.memory_space<hbm>>
      %dma_start3A_330 = arith.constant 0 : i32
      %dma_start3A_331 = tpu.memref_slice %arg2[%min3A_326, %mul3A_2, %dma_start3A_330] : memref<50x128x2048xf32, #tpu.memory_space<hbm>> -> memref<1x4x2048xf32, #tpu.memory_space<hbm>>
      %dma_start3A_332 = tpu.memref_squeeze %dma_start3A_331 : memref<1x4x2048xf32, #tpu.memory_space<hbm>> -> memref<4x2048xf32, #tpu.memory_space<hbm>>
      tpu.enqueue_dma source(%dma_start3A_332 : memref<4x2048xf32, #tpu.memory_space<hbm>>) target(%arg6 : memref<4x2048xf32, #tpu.memory_space<vmem>>) target_semaphore(%arg13 : memref<!tpu.dma_semaphore, #tpu.memory_space<semaphore_mem>>)
      %dma_start3A_333 = arith.constant 0 : i32
      %dma_start3A_334 = tpu.memref_slice %arg3[%min3A_326, %mul3A_2, %dma_start3A_333] : memref<49x128x2048xi32, #tpu.memory_space<hbm>> -> memref<1x4x2048xi32, #tpu.memory_space<hbm>>
      %dma_start3A_335 = tpu.memref_squeeze %dma_start3A_334 : memref<1x4x2048xi32, #tpu.memory_space<hbm>> -> memref<4x2048xi32, #tpu.memory_space<hbm>>
      %dma_start3A_336 = arith.constant 0 : i32
      %dma_start3A_337 = tpu.memref_slice %arg3[%min3A_326, %mul3A_2, %dma_start3A_336] : memref<49x128x2048xi32, #tpu.memory_space<hbm>> -> memref<1x4x2048xi32, #tpu.memory_space<hbm>>
      %dma_start3A_338 = tpu.memref_squeeze %dma_start3A_337 : memref<1x4x2048xi32, #tpu.memory_space<hbm>> -> memref<4x2048xi32, #tpu.memory_space<hbm>>
      tpu.enqueue_dma source(%dma_start3A_338 : memref<4x2048xi32, #tpu.memory_space<hbm>>) target(%arg9 : memref<4x2048xi32, #tpu.memory_space<vmem>>) target_semaphore(%arg13 : memref<!tpu.dma_semaphore, #tpu.memory_space<semaphore_mem>>)
      %broadcast_in_dim3A_339 = arith.constant 0.000000e+00 : f32
      %broadcast_in_dim3A_340 = vector.broadcast %broadcast_in_dim3A_339 : f32 to vector<16xf32>
      %broadcast_in_dim3A_341 = arith.constant 0 : i32
      %broadcast_in_dim3A_342 = vector.broadcast %broadcast_in_dim3A_341 : i32 to vector<16xi32>
      %scan3A_343 = arith.constant 0 : i32
      %scan3A_344 = arith.constant 32 : i32
      %scan3A_345 = arith.addi %scan3A_343, %scan3A_344 : i32
      %scan3A_346 = arith.constant 1 : i32
      %scan3A_347:4 = scf.for %scan3A_385 = %scan3A_343 to %scan3A_345 step %scan3A_346 iter_args(%scan3A_386 = %add3A_273, %scan3A_387 = %broadcast_in_dim3A_340, %scan3A_388 = %broadcast_in_dim3A_340, %scan3A_389 = %broadcast_in_dim3A_340) -> (vector<16xf32>, vector<16xf32>, vector<16xf32>, vector<16xf32>)  : i32 {
        %mul3A_390 = arith.constant 64 : i32
        %mul3A_391 = arith.muli %scan3A_385, %mul3A_390 : i32
        %add3A_392 = arith.constant 0 : i32
        %add3A_393 = arith.addi %mul3A_391, %add3A_392 : i32
        %multiple_of3A = tpu.assume_multiple %add3A_393, 16 : i32
        %get3A = arith.constant 0 : i32
        %get3A_394 = arith.index_cast %get3A : i32 to index
        %get3A_395 = arith.index_cast %multiple_of3A : i32 to index
        %get3A_396 = tpu.vector_load %arg10[%get3A_394, %get3A_395] {strides = array<i32>} : memref<4x2048xi32, #tpu.memory_space<vmem>>, vector<16xi32>,
        %gather3A = tpu.vector_load_idx %arg7[%broadcast_in_dim3A_342, %get3A_396] : memref<4x2048xf32, #tpu.memory_space<vmem>>[vector<16xi32>, vector<16xi32>], vector<16xf32>,
        %add3A_397 = arith.addf %scan3A_386, %gather3A : vector<16xf32>
        %add3A_398 = arith.constant 16 : i32
        %add3A_399 = arith.addi %mul3A_391, %add3A_398 : i32
        %multiple_of3A_400 = tpu.assume_multiple %add3A_399, 16 : i32
        %get3A_401 = arith.constant 0 : i32
        %get3A_402 = arith.index_cast %get3A_401 : i32 to index
        %get3A_403 = arith.index_cast %multiple_of3A_400 : i32 to index
        %get3A_404 = tpu.vector_load %arg10[%get3A_402, %get3A_403] {strides = array<i32>} : memref<4x2048xi32, #tpu.memory_space<vmem>>, vector<16xi32>,
        %gather3A_405 = tpu.vector_load_idx %arg7[%broadcast_in_dim3A_342, %get3A_404] : memref<4x2048xf32, #tpu.memory_space<vmem>>[vector<16xi32>, vector<16xi32>], vector<16xf32>,
        %add3A_406 = arith.addf %scan3A_387, %gather3A_405 : vector<16xf32>
        %add3A_407 = arith.constant 32 : i32
        %add3A_408 = arith.addi %mul3A_391, %add3A_407 : i32
        %multiple_of3A_409 = tpu.assume_multiple %add3A_408, 16 : i32
        %get3A_410 = arith.constant 0 : i32
        %get3A_411 = arith.index_cast %get3A_410 : i32 to index
        %get3A_412 = arith.index_cast %multiple_of3A_409 : i32 to index
        %get3A_413 = tpu.vector_load %arg10[%get3A_411, %get3A_412] {strides = array<i32>} : memref<4x2048xi32, #tpu.memory_space<vmem>>, vector<16xi32>,
        %gather3A_414 = tpu.vector_load_idx %arg7[%broadcast_in_dim3A_342, %get3A_413] : memref<4x2048xf32, #tpu.memory_space<vmem>>[vector<16xi32>, vector<16xi32>], vector<16xf32>,
        %add3A_415 = arith.addf %scan3A_388, %gather3A_414 : vector<16xf32>
        %add3A_416 = arith.constant 48 : i32
        %add3A_417 = arith.addi %mul3A_391, %add3A_416 : i32
        %multiple_of3A_418 = tpu.assume_multiple %add3A_417, 16 : i32
        %get3A_419 = arith.constant 0 : i32
        %get3A_420 = arith.index_cast %get3A_419 : i32 to index
        %get3A_421 = arith.index_cast %multiple_of3A_418 : i32 to index
        %get3A_422 = tpu.vector_load %arg10[%get3A_420, %get3A_421] {strides = array<i32>} : memref<4x2048xi32, #tpu.memory_space<vmem>>, vector<16xi32>,
        %gather3A_423 = tpu.vector_load_idx %arg7[%broadcast_in_dim3A_342, %get3A_422] : memref<4x2048xf32, #tpu.memory_space<vmem>>[vector<16xi32>, vector<16xi32>], vector<16xf32>,
        %add3A_424 = arith.addf %scan3A_389, %gather3A_423 : vector<16xf32>
        scf.yield %add3A_397, %add3A_406, %add3A_415, %add3A_424 : vector<16xf32>, vector<16xf32>, vector<16xf32>, vector<16xf32>
      }
      %scan3A_348 = arith.constant 32 : i32
      %add3A_349 = arith.addf %scan3A_347#0, %scan3A_347#1 : vector<16xf32>
      %add3A_350 = arith.addf %scan3A_347#2, %scan3A_347#3 : vector<16xf32>
      %add3A_351 = arith.addf %add3A_349, %add3A_350 : vector<16xf32>
      %broadcast_in_dim3A_352 = arith.constant 1 : i32
      %broadcast_in_dim3A_353 = vector.broadcast %broadcast_in_dim3A_352 : i32 to vector<16xi32>
      %scan3A_354 = arith.constant 0 : i32
      %scan3A_355 = arith.constant 32 : i32
      %scan3A_356 = arith.addi %scan3A_354, %scan3A_355 : i32
      %scan3A_357 = arith.constant 1 : i32
      %scan3A_358:4 = scf.for %scan3A_385 = %scan3A_354 to %scan3A_356 step %scan3A_357 iter_args(%scan3A_386 = %add3A_284, %scan3A_387 = %broadcast_in_dim3A_340, %scan3A_388 = %broadcast_in_dim3A_340, %scan3A_389 = %broadcast_in_dim3A_340) -> (vector<16xf32>, vector<16xf32>, vector<16xf32>, vector<16xf32>)  : i32 {
        %mul3A_390 = arith.constant 64 : i32
        %mul3A_391 = arith.muli %scan3A_385, %mul3A_390 : i32
        %add3A_392 = arith.constant 0 : i32
        %add3A_393 = arith.addi %mul3A_391, %add3A_392 : i32
        %multiple_of3A = tpu.assume_multiple %add3A_393, 16 : i32
        %get3A = arith.constant 1 : i32
        %get3A_394 = arith.index_cast %get3A : i32 to index
        %get3A_395 = arith.index_cast %multiple_of3A : i32 to index
        %get3A_396 = tpu.vector_load %arg10[%get3A_394, %get3A_395] {strides = array<i32>} : memref<4x2048xi32, #tpu.memory_space<vmem>>, vector<16xi32>,
        %gather3A = tpu.vector_load_idx %arg7[%broadcast_in_dim3A_353, %get3A_396] : memref<4x2048xf32, #tpu.memory_space<vmem>>[vector<16xi32>, vector<16xi32>], vector<16xf32>,
        %add3A_397 = arith.addf %scan3A_386, %gather3A : vector<16xf32>
        %add3A_398 = arith.constant 16 : i32
        %add3A_399 = arith.addi %mul3A_391, %add3A_398 : i32
        %multiple_of3A_400 = tpu.assume_multiple %add3A_399, 16 : i32
        %get3A_401 = arith.constant 1 : i32
        %get3A_402 = arith.index_cast %get3A_401 : i32 to index
        %get3A_403 = arith.index_cast %multiple_of3A_400 : i32 to index
        %get3A_404 = tpu.vector_load %arg10[%get3A_402, %get3A_403] {strides = array<i32>} : memref<4x2048xi32, #tpu.memory_space<vmem>>, vector<16xi32>,
        %gather3A_405 = tpu.vector_load_idx %arg7[%broadcast_in_dim3A_353, %get3A_404] : memref<4x2048xf32, #tpu.memory_space<vmem>>[vector<16xi32>, vector<16xi32>], vector<16xf32>,
        %add3A_406 = arith.addf %scan3A_387, %gather3A_405 : vector<16xf32>
        %add3A_407 = arith.constant 32 : i32
        %add3A_408 = arith.addi %mul3A_391, %add3A_407 : i32
        %multiple_of3A_409 = tpu.assume_multiple %add3A_408, 16 : i32
        %get3A_410 = arith.constant 1 : i32
        %get3A_411 = arith.index_cast %get3A_410 : i32 to index
        %get3A_412 = arith.index_cast %multiple_of3A_409 : i32 to index
        %get3A_413 = tpu.vector_load %arg10[%get3A_411, %get3A_412] {strides = array<i32>} : memref<4x2048xi32, #tpu.memory_space<vmem>>, vector<16xi32>,
        %gather3A_414 = tpu.vector_load_idx %arg7[%broadcast_in_dim3A_353, %get3A_413] : memref<4x2048xf32, #tpu.memory_space<vmem>>[vector<16xi32>, vector<16xi32>], vector<16xf32>,
        %add3A_415 = arith.addf %scan3A_388, %gather3A_414 : vector<16xf32>
        %add3A_416 = arith.constant 48 : i32
        %add3A_417 = arith.addi %mul3A_391, %add3A_416 : i32
        %multiple_of3A_418 = tpu.assume_multiple %add3A_417, 16 : i32
        %get3A_419 = arith.constant 1 : i32
        %get3A_420 = arith.index_cast %get3A_419 : i32 to index
        %get3A_421 = arith.index_cast %multiple_of3A_418 : i32 to index
        %get3A_422 = tpu.vector_load %arg10[%get3A_420, %get3A_421] {strides = array<i32>} : memref<4x2048xi32, #tpu.memory_space<vmem>>, vector<16xi32>,
        %gather3A_423 = tpu.vector_load_idx %arg7[%broadcast_in_dim3A_353, %get3A_422] : memref<4x2048xf32, #tpu.memory_space<vmem>>[vector<16xi32>, vector<16xi32>], vector<16xf32>,
        %add3A_424 = arith.addf %scan3A_389, %gather3A_423 : vector<16xf32>
        scf.yield %add3A_397, %add3A_406, %add3A_415, %add3A_424 : vector<16xf32>, vector<16xf32>, vector<16xf32>, vector<16xf32>
      }
      %scan3A_359 = arith.constant 32 : i32
      %add3A_360 = arith.addf %scan3A_358#0, %scan3A_358#1 : vector<16xf32>
      %add3A_361 = arith.addf %scan3A_358#2, %scan3A_358#3 : vector<16xf32>
      %add3A_362 = arith.addf %add3A_360, %add3A_361 : vector<16xf32>
      %broadcast_in_dim3A_363 = arith.constant 2 : i32
      %broadcast_in_dim3A_364 = vector.broadcast %broadcast_in_dim3A_363 : i32 to vector<16xi32>
      %scan3A_365 = arith.constant 0 : i32
      %scan3A_366 = arith.constant 32 : i32
      %scan3A_367 = arith.addi %scan3A_365, %scan3A_366 : i32
      %scan3A_368 = arith.constant 1 : i32
      %scan3A_369:4 = scf.for %scan3A_385 = %scan3A_365 to %scan3A_367 step %scan3A_368 iter_args(%scan3A_386 = %add3A_295, %scan3A_387 = %broadcast_in_dim3A_340, %scan3A_388 = %broadcast_in_dim3A_340, %scan3A_389 = %broadcast_in_dim3A_340) -> (vector<16xf32>, vector<16xf32>, vector<16xf32>, vector<16xf32>)  : i32 {
        %mul3A_390 = arith.constant 64 : i32
        %mul3A_391 = arith.muli %scan3A_385, %mul3A_390 : i32
        %add3A_392 = arith.constant 0 : i32
        %add3A_393 = arith.addi %mul3A_391, %add3A_392 : i32
        %multiple_of3A = tpu.assume_multiple %add3A_393, 16 : i32
        %get3A = arith.constant 2 : i32
        %get3A_394 = arith.index_cast %get3A : i32 to index
        %get3A_395 = arith.index_cast %multiple_of3A : i32 to index
        %get3A_396 = tpu.vector_load %arg10[%get3A_394, %get3A_395] {strides = array<i32>} : memref<4x2048xi32, #tpu.memory_space<vmem>>, vector<16xi32>,
        %gather3A = tpu.vector_load_idx %arg7[%broadcast_in_dim3A_364, %get3A_396] : memref<4x2048xf32, #tpu.memory_space<vmem>>[vector<16xi32>, vector<16xi32>], vector<16xf32>,
        %add3A_397 = arith.addf %scan3A_386, %gather3A : vector<16xf32>
        %add3A_398 = arith.constant 16 : i32
        %add3A_399 = arith.addi %mul3A_391, %add3A_398 : i32
        %multiple_of3A_400 = tpu.assume_multiple %add3A_399, 16 : i32
        %get3A_401 = arith.constant 2 : i32
        %get3A_402 = arith.index_cast %get3A_401 : i32 to index
        %get3A_403 = arith.index_cast %multiple_of3A_400 : i32 to index
        %get3A_404 = tpu.vector_load %arg10[%get3A_402, %get3A_403] {strides = array<i32>} : memref<4x2048xi32, #tpu.memory_space<vmem>>, vector<16xi32>,
        %gather3A_405 = tpu.vector_load_idx %arg7[%broadcast_in_dim3A_364, %get3A_404] : memref<4x2048xf32, #tpu.memory_space<vmem>>[vector<16xi32>, vector<16xi32>], vector<16xf32>,
        %add3A_406 = arith.addf %scan3A_387, %gather3A_405 : vector<16xf32>
        %add3A_407 = arith.constant 32 : i32
        %add3A_408 = arith.addi %mul3A_391, %add3A_407 : i32
        %multiple_of3A_409 = tpu.assume_multiple %add3A_408, 16 : i32
        %get3A_410 = arith.constant 2 : i32
        %get3A_411 = arith.index_cast %get3A_410 : i32 to index
        %get3A_412 = arith.index_cast %multiple_of3A_409 : i32 to index
        %get3A_413 = tpu.vector_load %arg10[%get3A_411, %get3A_412] {strides = array<i32>} : memref<4x2048xi32, #tpu.memory_space<vmem>>, vector<16xi32>,
        %gather3A_414 = tpu.vector_load_idx %arg7[%broadcast_in_dim3A_364, %get3A_413] : memref<4x2048xf32, #tpu.memory_space<vmem>>[vector<16xi32>, vector<16xi32>], vector<16xf32>,
        %add3A_415 = arith.addf %scan3A_388, %gather3A_414 : vector<16xf32>
        %add3A_416 = arith.constant 48 : i32
        %add3A_417 = arith.addi %mul3A_391, %add3A_416 : i32
        %multiple_of3A_418 = tpu.assume_multiple %add3A_417, 16 : i32
        %get3A_419 = arith.constant 2 : i32
        %get3A_420 = arith.index_cast %get3A_419 : i32 to index
        %get3A_421 = arith.index_cast %multiple_of3A_418 : i32 to index
        %get3A_422 = tpu.vector_load %arg10[%get3A_420, %get3A_421] {strides = array<i32>} : memref<4x2048xi32, #tpu.memory_space<vmem>>, vector<16xi32>,
        %gather3A_423 = tpu.vector_load_idx %arg7[%broadcast_in_dim3A_364, %get3A_422] : memref<4x2048xf32, #tpu.memory_space<vmem>>[vector<16xi32>, vector<16xi32>], vector<16xf32>,
        %add3A_424 = arith.addf %scan3A_389, %gather3A_423 : vector<16xf32>
        scf.yield %add3A_397, %add3A_406, %add3A_415, %add3A_424 : vector<16xf32>, vector<16xf32>, vector<16xf32>, vector<16xf32>
      }
      %scan3A_370 = arith.constant 32 : i32
      %add3A_371 = arith.addf %scan3A_369#0, %scan3A_369#1 : vector<16xf32>
      %add3A_372 = arith.addf %scan3A_369#2, %scan3A_369#3 : vector<16xf32>
      %add3A_373 = arith.addf %add3A_371, %add3A_372 : vector<16xf32>
      %broadcast_in_dim3A_374 = arith.constant 3 : i32
      %broadcast_in_dim3A_375 = vector.broadcast %broadcast_in_dim3A_374 : i32 to vector<16xi32>
      %scan3A_376 = arith.constant 0 : i32
      %scan3A_377 = arith.constant 32 : i32
      %scan3A_378 = arith.addi %scan3A_376, %scan3A_377 : i32
      %scan3A_379 = arith.constant 1 : i32
      %scan3A_380:4 = scf.for %scan3A_385 = %scan3A_376 to %scan3A_378 step %scan3A_379 iter_args(%scan3A_386 = %add3A_306, %scan3A_387 = %broadcast_in_dim3A_340, %scan3A_388 = %broadcast_in_dim3A_340, %scan3A_389 = %broadcast_in_dim3A_340) -> (vector<16xf32>, vector<16xf32>, vector<16xf32>, vector<16xf32>)  : i32 {
        %mul3A_390 = arith.constant 64 : i32
        %mul3A_391 = arith.muli %scan3A_385, %mul3A_390 : i32
        %add3A_392 = arith.constant 0 : i32
        %add3A_393 = arith.addi %mul3A_391, %add3A_392 : i32
        %multiple_of3A = tpu.assume_multiple %add3A_393, 16 : i32
        %get3A = arith.constant 3 : i32
        %get3A_394 = arith.index_cast %get3A : i32 to index
        %get3A_395 = arith.index_cast %multiple_of3A : i32 to index
        %get3A_396 = tpu.vector_load %arg10[%get3A_394, %get3A_395] {strides = array<i32>} : memref<4x2048xi32, #tpu.memory_space<vmem>>, vector<16xi32>,
        %gather3A = tpu.vector_load_idx %arg7[%broadcast_in_dim3A_375, %get3A_396] : memref<4x2048xf32, #tpu.memory_space<vmem>>[vector<16xi32>, vector<16xi32>], vector<16xf32>,
        %add3A_397 = arith.addf %scan3A_386, %gather3A : vector<16xf32>
        %add3A_398 = arith.constant 16 : i32
        %add3A_399 = arith.addi %mul3A_391, %add3A_398 : i32
        %multiple_of3A_400 = tpu.assume_multiple %add3A_399, 16 : i32
        %get3A_401 = arith.constant 3 : i32
        %get3A_402 = arith.index_cast %get3A_401 : i32 to index
        %get3A_403 = arith.index_cast %multiple_of3A_400 : i32 to index
        %get3A_404 = tpu.vector_load %arg10[%get3A_402, %get3A_403] {strides = array<i32>} : memref<4x2048xi32, #tpu.memory_space<vmem>>, vector<16xi32>,
        %gather3A_405 = tpu.vector_load_idx %arg7[%broadcast_in_dim3A_375, %get3A_404] : memref<4x2048xf32, #tpu.memory_space<vmem>>[vector<16xi32>, vector<16xi32>], vector<16xf32>,
        %add3A_406 = arith.addf %scan3A_387, %gather3A_405 : vector<16xf32>
        %add3A_407 = arith.constant 32 : i32
        %add3A_408 = arith.addi %mul3A_391, %add3A_407 : i32
        %multiple_of3A_409 = tpu.assume_multiple %add3A_408, 16 : i32
        %get3A_410 = arith.constant 3 : i32
        %get3A_411 = arith.index_cast %get3A_410 : i32 to index
        %get3A_412 = arith.index_cast %multiple_of3A_409 : i32 to index
        %get3A_413 = tpu.vector_load %arg10[%get3A_411, %get3A_412] {strides = array<i32>} : memref<4x2048xi32, #tpu.memory_space<vmem>>, vector<16xi32>,
        %gather3A_414 = tpu.vector_load_idx %arg7[%broadcast_in_dim3A_375, %get3A_413] : memref<4x2048xf32, #tpu.memory_space<vmem>>[vector<16xi32>, vector<16xi32>], vector<16xf32>,
        %add3A_415 = arith.addf %scan3A_388, %gather3A_414 : vector<16xf32>
        %add3A_416 = arith.constant 48 : i32
        %add3A_417 = arith.addi %mul3A_391, %add3A_416 : i32
        %multiple_of3A_418 = tpu.assume_multiple %add3A_417, 16 : i32
        %get3A_419 = arith.constant 3 : i32
        %get3A_420 = arith.index_cast %get3A_419 : i32 to index
        %get3A_421 = arith.index_cast %multiple_of3A_418 : i32 to index
        %get3A_422 = tpu.vector_load %arg10[%get3A_420, %get3A_421] {strides = array<i32>} : memref<4x2048xi32, #tpu.memory_space<vmem>>, vector<16xi32>,
        %gather3A_423 = tpu.vector_load_idx %arg7[%broadcast_in_dim3A_375, %get3A_422] : memref<4x2048xf32, #tpu.memory_space<vmem>>[vector<16xi32>, vector<16xi32>], vector<16xf32>,
        %add3A_424 = arith.addf %scan3A_389, %gather3A_423 : vector<16xf32>
        scf.yield %add3A_397, %add3A_406, %add3A_415, %add3A_424 : vector<16xf32>, vector<16xf32>, vector<16xf32>, vector<16xf32>
      }
      %scan3A_381 = arith.constant 32 : i32
      %add3A_382 = arith.addf %scan3A_380#0, %scan3A_380#1 : vector<16xf32>
      %add3A_383 = arith.addf %scan3A_380#2, %scan3A_380#3 : vector<16xf32>
      %add3A_384 = arith.addf %add3A_382, %add3A_383 : vector<16xf32>
      scf.yield %add3A_351, %add3A_362, %add3A_373, %add3A_384 : vector<16xf32>, vector<16xf32>, vector<16xf32>, vector<16xf32>
    }
    %scan3A_35 = arith.constant 16 : i32
    %dma_wait3A = arith.constant 48 : i32
    %dma_wait3A_36 = arith.constant 0 : i32
    %dma_wait3A_37 = tpu.memref_slice %arg2[%dma_wait3A, %mul3A_2, %dma_wait3A_36] : memref<50x128x2048xf32, #tpu.memory_space<hbm>> -> memref<1x4x2048xf32, #tpu.memory_space<hbm>>
    %dma_wait3A_38 = tpu.memref_squeeze %dma_wait3A_37 : memref<1x4x2048xf32, #tpu.memory_space<hbm>> -> memref<4x2048xf32, #tpu.memory_space<hbm>>
    %dma_wait3A_39 = arith.constant 0 : i32
    %dma_wait3A_40 = tpu.memref_slice %arg2[%dma_wait3A, %mul3A_2, %dma_wait3A_39] : memref<50x128x2048xf32, #tpu.memory_space<hbm>> -> memref<1x4x2048xf32, #tpu.memory_space<hbm>>
    %dma_wait3A_41 = tpu.memref_squeeze %dma_wait3A_40 : memref<1x4x2048xf32, #tpu.memory_space<hbm>> -> memref<4x2048xf32, #tpu.memory_space<hbm>>
    tpu.wait_dma2 semaphore(%arg12 : memref<!tpu.dma_semaphore, #tpu.memory_space<semaphore_mem>>) src(%dma_wait3A_41 : memref<4x2048xf32, #tpu.memory_space<hbm>>) dst(%arg5 : memref<4x2048xf32, #tpu.memory_space<vmem>>)
    %dma_wait3A_42 = arith.constant 48 : i32
    %dma_wait3A_43 = arith.constant 0 : i32
    %dma_wait3A_44 = tpu.memref_slice %arg3[%dma_wait3A_42, %mul3A_2, %dma_wait3A_43] : memref<49x128x2048xi32, #tpu.memory_space<hbm>> -> memref<1x4x2048xi32, #tpu.memory_space<hbm>>
    %dma_wait3A_45 = tpu.memref_squeeze %dma_wait3A_44 : memref<1x4x2048xi32, #tpu.memory_space<hbm>> -> memref<4x2048xi32, #tpu.memory_space<hbm>>
    %dma_wait3A_46 = arith.constant 0 : i32
    %dma_wait3A_47 = tpu.memref_slice %arg3[%dma_wait3A_42, %mul3A_2, %dma_wait3A_46] : memref<49x128x2048xi32, #tpu.memory_space<hbm>> -> memref<1x4x2048xi32, #tpu.memory_space<hbm>>
    %dma_wait3A_48 = tpu.memref_squeeze %dma_wait3A_47 : memref<1x4x2048xi32, #tpu.memory_space<hbm>> -> memref<4x2048xi32, #tpu.memory_space<hbm>>
    tpu.wait_dma2 semaphore(%arg12 : memref<!tpu.dma_semaphore, #tpu.memory_space<semaphore_mem>>) src(%dma_wait3A_48 : memref<4x2048xi32, #tpu.memory_space<hbm>>) dst(%arg8 : memref<4x2048xi32, #tpu.memory_space<vmem>>)
    %broadcast_in_dim3A_49 = arith.constant 0.000000e+00 : f32
    %broadcast_in_dim3A_50 = vector.broadcast %broadcast_in_dim3A_49 : f32 to vector<16xf32>
    %broadcast_in_dim3A_51 = arith.constant 0 : i32
    %broadcast_in_dim3A_52 = vector.broadcast %broadcast_in_dim3A_51 : i32 to vector<16xi32>
    %scan3A_53 = arith.constant 0 : i32
    %scan3A_54 = arith.constant 32 : i32
    %scan3A_55 = arith.addi %scan3A_53, %scan3A_54 : i32
    %scan3A_56 = arith.constant 1 : i32
    %scan3A_57:4 = scf.for %scan3A_145 = %scan3A_53 to %scan3A_55 step %scan3A_56 iter_args(%scan3A_146 = %scan3A_34#0, %scan3A_147 = %broadcast_in_dim3A_50, %scan3A_148 = %broadcast_in_dim3A_50, %scan3A_149 = %broadcast_in_dim3A_50) -> (vector<16xf32>, vector<16xf32>, vector<16xf32>, vector<16xf32>)  : i32 {
      %mul3A_150 = arith.constant 64 : i32
      %mul3A_151 = arith.muli %scan3A_145, %mul3A_150 : i32
      %add3A_152 = arith.constant 0 : i32
      %add3A_153 = arith.addi %mul3A_151, %add3A_152 : i32
      %multiple_of3A = tpu.assume_multiple %add3A_153, 16 : i32
      %get3A = arith.constant 0 : i32
      %get3A_154 = arith.index_cast %get3A : i32 to index
      %get3A_155 = arith.index_cast %multiple_of3A : i32 to index
      %get3A_156 = tpu.vector_load %arg8[%get3A_154, %get3A_155] {strides = array<i32>} : memref<4x2048xi32, #tpu.memory_space<vmem>>, vector<16xi32>,
      %gather3A = tpu.vector_load_idx %arg5[%broadcast_in_dim3A_52, %get3A_156] : memref<4x2048xf32, #tpu.memory_space<vmem>>[vector<16xi32>, vector<16xi32>], vector<16xf32>,
      %add3A_157 = arith.addf %scan3A_146, %gather3A : vector<16xf32>
      %add3A_158 = arith.constant 16 : i32
      %add3A_159 = arith.addi %mul3A_151, %add3A_158 : i32
      %multiple_of3A_160 = tpu.assume_multiple %add3A_159, 16 : i32
      %get3A_161 = arith.constant 0 : i32
      %get3A_162 = arith.index_cast %get3A_161 : i32 to index
      %get3A_163 = arith.index_cast %multiple_of3A_160 : i32 to index
      %get3A_164 = tpu.vector_load %arg8[%get3A_162, %get3A_163] {strides = array<i32>} : memref<4x2048xi32, #tpu.memory_space<vmem>>, vector<16xi32>,
      %gather3A_165 = tpu.vector_load_idx %arg5[%broadcast_in_dim3A_52, %get3A_164] : memref<4x2048xf32, #tpu.memory_space<vmem>>[vector<16xi32>, vector<16xi32>], vector<16xf32>,
      %add3A_166 = arith.addf %scan3A_147, %gather3A_165 : vector<16xf32>
      %add3A_167 = arith.constant 32 : i32
      %add3A_168 = arith.addi %mul3A_151, %add3A_167 : i32
      %multiple_of3A_169 = tpu.assume_multiple %add3A_168, 16 : i32
      %get3A_170 = arith.constant 0 : i32
      %get3A_171 = arith.index_cast %get3A_170 : i32 to index
      %get3A_172 = arith.index_cast %multiple_of3A_169 : i32 to index
      %get3A_173 = tpu.vector_load %arg8[%get3A_171, %get3A_172] {strides = array<i32>} : memref<4x2048xi32, #tpu.memory_space<vmem>>, vector<16xi32>,
      %gather3A_174 = tpu.vector_load_idx %arg5[%broadcast_in_dim3A_52, %get3A_173] : memref<4x2048xf32, #tpu.memory_space<vmem>>[vector<16xi32>, vector<16xi32>], vector<16xf32>,
      %add3A_175 = arith.addf %scan3A_148, %gather3A_174 : vector<16xf32>
      %add3A_176 = arith.constant 48 : i32
      %add3A_177 = arith.addi %mul3A_151, %add3A_176 : i32
      %multiple_of3A_178 = tpu.assume_multiple %add3A_177, 16 : i32
      %get3A_179 = arith.constant 0 : i32
      %get3A_180 = arith.index_cast %get3A_179 : i32 to index
      %get3A_181 = arith.index_cast %multiple_of3A_178 : i32 to index
      %get3A_182 = tpu.vector_load %arg8[%get3A_180, %get3A_181] {strides = array<i32>} : memref<4x2048xi32, #tpu.memory_space<vmem>>, vector<16xi32>,
      %gather3A_183 = tpu.vector_load_idx %arg5[%broadcast_in_dim3A_52, %get3A_182] : memref<4x2048xf32, #tpu.memory_space<vmem>>[vector<16xi32>, vector<16xi32>], vector<16xf32>,
      %add3A_184 = arith.addf %scan3A_149, %gather3A_183 : vector<16xf32>
      scf.yield %add3A_157, %add3A_166, %add3A_175, %add3A_184 : vector<16xf32>, vector<16xf32>, vector<16xf32>, vector<16xf32>
    }
    %scan3A_58 = arith.constant 32 : i32
    %add3A_59 = arith.addf %scan3A_57#0, %scan3A_57#1 : vector<16xf32>
    %add3A_60 = arith.addf %scan3A_57#2, %scan3A_57#3 : vector<16xf32>
    %add3A_61 = arith.addf %add3A_59, %add3A_60 : vector<16xf32>
    %broadcast_in_dim3A_62 = arith.constant 1 : i32
    %broadcast_in_dim3A_63 = vector.broadcast %broadcast_in_dim3A_62 : i32 to vector<16xi32>
    %scan3A_64 = arith.constant 0 : i32
    %scan3A_65 = arith.constant 32 : i32
    %scan3A_66 = arith.addi %scan3A_64, %scan3A_65 : i32
    %scan3A_67 = arith.constant 1 : i32
    %scan3A_68:4 = scf.for %scan3A_145 = %scan3A_64 to %scan3A_66 step %scan3A_67 iter_args(%scan3A_146 = %scan3A_34#1, %scan3A_147 = %broadcast_in_dim3A_50, %scan3A_148 = %broadcast_in_dim3A_50, %scan3A_149 = %broadcast_in_dim3A_50) -> (vector<16xf32>, vector<16xf32>, vector<16xf32>, vector<16xf32>)  : i32 {
      %mul3A_150 = arith.constant 64 : i32
      %mul3A_151 = arith.muli %scan3A_145, %mul3A_150 : i32
      %add3A_152 = arith.constant 0 : i32
      %add3A_153 = arith.addi %mul3A_151, %add3A_152 : i32
      %multiple_of3A = tpu.assume_multiple %add3A_153, 16 : i32
      %get3A = arith.constant 1 : i32
      %get3A_154 = arith.index_cast %get3A : i32 to index
      %get3A_155 = arith.index_cast %multiple_of3A : i32 to index
      %get3A_156 = tpu.vector_load %arg8[%get3A_154, %get3A_155] {strides = array<i32>} : memref<4x2048xi32, #tpu.memory_space<vmem>>, vector<16xi32>,
      %gather3A = tpu.vector_load_idx %arg5[%broadcast_in_dim3A_63, %get3A_156] : memref<4x2048xf32, #tpu.memory_space<vmem>>[vector<16xi32>, vector<16xi32>], vector<16xf32>,
      %add3A_157 = arith.addf %scan3A_146, %gather3A : vector<16xf32>
      %add3A_158 = arith.constant 16 : i32
      %add3A_159 = arith.addi %mul3A_151, %add3A_158 : i32
      %multiple_of3A_160 = tpu.assume_multiple %add3A_159, 16 : i32
      %get3A_161 = arith.constant 1 : i32
      %get3A_162 = arith.index_cast %get3A_161 : i32 to index
      %get3A_163 = arith.index_cast %multiple_of3A_160 : i32 to index
      %get3A_164 = tpu.vector_load %arg8[%get3A_162, %get3A_163] {strides = array<i32>} : memref<4x2048xi32, #tpu.memory_space<vmem>>, vector<16xi32>,
      %gather3A_165 = tpu.vector_load_idx %arg5[%broadcast_in_dim3A_63, %get3A_164] : memref<4x2048xf32, #tpu.memory_space<vmem>>[vector<16xi32>, vector<16xi32>], vector<16xf32>,
      %add3A_166 = arith.addf %scan3A_147, %gather3A_165 : vector<16xf32>
      %add3A_167 = arith.constant 32 : i32
      %add3A_168 = arith.addi %mul3A_151, %add3A_167 : i32
      %multiple_of3A_169 = tpu.assume_multiple %add3A_168, 16 : i32
      %get3A_170 = arith.constant 1 : i32
      %get3A_171 = arith.index_cast %get3A_170 : i32 to index
      %get3A_172 = arith.index_cast %multiple_of3A_169 : i32 to index
      %get3A_173 = tpu.vector_load %arg8[%get3A_171, %get3A_172] {strides = array<i32>} : memref<4x2048xi32, #tpu.memory_space<vmem>>, vector<16xi32>,
      %gather3A_174 = tpu.vector_load_idx %arg5[%broadcast_in_dim3A_63, %get3A_173] : memref<4x2048xf32, #tpu.memory_space<vmem>>[vector<16xi32>, vector<16xi32>], vector<16xf32>,
      %add3A_175 = arith.addf %scan3A_148, %gather3A_174 : vector<16xf32>
      %add3A_176 = arith.constant 48 : i32
      %add3A_177 = arith.addi %mul3A_151, %add3A_176 : i32
      %multiple_of3A_178 = tpu.assume_multiple %add3A_177, 16 : i32
      %get3A_179 = arith.constant 1 : i32
      %get3A_180 = arith.index_cast %get3A_179 : i32 to index
      %get3A_181 = arith.index_cast %multiple_of3A_178 : i32 to index
      %get3A_182 = tpu.vector_load %arg8[%get3A_180, %get3A_181] {strides = array<i32>} : memref<4x2048xi32, #tpu.memory_space<vmem>>, vector<16xi32>,
      %gather3A_183 = tpu.vector_load_idx %arg5[%broadcast_in_dim3A_63, %get3A_182] : memref<4x2048xf32, #tpu.memory_space<vmem>>[vector<16xi32>, vector<16xi32>], vector<16xf32>,
      %add3A_184 = arith.addf %scan3A_149, %gather3A_183 : vector<16xf32>
      scf.yield %add3A_157, %add3A_166, %add3A_175, %add3A_184 : vector<16xf32>, vector<16xf32>, vector<16xf32>, vector<16xf32>
    }
    %scan3A_69 = arith.constant 32 : i32
    %add3A_70 = arith.addf %scan3A_68#0, %scan3A_68#1 : vector<16xf32>
    %add3A_71 = arith.addf %scan3A_68#2, %scan3A_68#3 : vector<16xf32>
    %add3A_72 = arith.addf %add3A_70, %add3A_71 : vector<16xf32>
    %broadcast_in_dim3A_73 = arith.constant 2 : i32
    %broadcast_in_dim3A_74 = vector.broadcast %broadcast_in_dim3A_73 : i32 to vector<16xi32>
    %scan3A_75 = arith.constant 0 : i32
    %scan3A_76 = arith.constant 32 : i32
    %scan3A_77 = arith.addi %scan3A_75, %scan3A_76 : i32
    %scan3A_78 = arith.constant 1 : i32
    %scan3A_79:4 = scf.for %scan3A_145 = %scan3A_75 to %scan3A_77 step %scan3A_78 iter_args(%scan3A_146 = %scan3A_34#2, %scan3A_147 = %broadcast_in_dim3A_50, %scan3A_148 = %broadcast_in_dim3A_50, %scan3A_149 = %broadcast_in_dim3A_50) -> (vector<16xf32>, vector<16xf32>, vector<16xf32>, vector<16xf32>)  : i32 {
      %mul3A_150 = arith.constant 64 : i32
      %mul3A_151 = arith.muli %scan3A_145, %mul3A_150 : i32
      %add3A_152 = arith.constant 0 : i32
      %add3A_153 = arith.addi %mul3A_151, %add3A_152 : i32
      %multiple_of3A = tpu.assume_multiple %add3A_153, 16 : i32
      %get3A = arith.constant 2 : i32
      %get3A_154 = arith.index_cast %get3A : i32 to index
      %get3A_155 = arith.index_cast %multiple_of3A : i32 to index
      %get3A_156 = tpu.vector_load %arg8[%get3A_154, %get3A_155] {strides = array<i32>} : memref<4x2048xi32, #tpu.memory_space<vmem>>, vector<16xi32>,
      %gather3A = tpu.vector_load_idx %arg5[%broadcast_in_dim3A_74, %get3A_156] : memref<4x2048xf32, #tpu.memory_space<vmem>>[vector<16xi32>, vector<16xi32>], vector<16xf32>,
      %add3A_157 = arith.addf %scan3A_146, %gather3A : vector<16xf32>
      %add3A_158 = arith.constant 16 : i32
      %add3A_159 = arith.addi %mul3A_151, %add3A_158 : i32
      %multiple_of3A_160 = tpu.assume_multiple %add3A_159, 16 : i32
      %get3A_161 = arith.constant 2 : i32
      %get3A_162 = arith.index_cast %get3A_161 : i32 to index
      %get3A_163 = arith.index_cast %multiple_of3A_160 : i32 to index
      %get3A_164 = tpu.vector_load %arg8[%get3A_162, %get3A_163] {strides = array<i32>} : memref<4x2048xi32, #tpu.memory_space<vmem>>, vector<16xi32>,
      %gather3A_165 = tpu.vector_load_idx %arg5[%broadcast_in_dim3A_74, %get3A_164] : memref<4x2048xf32, #tpu.memory_space<vmem>>[vector<16xi32>, vector<16xi32>], vector<16xf32>,
      %add3A_166 = arith.addf %scan3A_147, %gather3A_165 : vector<16xf32>
      %add3A_167 = arith.constant 32 : i32
      %add3A_168 = arith.addi %mul3A_151, %add3A_167 : i32
      %multiple_of3A_169 = tpu.assume_multiple %add3A_168, 16 : i32
      %get3A_170 = arith.constant 2 : i32
      %get3A_171 = arith.index_cast %get3A_170 : i32 to index
      %get3A_172 = arith.index_cast %multiple_of3A_169 : i32 to index
      %get3A_173 = tpu.vector_load %arg8[%get3A_171, %get3A_172] {strides = array<i32>} : memref<4x2048xi32, #tpu.memory_space<vmem>>, vector<16xi32>,
      %gather3A_174 = tpu.vector_load_idx %arg5[%broadcast_in_dim3A_74, %get3A_173] : memref<4x2048xf32, #tpu.memory_space<vmem>>[vector<16xi32>, vector<16xi32>], vector<16xf32>,
      %add3A_175 = arith.addf %scan3A_148, %gather3A_174 : vector<16xf32>
      %add3A_176 = arith.constant 48 : i32
      %add3A_177 = arith.addi %mul3A_151, %add3A_176 : i32
      %multiple_of3A_178 = tpu.assume_multiple %add3A_177, 16 : i32
      %get3A_179 = arith.constant 2 : i32
      %get3A_180 = arith.index_cast %get3A_179 : i32 to index
      %get3A_181 = arith.index_cast %multiple_of3A_178 : i32 to index
      %get3A_182 = tpu.vector_load %arg8[%get3A_180, %get3A_181] {strides = array<i32>} : memref<4x2048xi32, #tpu.memory_space<vmem>>, vector<16xi32>,
      %gather3A_183 = tpu.vector_load_idx %arg5[%broadcast_in_dim3A_74, %get3A_182] : memref<4x2048xf32, #tpu.memory_space<vmem>>[vector<16xi32>, vector<16xi32>], vector<16xf32>,
      %add3A_184 = arith.addf %scan3A_149, %gather3A_183 : vector<16xf32>
      scf.yield %add3A_157, %add3A_166, %add3A_175, %add3A_184 : vector<16xf32>, vector<16xf32>, vector<16xf32>, vector<16xf32>
    }
    %scan3A_80 = arith.constant 32 : i32
    %add3A_81 = arith.addf %scan3A_79#0, %scan3A_79#1 : vector<16xf32>
    %add3A_82 = arith.addf %scan3A_79#2, %scan3A_79#3 : vector<16xf32>
    %add3A_83 = arith.addf %add3A_81, %add3A_82 : vector<16xf32>
    %broadcast_in_dim3A_84 = arith.constant 3 : i32
    %broadcast_in_dim3A_85 = vector.broadcast %broadcast_in_dim3A_84 : i32 to vector<16xi32>
    %scan3A_86 = arith.constant 0 : i32
    %scan3A_87 = arith.constant 32 : i32
    %scan3A_88 = arith.addi %scan3A_86, %scan3A_87 : i32
    %scan3A_89 = arith.constant 1 : i32
    %scan3A_90:4 = scf.for %scan3A_145 = %scan3A_86 to %scan3A_88 step %scan3A_89 iter_args(%scan3A_146 = %scan3A_34#3, %scan3A_147 = %broadcast_in_dim3A_50, %scan3A_148 = %broadcast_in_dim3A_50, %scan3A_149 = %broadcast_in_dim3A_50) -> (vector<16xf32>, vector<16xf32>, vector<16xf32>, vector<16xf32>)  : i32 {
      %mul3A_150 = arith.constant 64 : i32
      %mul3A_151 = arith.muli %scan3A_145, %mul3A_150 : i32
      %add3A_152 = arith.constant 0 : i32
      %add3A_153 = arith.addi %mul3A_151, %add3A_152 : i32
      %multiple_of3A = tpu.assume_multiple %add3A_153, 16 : i32
      %get3A = arith.constant 3 : i32
      %get3A_154 = arith.index_cast %get3A : i32 to index
      %get3A_155 = arith.index_cast %multiple_of3A : i32 to index
      %get3A_156 = tpu.vector_load %arg8[%get3A_154, %get3A_155] {strides = array<i32>} : memref<4x2048xi32, #tpu.memory_space<vmem>>, vector<16xi32>,
      %gather3A = tpu.vector_load_idx %arg5[%broadcast_in_dim3A_85, %get3A_156] : memref<4x2048xf32, #tpu.memory_space<vmem>>[vector<16xi32>, vector<16xi32>], vector<16xf32>,
      %add3A_157 = arith.addf %scan3A_146, %gather3A : vector<16xf32>
      %add3A_158 = arith.constant 16 : i32
      %add3A_159 = arith.addi %mul3A_151, %add3A_158 : i32
      %multiple_of3A_160 = tpu.assume_multiple %add3A_159, 16 : i32
      %get3A_161 = arith.constant 3 : i32
      %get3A_162 = arith.index_cast %get3A_161 : i32 to index
      %get3A_163 = arith.index_cast %multiple_of3A_160 : i32 to index
      %get3A_164 = tpu.vector_load %arg8[%get3A_162, %get3A_163] {strides = array<i32>} : memref<4x2048xi32, #tpu.memory_space<vmem>>, vector<16xi32>,
      %gather3A_165 = tpu.vector_load_idx %arg5[%broadcast_in_dim3A_85, %get3A_164] : memref<4x2048xf32, #tpu.memory_space<vmem>>[vector<16xi32>, vector<16xi32>], vector<16xf32>,
      %add3A_166 = arith.addf %scan3A_147, %gather3A_165 : vector<16xf32>
      %add3A_167 = arith.constant 32 : i32
      %add3A_168 = arith.addi %mul3A_151, %add3A_167 : i32
      %multiple_of3A_169 = tpu.assume_multiple %add3A_168, 16 : i32
      %get3A_170 = arith.constant 3 : i32
      %get3A_171 = arith.index_cast %get3A_170 : i32 to index
      %get3A_172 = arith.index_cast %multiple_of3A_169 : i32 to index
      %get3A_173 = tpu.vector_load %arg8[%get3A_171, %get3A_172] {strides = array<i32>} : memref<4x2048xi32, #tpu.memory_space<vmem>>, vector<16xi32>,
      %gather3A_174 = tpu.vector_load_idx %arg5[%broadcast_in_dim3A_85, %get3A_173] : memref<4x2048xf32, #tpu.memory_space<vmem>>[vector<16xi32>, vector<16xi32>], vector<16xf32>,
      %add3A_175 = arith.addf %scan3A_148, %gather3A_174 : vector<16xf32>
      %add3A_176 = arith.constant 48 : i32
      %add3A_177 = arith.addi %mul3A_151, %add3A_176 : i32
      %multiple_of3A_178 = tpu.assume_multiple %add3A_177, 16 : i32
      %get3A_179 = arith.constant 3 : i32
      %get3A_180 = arith.index_cast %get3A_179 : i32 to index
      %get3A_181 = arith.index_cast %multiple_of3A_178 : i32 to index
      %get3A_182 = tpu.vector_load %arg8[%get3A_180, %get3A_181] {strides = array<i32>} : memref<4x2048xi32, #tpu.memory_space<vmem>>, vector<16xi32>,
      %gather3A_183 = tpu.vector_load_idx %arg5[%broadcast_in_dim3A_85, %get3A_182] : memref<4x2048xf32, #tpu.memory_space<vmem>>[vector<16xi32>, vector<16xi32>], vector<16xf32>,
      %add3A_184 = arith.addf %scan3A_149, %gather3A_183 : vector<16xf32>
      scf.yield %add3A_157, %add3A_166, %add3A_175, %add3A_184 : vector<16xf32>, vector<16xf32>, vector<16xf32>, vector<16xf32>
    }
    %scan3A_91 = arith.constant 32 : i32
    %add3A_92 = arith.addf %scan3A_90#0, %scan3A_90#1 : vector<16xf32>
    %add3A_93 = arith.addf %scan3A_90#2, %scan3A_90#3 : vector<16xf32>
    %add3A_94 = arith.addf %add3A_92, %add3A_93 : vector<16xf32>
    %dma_wait3A_95 = arith.constant 48 : i32
    %dma_wait3A_96 = arith.constant 0 : i32
    %dma_wait3A_97 = tpu.memref_slice %arg2[%dma_wait3A_95, %mul3A_2, %dma_wait3A_96] : memref<50x128x2048xf32, #tpu.memory_space<hbm>> -> memref<1x4x2048xf32, #tpu.memory_space<hbm>>
    %dma_wait3A_98 = tpu.memref_squeeze %dma_wait3A_97 : memref<1x4x2048xf32, #tpu.memory_space<hbm>> -> memref<4x2048xf32, #tpu.memory_space<hbm>>
    %dma_wait3A_99 = arith.constant 0 : i32
    %dma_wait3A_100 = tpu.memref_slice %arg2[%dma_wait3A_95, %mul3A_2, %dma_wait3A_99] : memref<50x128x2048xf32, #tpu.memory_space<hbm>> -> memref<1x4x2048xf32, #tpu.memory_space<hbm>>
    %dma_wait3A_101 = tpu.memref_squeeze %dma_wait3A_100 : memref<1x4x2048xf32, #tpu.memory_space<hbm>> -> memref<4x2048xf32, #tpu.memory_space<hbm>>
    tpu.wait_dma2 semaphore(%arg13 : memref<!tpu.dma_semaphore, #tpu.memory_space<semaphore_mem>>) src(%dma_wait3A_101 : memref<4x2048xf32, #tpu.memory_space<hbm>>) dst(%arg6 : memref<4x2048xf32, #tpu.memory_space<vmem>>)
    %dma_wait3A_102 = arith.constant 48 : i32
    %dma_wait3A_103 = arith.constant 0 : i32
    %dma_wait3A_104 = tpu.memref_slice %arg3[%dma_wait3A_102, %mul3A_2, %dma_wait3A_103] : memref<49x128x2048xi32, #tpu.memory_space<hbm>> -> memref<1x4x2048xi32, #tpu.memory_space<hbm>>
    %dma_wait3A_105 = tpu.memref_squeeze %dma_wait3A_104 : memref<1x4x2048xi32, #tpu.memory_space<hbm>> -> memref<4x2048xi32, #tpu.memory_space<hbm>>
    %dma_wait3A_106 = arith.constant 0 : i32
    %dma_wait3A_107 = tpu.memref_slice %arg3[%dma_wait3A_102, %mul3A_2, %dma_wait3A_106] : memref<49x128x2048xi32, #tpu.memory_space<hbm>> -> memref<1x4x2048xi32, #tpu.memory_space<hbm>>
    %dma_wait3A_108 = tpu.memref_squeeze %dma_wait3A_107 : memref<1x4x2048xi32, #tpu.memory_space<hbm>> -> memref<4x2048xi32, #tpu.memory_space<hbm>>
    tpu.wait_dma2 semaphore(%arg13 : memref<!tpu.dma_semaphore, #tpu.memory_space<semaphore_mem>>) src(%dma_wait3A_108 : memref<4x2048xi32, #tpu.memory_space<hbm>>) dst(%arg9 : memref<4x2048xi32, #tpu.memory_space<vmem>>)
    %broadcast_in_dim3A_109 = arith.constant 0.000000e+00 : f32
    %broadcast_in_dim3A_110 = vector.broadcast %broadcast_in_dim3A_109 : f32 to vector<16xf32>
    %eq3A = arith.constant 0 : i32
    %eq3A_111 = vector.broadcast %eq3A : i32 to vector<16xi32>
    %eq3A_112 = arith.cmpi eq, %iota3A, %eq3A_111 : vector<16xi32>
    %reduce_sum3A = arith.constant true
    %reduce_sum3A_113 = vector.broadcast %reduce_sum3A : i1 to vector<16xi1>
    %reduce_sum3A_114 = tpu.scan <sum>, %add3A_61 masked %reduce_sum3A_113 : vector<16xf32>, vector<16xi1> -> vector<16xf32>
    %reduce_sum3A_115 = vector.extract %reduce_sum3A_114[15] : f32 from vector<16xf32>
    %broadcast_in_dim3A_116 = vector.broadcast %reduce_sum3A_115 : f32 to vector<16xf32>
    %select_n3A = arith.select %eq3A_112, %broadcast_in_dim3A_116, %broadcast_in_dim3A_110 : vector<16xi1>, vector<16xf32>
    %eq3A_117 = arith.constant 1 : i32
    %eq3A_118 = vector.broadcast %eq3A_117 : i32 to vector<16xi32>
    %eq3A_119 = arith.cmpi eq, %iota3A, %eq3A_118 : vector<16xi32>
    %reduce_sum3A_120 = arith.constant true
    %reduce_sum3A_121 = vector.broadcast %reduce_sum3A_120 : i1 to vector<16xi1>
    %reduce_sum3A_122 = tpu.scan <sum>, %add3A_72 masked %reduce_sum3A_121 : vector<16xf32>, vector<16xi1> -> vector<16xf32>
    %reduce_sum3A_123 = vector.extract %reduce_sum3A_122[15] : f32 from vector<16xf32>
    %broadcast_in_dim3A_124 = vector.broadcast %reduce_sum3A_123 : f32 to vector<16xf32>
    %select_n3A_125 = arith.select %eq3A_119, %broadcast_in_dim3A_124, %select_n3A : vector<16xi1>, vector<16xf32>
    %eq3A_126 = arith.constant 2 : i32
    %eq3A_127 = vector.broadcast %eq3A_126 : i32 to vector<16xi32>
    %eq3A_128 = arith.cmpi eq, %iota3A, %eq3A_127 : vector<16xi32>
    %reduce_sum3A_129 = arith.constant true
    %reduce_sum3A_130 = vector.broadcast %reduce_sum3A_129 : i1 to vector<16xi1>
    %reduce_sum3A_131 = tpu.scan <sum>, %add3A_83 masked %reduce_sum3A_130 : vector<16xf32>, vector<16xi1> -> vector<16xf32>
    %reduce_sum3A_132 = vector.extract %reduce_sum3A_131[15] : f32 from vector<16xf32>
    %broadcast_in_dim3A_133 = vector.broadcast %reduce_sum3A_132 : f32 to vector<16xf32>
    %select_n3A_134 = arith.select %eq3A_128, %broadcast_in_dim3A_133, %select_n3A_125 : vector<16xi1>, vector<16xf32>
    %eq3A_135 = arith.constant 3 : i32
    %eq3A_136 = vector.broadcast %eq3A_135 : i32 to vector<16xi32>
    %eq3A_137 = arith.cmpi eq, %iota3A, %eq3A_136 : vector<16xi32>
    %reduce_sum3A_138 = arith.constant true
    %reduce_sum3A_139 = vector.broadcast %reduce_sum3A_138 : i1 to vector<16xi1>
    %reduce_sum3A_140 = tpu.scan <sum>, %add3A_94 masked %reduce_sum3A_139 : vector<16xf32>, vector<16xi1> -> vector<16xf32>
    %reduce_sum3A_141 = vector.extract %reduce_sum3A_140[15] : f32 from vector<16xf32>
    %broadcast_in_dim3A_142 = vector.broadcast %reduce_sum3A_141 : f32 to vector<16xf32>
    %select_n3A_143 = arith.select %eq3A_137, %broadcast_in_dim3A_142, %select_n3A_134 : vector<16xi1>, vector<16xf32>
    %swap3A = arith.constant 0 : index
    %swap3A_144 = tpu.vector_load %arg11[%swap3A] {strides = array<i32>} : memref<16xf32, #tpu.memory_space<vmem>>, vector<16xf32>,
    tpu.vector_store %arg11[%swap3A], %select_n3A_143 {strides = array<i32>} : memref<16xf32, #tpu.memory_space<vmem>>, vector<16xf32>,
    "tpu.region"() ({
      %run_scoped3A = tpu.sem_alloc : memref<!tpu.dma_semaphore, #tpu.memory_space<semaphore_mem>>
      %dma_start3A_145 = arith.constant 0 : i32
      %dma_start3A_146 = tpu.memref_slice %arg4[%add3A, %dma_start3A_145] : memref<32x16xf32, #tpu.memory_space<hbm>> -> memref<1x16xf32, #tpu.memory_space<hbm>>
      %dma_start3A_147 = tpu.memref_squeeze %dma_start3A_146 : memref<1x16xf32, #tpu.memory_space<hbm>> -> memref<16xf32, #tpu.memory_space<hbm>>
      %dma_start3A_148 = arith.constant 0 : i32
      %dma_start3A_149 = tpu.memref_slice %arg4[%add3A, %dma_start3A_148] : memref<32x16xf32, #tpu.memory_space<hbm>> -> memref<1x16xf32, #tpu.memory_space<hbm>>
      %dma_start3A_150 = tpu.memref_squeeze %dma_start3A_149 : memref<1x16xf32, #tpu.memory_space<hbm>> -> memref<16xf32, #tpu.memory_space<hbm>>
      tpu.enqueue_dma source(%arg11 : memref<16xf32, #tpu.memory_space<vmem>>) target(%dma_start3A_150 : memref<16xf32, #tpu.memory_space<hbm>>) target_semaphore(%run_scoped3A : memref<!tpu.dma_semaphore, #tpu.memory_space<semaphore_mem>>)
      %dma_wait3A_151 = arith.constant 0 : i32
      %dma_wait3A_152 = tpu.memref_slice %arg4[%add3A, %dma_wait3A_151] : memref<32x16xf32, #tpu.memory_space<hbm>> -> memref<1x16xf32, #tpu.memory_space<hbm>>
      %dma_wait3A_153 = tpu.memref_squeeze %dma_wait3A_152 : memref<1x16xf32, #tpu.memory_space<hbm>> -> memref<16xf32, #tpu.memory_space<hbm>>
      %dma_wait3A_154 = arith.constant 0 : i32
      %dma_wait3A_155 = tpu.memref_slice %arg4[%add3A, %dma_wait3A_154] : memref<32x16xf32, #tpu.memory_space<hbm>> -> memref<1x16xf32, #tpu.memory_space<hbm>>
      %dma_wait3A_156 = tpu.memref_squeeze %dma_wait3A_155 : memref<1x16xf32, #tpu.memory_space<hbm>> -> memref<16xf32, #tpu.memory_space<hbm>>
      tpu.wait_dma2 semaphore(%run_scoped3A : memref<!tpu.dma_semaphore, #tpu.memory_space<semaphore_mem>>) src(%arg11 : memref<16xf32, #tpu.memory_space<vmem>>) dst(%dma_wait3A_156 : memref<16xf32, #tpu.memory_space<hbm>>)
      tpu.yield
    }) : () -> ()
    return
  }
}

module attributes {stable_mosaic.version = 14 : i64} {
  func.func @body(%arg0: i32, %arg1: memref<1x128x2048xf32, #tpu.memory_space<vmem>>, %arg2: memref<1x128xf32, #tpu.memory_space<vmem>>) attributes {dimension_semantics = [#tpu.dimension_semantics<arbitrary>], iteration_bounds = array<i64: 49>, scalar_prefetch = 0 : i64, scratch_operands = 0 : i64, tpu.core_type = #tpu.core_type<tc>, window_params = [{transform_indices = @transform_0, window_bounds = array<i64: 1, 128, 2048>}, {pipeline_mode = #tpu.pipeline_mode<synchronous>, transform_indices = @transform_1, window_bounds = array<i64: 1, 128>}]} {
    %get3A = arith.constant 0 : index
    %get3A_0 = arith.constant 0 : index
    %get3A_1 = arith.constant 0 : index
    %get3A_2 = vector.load %arg1[%get3A, %get3A_0, %get3A_1] : memref<1x128x2048xf32, #tpu.memory_space<vmem>>, vector<1x128x2048xf32>
    %get3A_3 = vector.shape_cast %get3A_2 : vector<1x128x2048xf32> to vector<128x2048xf32>
    %reduce_max3A = arith.constant dense<0xFF800000> : vector<128xf32>
    %reduce_max3A_4 = vector.multi_reduction <maximumf>, %get3A_3, %reduce_max3A [1] : vector<128x2048xf32> to vector<128xf32>
    %broadcast_in_dim3A = vector.shape_cast %reduce_max3A_4 : vector<128xf32> to vector<128x1xf32>
    %sub3A = vector.broadcast %broadcast_in_dim3A : vector<128x1xf32> to vector<128x2048xf32>
    %sub3A_5 = arith.subf %get3A_3, %sub3A : vector<128x2048xf32>
    %exp3A = math.exp %sub3A_5 : vector<128x2048xf32>
    %reduce_sum3A = arith.constant dense<0.000000e+00> : vector<128xf32>
    %reduce_sum3A_6 = vector.multi_reduction <add>, %exp3A, %reduce_sum3A [1] : vector<128x2048xf32> to vector<128xf32>
    %squeeze3A = vector.shape_cast %broadcast_in_dim3A : vector<128x1xf32> to vector<128xf32>
    %log3A = math.log %reduce_sum3A_6 : vector<128xf32>
    %add3A = arith.addf %squeeze3A, %log3A : vector<128xf32>
    %eq3A = arith.constant 0 : i32
    %eq3A_7 = arith.cmpi eq, %arg0, %eq3A : i32
    %convert_element_type3A = arith.extui %eq3A_7 : i1 to i32
    %cond3A = arith.constant 0 : i32
    %cond3A_8 = arith.cmpi ne, %convert_element_type3A, %cond3A : i32
    scf.if %cond3A_8 {
      %broadcast_in_dim3A_20 = arith.constant 0.000000e+00 : f32
      %broadcast_in_dim3A_21 = vector.broadcast %broadcast_in_dim3A_20 : f32 to vector<1x128xf32>
      %swap3A_22 = arith.constant 0 : index
      %swap3A_23 = arith.constant 0 : index
      %swap3A_24 = vector.load %arg2[%swap3A_22, %swap3A_23] : memref<1x128xf32, #tpu.memory_space<vmem>>, vector<1x128xf32>
      tpu.vector_store %arg2[%swap3A_22, %swap3A_23], %broadcast_in_dim3A_21 {strides = array<i32>} : memref<1x128xf32, #tpu.memory_space<vmem>>, vector<1x128xf32>,
    } else {
    }
    %get3A_9 = arith.constant 0 : index
    %get3A_10 = arith.constant 0 : index
    %get3A_11 = vector.load %arg2[%get3A_9, %get3A_10] : memref<1x128xf32, #tpu.memory_space<vmem>>, vector<1x128xf32>
    %get3A_12 = vector.shape_cast %get3A_11 : vector<1x128xf32> to vector<128xf32>
    %mul3A = arith.constant 2.048000e+03 : f32
    %mul3A_13 = vector.broadcast %mul3A : f32 to vector<128xf32>
    %mul3A_14 = arith.mulf %mul3A_13, %add3A : vector<128xf32>
    %add3A_15 = arith.addf %get3A_12, %mul3A_14 : vector<128xf32>
    %swap3A = arith.constant 0 : index
    %swap3A_16 = arith.constant 0 : index
    %swap3A_17 = vector.load %arg2[%swap3A, %swap3A_16] : memref<1x128xf32, #tpu.memory_space<vmem>>, vector<1x128xf32>
    %swap3A_18 = vector.shape_cast %swap3A_17 : vector<1x128xf32> to vector<128xf32>
    %swap3A_19 = vector.shape_cast %add3A_15 : vector<128xf32> to vector<1x128xf32>
    tpu.vector_store %arg2[%swap3A, %swap3A_16], %swap3A_19 {strides = array<i32>} : memref<1x128xf32, #tpu.memory_space<vmem>>, vector<1x128xf32>,
    return
  }
  func.func @transform_0(%arg0: i32) -> (i32, i32, i32) {
    %c0_i32 = arith.constant 0 : i32
    %c0_i32_0 = arith.constant 0 : i32
    %c0_i32_1 = arith.constant 0 : i32
    return %arg0, %c0_i32, %c0_i32_0 : i32, i32, i32
  }
  func.func @transform_1(%arg0: i32) -> (i32, i32) {
    %c0_i32 = arith.constant 0 : i32
    %c0_i32_0 = arith.constant 0 : i32
    %c0_i32_1 = arith.constant 0 : i32
    return %c0_i32, %c0_i32_0 : i32, i32
  }
}

</mosaic_0001>

<sc_bundles>
// kernel: kernel.4.cloned.1.call-start
scs
__scs_entry_jumppad:
0x0: {  	(pc) =	sbr.rel $0x88, $3  }
0x1: {  	(tag) =	ssettag $0x0;
	lr =	simm.s32 $0x1  }
0x2: {  	[smem:$0x3F9F] =	sst lr;
	_ =	strace $0xD0000000  }
0x3: {  	_ = 	snop  }
0x4: {  	_ = 	snop  }
0x5: {  	_ = 	snop  }
0x6: {  	_ = 	snop  }
0x7: {  	_ = 	snop  }
__scs_overlays_trampoline_lowered:
0x8: {  	[smem:$0x3FAE] =	sst s0  }
0x9: {  	[smem:$0x3FAF] =	sst s1  }
0xa: {  	[smem:$0x3FB0] =	sst s2  }
0xb: {  	[smem:$0x3FB1] =	sst s3  }
0xc: {  	[smem:$0x3FB2] =	sst s4  }
0xd: {  	[smem:$0x3FB3] =	sst s5  }
0xe: {  	[smem:$0x3FB4] =	sst s6  }
0xf: {  	[smem:$0x3FB5] =	sst s7  }
0x10: {  	[smem:$0x3FB6] =	sst s8  }
0x11: {  	[smem:$0x3FB7] =	sst s9;
	s0 =	simm.s32 @!p0 $0x0  }
0x12: {  	s1 =	sld [smem:$0x3F9D];
	s0 =	simm.s32 @p0 $0x1  }
0x13: {  	[smem:$0x3FB8] =	sst s0;
	s0 =	simm.s32 @!p1 $0x0  }
0x14: {  	s2 =	sld [smem:$0x3F9C];
	s0 =	simm.s32 @p1 $0x1  }
0x15: {  	[smem:$0x3FB9] =	sst s0;
	s0 =	simm.s32 @!p2 $0x0  }
0x16: {  	s3 =	sld [smem:$0x3FDB];
	s0 =	simm.s32 @p2 $0x1  }
0x17: {  	s4 =	simm.s32 $0x1BF5;
	[smem:$0x3FBB] =	sst s0  }
0x18: {  	s0 =	sld [smem:$0x3F9E];
	_ =	swait.ge [sflag:s4], $0x0  }
0x19: {  	s7 =	sld [smem:$0x3F9F]  }
0x1a: {  	s8 =	sadd.s32 $0xFFFFE003, lr  }
0x1b: {  	s9 =	sadd.s32 $0xFFFFFEF7, lr;
	s5 =	simm.s32 $0xFFFFFFFF;
	p2 =	slt.u32 s8, $0xFFFFF086  }
0x1c: {  	p1 =	slt.u32 s9, $0xF7A;
	s5 =	simm.s32 @!p2 $0x0  }
0x1d: {  	s5 =	simm.s32 @p1 $0x1;
	p0 =	seq.s32 s7, s2  }
0x1e: {  	s7 =	smul.u32 @!p0 $0xF7A, s2;
	p2 =	seq.s32 @!p0 s5, $0x0  }
0x1f: {  	s9 =	smul.u32 $0xF7A, s1;
	s8 =	simm.s32 @!p0 $0x1BF5;
	p2 =	por !p2, p0  }
0x20: {  	[sflag:s8] =	ssyncset.s32 @!p0 $0xFFFFF086;
	s6 =	sadd.s32 @!p0 s3, s7;
	s7 =	simm.s32 @!p0 $0x108  }
0x21: {  	s3 =	sadd.s32 s3, s9;
	s6 =	sadd.s32 @!p0 $0x88, s6;
	s7 =	simm.s32 @p2 $0x1082  }
0x22: {  	[simem:s7], [sflag:s8] =	dma.local @!p0 [hbm:s6], $0xF7A  }
0x23: {  	s9 =	sor.u32 $0xD0000000, s2;
	s6 =	simm.s32 $0x108;
	_ =	swait.ge @!p0 [sflag:s8], $0x0  }
0x24: {  	s3 =	sadd.s32 $0x88, s3;
	s6 =	simm.s32 @!p1 $0x1082;
	[sflag:s4] =	ssyncset.s32 $0xFFFFF086  }
0x25: {  	[simem:s6], [sflag:s4] =	dma.local [hbm:s3], $0xF7A  }
0x26: {  	[smem:$0x3F9F] =	sst s1;
	(tag) =	ssettag s2;
	_ =	strace s9  }
0x27: {  	s1 =	sld [smem:$0x3FAF]  }
0x28: {  	s2 =	sld [smem:$0x3FB0]  }
0x29: {  	s4 =	sld [smem:$0x3FB2]  }
0x2a: {  	p0 =	seq.s32 s5, $0x0;
	s5 =	sld [smem:$0x3FB3]  }
0x2b: {  	s6 =	sld [smem:$0x3FB4]  }
0x2c: {  	s7 =	sld [smem:$0x3FB5]  }
0x2d: {  	s3 =	simm.s32 $0x108;
	s8 =	sld [smem:$0x3FB6]  }
0x2e: {  	s3 =	simm.s32 @!p0 $0x1082;
	s9 =	sld [smem:$0x3FB7]  }
0x2f: {  	lr =	sadd.s32 s0, s3;
	s0 =	sld [smem:$0x3FAE]  }
0x30: {  	s3 =	sld [smem:$0x3FB1]  }
0x31: {  	[smem:$0x3FBA] =	sst s10  }
0x32: {  	s10 =	sld [smem:$0x3FB8];
	_ =	sdelay $0x3  }
0x33: {  	p0 =	seq.s32 s10, $0x1;
	s10 =	sld [smem:$0x3FBA];
	_ =	sdelay $0x3  }
0x34: {  	[smem:$0x3FBA] =	sst s10  }
0x35: {  	s10 =	sld [smem:$0x3FB9];
	_ =	sdelay $0x3  }
0x36: {  	p1 =	seq.s32 s10, $0x1;
	s10 =	sld [smem:$0x3FBA];
	_ =	sdelay $0x3  }
0x37: {  	[smem:$0x3FBA] =	sst s10  }
0x38: {  	s10 =	sld [smem:$0x3FBB]  }
0x39: {  	_ = 	snop;
	(pc) =	sbr.ind lr, $3  }
0x3a: {  	_ = 	snop  }
0x3b: {  	_ = 	snop  }
0x3c: {  	p2 =	seq.s32 s10, $0x1;
	s10 =	sld [smem:$0x3FBA]  }
0x3d: {  	_ =	shalt  }
0x3e: {  	_ =	shalt  }
0x3f: {  	_ =	shalt  }
0x40: {  	_ =	shalt  }
0x41: {  	_ =	shalt  }
0x42: {  	_ =	shalt  }
0x43: {  	_ =	shalt  }
0x44: {  	_ =	shalt  }
0x45: {  	_ =	shalt  }
0x46: {  	_ =	shalt  }
0x47: {  	_ =	shalt  }
0x48: {  	_ =	shalt  }
0x49: {  	_ =	shalt  }
0x4a: {  	_ =	shalt  }
0x4b: {  	_ =	shalt  }
0x4c: {  	_ =	shalt  }
0x4d: {  	_ =	shalt  }
0x4e: {  	_ =	shalt  }
0x4f: {  	_ =	shalt  }
0x50: {  	_ =	shalt  }
0x51: {  	_ =	shalt  }
0x52: {  	_ =	shalt  }
0x53: {  	_ =	shalt  }
0x54: {  	_ =	shalt  }
0x55: {  	_ =	shalt  }
0x56: {  	_ =	shalt  }
0x57: {  	_ =	shalt  }
0x58: {  	_ =	shalt  }
0x59: {  	_ =	shalt  }
0x5a: {  	_ =	shalt  }
0x5b: {  	_ =	shalt  }
0x5c: {  	_ =	shalt  }
0x5d: {  	_ =	shalt  }
0x5e: {  	_ =	shalt  }
0x5f: {  	_ =	shalt  }
0x60: {  	_ =	shalt  }
0x61: {  	_ =	shalt  }
0x62: {  	_ =	shalt  }
0x63: {  	_ =	shalt  }
0x64: {  	_ =	shalt  }
0x65: {  	_ =	shalt  }
0x66: {  	_ =	shalt  }
0x67: {  	_ =	shalt  }
0x68: {  	_ =	shalt  }
0x69: {  	_ =	shalt  }
0x6a: {  	_ =	shalt  }
0x6b: {  	_ =	shalt  }
0x6c: {  	_ =	shalt  }
0x6d: {  	_ =	shalt  }
0x6e: {  	_ =	shalt  }
0x6f: {  	_ =	shalt  }
0x70: {  	_ =	shalt  }
0x71: {  	_ =	shalt  }
0x72: {  	_ =	shalt  }
0x73: {  	_ =	shalt  }
0x74: {  	_ =	shalt  }
0x75: {  	_ =	shalt  }
0x76: {  	_ =	shalt  }
0x77: {  	_ =	shalt  }
0x78: {  	_ =	shalt  }
0x79: {  	_ =	shalt  }
0x7a: {  	_ =	shalt  }
0x7b: {  	_ =	shalt  }
0x7c: {  	_ =	shalt  }
0x7d: {  	_ =	shalt  }
0x7e: {  	_ =	shalt  }
0x7f: {  	_ =	shalt  }
0x80: {  	_ =	shalt  }
0x81: {  	_ =	shalt  }
0x82: {  	_ =	shalt  }
0x83: {  	_ =	shalt  }
0x84: {  	_ =	shalt  }
0x85: {  	_ =	shalt  }
0x86: {  	_ =	shalt  }
0x87: {  	_ =	shalt  }
.Lfunc_end0:
.L_simem_size_0:
called_computation_lowered:
.L_overlay_start_0:
0x88: {  	s2 =	sld [smem:$0x3FD9]  }
0x89: {  	s3 =	sld [smem:$0x3FFE];
	_ =	sdelay $0x1  }
0x8a: {  	s1 =	srdreg.scid  }
0x8b: {  	s0 =	sand.u32 $0x1, s1  }
0x8c: {  	s17 =	sshll.u32 s0, $0xA;
	s2 =	sadd.s32 s3, s2  }
0x8d: {  	s2 =	sadd.s32 s2, s17  }
0x8e: {  	[smem:$0x3FC6] =	sst s2  }
0x8f: {  	_ = 	snop  }
0x90: {  	s2 =	sld [smem:$0x3FC9]  }
0x91: {  	s18 =	sld [smem:$0x3FC8];
	(tm) =	ssettm $0x1  }
0x92: {  	s4 =	sld [smem:$0x3FFB];
	_ =	sdelay $0x3  }
0x93: {  	_ =	strace s4  }
0x94: {  	s4 =	sld [smem:$0x3FFC];
	_ =	sdelay $0x3  }
0x95: {  	_ =	strace s4  }
0x96: {  	s4 =	sld [smem:$0x3FFD];
	_ =	sdelay $0x3  }
0x97: {  	_ =	strace s4  }
0x98: {  	_ =	strace $0x8FFFFFFF  }
0x99: {  	s19 =	sld [smem:$0x3FDB];
	_ =	sdelay $0x1  }
0x9a: {  	s5 =	simm.s32 $_scs_section_size  }
0x9b: {  	s6 =	simm.s32 $_size__tile_overlayer_lowered;
	s7 =	simm.s32 $_tile_overlayer_lowered  }
0x9c: {  	s22 =	simm.s32 $0x1BFF;
	s21 =	sshll.u32 s7, $0x1;
	s4 =	sadd.s32 s5, s19  }
0x9d: {  	s8 =	simm.s32 $0x0;
	s20 =	sshll.u32 s6, $0x1;
	s6 =	sadd.s32 s21, s4  }
0x9e: {  	[timem:s8], [sflag:s22] =	dma.local [hbm:s6], s20  }
0x9f: {  	_ =	swait.ge [sflag:s22], s20  }
0xa0: {  	s5 =	ssub.s32 $0x0, s20;
	[sflag:s22] =	ssyncset.done $0x0  }
0xa1: {  	[sflag:s22] =	ssyncadd.s32 s5;
	_ =	sdelay $0x1  }
0xa2: {  	s23 =	simm.s32 $0x1B8B  }
0xa3: {  	_ =	swait.ge [sflag:s23], $0x1  }
0xa4: {  	[sflag:s23] =	ssyncset.done $0x0  }
0xa5: {  	s25 =	simm.s32 $0x1B8E;
	s24 =	sld [smem:$0x3FFE];
	[sflag:s23] =	ssyncadd.s32 $0xFFFFFFFF  }
0xa6: {  	s26 =	simm.s32 $execute0_lowered;
	[smem:$0x3FD2] =	sst s25  }
0xa7: {  	s6 =	sshll.u32 s26, $0x1;
	_ =	strace $0x80000046;
	[dreg:$0x1] =	wrdreg $0xFFFFFFFF  }
0xa8: {  	s28 =	simm.s32 $_size_execute0_lowered;
	s4 =	sadd.s32 s4, s6;
	[dreg:$0x0] =	wrdreg $0x0  }
0xa9: {  	s6 =	sshll.u32 s28, $0x1;
	[dreg:$0x2] =	wrdreg s4  }
0xaa: {  	[dreg:$0x3] =	wrdreg s6  }
0xab: {  	[dreg:$0x4] =	wrdreg $0xC0  }
0xac: {  	_ =	task [dreg:s8], $0x5FFFF  }
0xad: {  	[dreg:$0x1] =	wrdreg $0xFFFFFFFF  }
0xae: {  	[dreg:$0x0] =	wrdreg $0x60  }
0xaf: {  	[dreg:$0x2] =	wrdreg s2  }
0xb0: {  	[dreg:$0x3] =	wrdreg s18  }
0xb1: {  	[dreg:$0x4] =	wrdreg s24  }
0xb2: {  	[dreg:$0x5] =	wrdreg $0x9  }
0xb3: {  	_ =	task.clear_ibuf [dreg:s8], $0x6FFFF;
	_ =	strace $0x90000046  }
0xb4: {  	s29 =	simm.s32 $0x9;
	_ =	strace $0x80000048  }
0xb5: {  	_ =	swait.ge [sflag:s29], $0x1  }
0xb6: {  	[sflag:s29] =	ssyncadd.s32 $0xFFFFFFFF  }
0xb7: {  	_ =	strace $0x90000048  }
0xb8: {  	_ =	sfence  }
0xb9: {  	s30 =	sld [smem:$0x0];
	_ =	sdelay $0x2  }
0xba: {  	s31 =	sshll.u32 s1, $0xD;
	s1 =	sshrl.u32 s1, $0x2  }
0xbb: {  	s3 =	sand.u32 $0x4000, s31;
	s1 =	sadd.s32 s1, s30  }
0xbc: {  	s0 =	sor.u32 s3, s0;
	s1 =	sshll.u32 s1, $0x11  }
0xbd: {  	s0 =	sor.u32 s1, s0  }
0xbe: {  	s0 =	sadd.s32 $0x8F2B, s0  }
0xbf: {  	[sflag:s0] =	ssyncadd.remote.s32 $0x1  }
0xc0: {  	_ =	sfence.sel $0xFFFF  }
0xc1: {  	[dreg:$0x0] =	wrdreg $0xFFFFFFFF;
	(pc) =	sbr.abs _section_cstart, $3  }
0xc2: {  	[dreg:$0x1] =	wrdreg $0xFFFFFFFF  }
0xc3: {  	_ =	task.clear_ibuf [dreg:s8], $0x2FFFF;
	_ =	strace $0x9FFFFFFF  }
0xc4: {  	(tm) =	ssettm $0x7FFFFFFF  }
0xc5: {  	_ =	shalt  }
tec
execute0_lowered:
.L_overlay_start_1:
0x0: {  	(tag) =	ssettag $0x1  }
0x1: {  	s1 =	rddreg [dreg:$0x0]  }
0x2: {  	s2 =	rddreg [dreg:$0x1]  }
0x3: {  	s0 =	rddreg [dreg:$0x2];
	s3 =	srdreg.scid  }
0x4: {  	s4 =	simm.s32 $0x0;
	s10 =	stileid.u32;
	s14 =	simm.s32 $0x200  }
0x5: {  	s15 =	simm.s32 $0x400;
	s16 =	simm.s32 $0x6000;
	s17 =	simm.s32 $0x2000  }
0x6: {  	s18 =	simm.s32 $0x8000;
	s19 =	simm.s32 $0x1;
	s20 =	simm.s32 $0x4000  }
0x7: {  	s21 =	simm.s32 $0xA000;
	s22 =	simm.s32 $0x2;
	s23 =	simm.s32 $0x3  }
0x8: {  	s3 =	sand.u32 $0x1, s3;
	[smem:$0x7FF] =	sst s4;
	s6 =	sshll.u32 s10, $0xE  }
0x9: {  	s31 =	sshll.u32 s10, $0x5;
	s5 =	sshll.u32 s3, $0x9;
	_ =	strace $0x80000047  }
0xa: {  	s7 =	ssub.s32 $0x2, s3;
	s3 =	sshll.u32 s3, $0x4;
	s5 =	sor.u32 s5, s6  }
0xb: {  	s24 =	sshrl.u32 s7, $0x1;
	s0 =	sadd.s32 s3, s0;
	s8 =	sshrl.u32 s5, $0x3  }
0xc: {  	s25 =	ssub.s32 s7, s24;
	s9 =	sor.u32 $0x80000, s5;
	s10 =	sor.u32 $0xC0000, s5  }
0xd: {  	s11 =	sor.u32 $0x100000, s5;
	s0 =	sadd.s32 s31, s0;
	s28 =	sadd.s32 s1, s8  }
0xe: {  	s26 =	sor.u32 $0x8000, s8;
	s29 =	sadd.s32 s2, s8;
	[dreg:$0x4] =	wrdreg s28  }
0xf: {  	s12 =	sadd.s32 $0x400, s0;
	[dreg:$0x5] =	wrdreg s29;
	s30 =	sadd.s32 s1, s26  }
0x10: {  	vm0 =	vcmask $0x310;
	s13 =	smax.u32 s25, $0x1;
	s6 =	sadd.s32 s2, s26;
	[dreg:$0x6] =	wrdreg s30  }
0x11: {  	vm1 =	vcmask $0x710;
	vm2 =	vcmask $0xB10;
	vm3 =	vmmov $0x1;
	s25 =	simm.s32 $0x4;
	s26 =	simm.s32 $0x0;
	[dreg:$0x7] =	wrdreg s6  }
.LBB2_1:
0x12: {  	s0 =	rddreg [dreg:$0x4]  }
0x13: {  	[tilespmem:s4], [sflag:$0x1] =	stream.strided.gather [hbm4b:s0+s14], $0x2000, s15, s14, $0x38;
	[tilespmem:$0xC080] =	vst v63  }
0x14: {  	s29 =	rddreg [dreg:$0x5]  }
0x15: {  	[tilespmem:s16], [sflag:$0x1] =	stream.strided.gather [hbm4b:s29+s14], $0x2000, s15, s14, $0x38;
	[tilespmem:$0xC080] =	vst v63  }
0x16: {  	s30 =	rddreg [dreg:$0x6]  }
0x17: {  	[tilespmem:s17], [sflag:$0x2] =	stream.strided.gather [hbm4b:s30+s14], $0x2000, s15, s14, $0x38;
	[tilespmem:$0xC080] =	vst v63  }
0x18: {  	s31 =	rddreg [dreg:$0x7];
	v0 =	vimm.f32 $0.0e+00;
	v1 =	vimm.f32 $0.0e+00;
	s28 =	simm.s32 $0x0  }
0x19: {  	v2 =	vimm.f32 $0.0e+00;
	v7 =	vimm.f32 $0.0e+00;
	v3 =	vimm.f32 $0.0e+00;
	[tilespmem:s18], [sflag:$0x2] =	stream.strided.gather [hbm4b:s31+s14], $0x2000, s15, s14, $0x38;
	[tilespmem:$0xC080] =	vst v63  }
.LBB2_2:
0x1a: {  	_ =	swait.ge [sflag:s19], $0x2000  }
0x1b: {  	s29 =	smul.u32 $0xC0000, s28;
	[sflag:s19] =	ssyncset.done $0x0  }
0x1c: {  	[sflag:s19] =	ssyncadd.s32 $0xFFFFE000  }
0x1d: {  	s24 =	simm.s32 $0x0;
	s0 =	sadd.s32 s9, s29;
	_ =	swait.ge [sflag:s19], $0x2000  }
0x1e: {  	s7 =	sand.u32 $0x40, s24;
	s0 =	sshrl.u32 s0, $0x3;
	[sflag:s19] =	ssyncset.done $0x0  }
0x1f: {  	s8 =	sand.u32 $0x1E00, s24;
	s3 =	sadd.s32 s1, s0;
	[sflag:s19] =	ssyncadd.s32 $0xFFFFE000  }
0x20: {  	[tilespmem:s20], [sflag:$0x3] =	stream.strided.gather [hbm4b:s3+s14], $0x2000, s15, s14, $0x38;
	[tilespmem:$0xC080] =	vst v63  }
0x21: {  	s31 =	sor.u32 s7, s8;
	s0 =	sadd.s32 s2, s0  }
0x22: {  	[tilespmem:s21], [sflag:$0x3] =	stream.strided.gather [hbm4b:s0+s14], $0x2000, s15, s14, $0x38;
	[tilespmem:$0xC080] =	vst v63  }
0x23: {  	v4 =	vld [tilespmem:s31+$0x6030]  }
0x24: {  	v5 =	vld [tilespmem:s31+$0x6000];
	_ =	sdelay $0x1  }
0x25: {  	s5 =	simm.s32 $0x40;
	s6 =	simm.s32 $0x100  }
0x26: {  	s3 =	sand.u32 $0x1E00, s6;
	s0 =	sand.u32 $0x40, s5;
	v6 =	vld [tilespmem:s31+$0x6010]  }
0x27: {  	v9 =	vld [tilespmem:s31+$0x6020];
	s30 =	sor.u32 s0, s3;
	v8 =	vshll.u32 v4, $0x2  }
0x28: {  	v14 =	vld [tilespmem:s30+$0x6020];
	v10 =	vshll.u32 v5, $0x2;
	v4 =	vand.u32 $0x7F, v4;
	v8 =	vand.u32 $0xFFFFFE00, v8  }
0x29: {  	v5 =	vand.u32 $0x7F, v5;
	v10 =	vand.u32 $0xFFFFFE00, v10;
	v4 =	vor.u32 v4, v8;
	v8 =	vld [tilespmem:s30+$0x6030]  }
0x2a: {  	s7 =	simm.s32 $0x80;
	s8 =	simm.s32 $0x200;
	v5 =	vor.u32 v5, v10  }
0x2b: {  	s0 =	sand.u32 $0x40, s7;
	s3 =	sand.u32 $0x1E00, s8;
	v10 =	vld [tilespmem:s30+$0x6000]  }
0x2c: {  	v12 =	vld [tilespmem:s30+$0x6010];
	s0 =	sor.u32 s0, s3;
	v11 =	vshll.u32 v6, $0x2;
	v13 =	vshll.u32 v9, $0x2;
	v6 =	vand.u32 $0x7F, v6  }
0x2d: {  	v18 =	vld [tilespmem:s0+$0x6030];
	v9 =	vand.u32 $0x7F, v9;
	v11 =	vand.u32 $0xFFFFFE00, v11;
	v19 =	vand.u32 $0x7F, v14  }
0x2e: {  	v6 =	vor.u32 v6, v11;
	v11 =	vshll.u32 v14, $0x2;
	v4 =	vld.idx.msk [tilespmem:v4+s24+$0x0], $0xffff;
	v15 =	vshll.u32 v8, $0x2  }
0x2f: {  	v8 =	vand.u32 $0x7F, v8;
	v17 =	vld.idx.msk [tilespmem:v5+s24+$0x0], $0xffff;
	v5 =	vand.u32 $0xFFFFFE00, v13;
	v15 =	vand.u32 $0xFFFFFE00, v15  }
0x30: {  	v13 =	vld [tilespmem:s0+$0x6000];
	v20 =	vor.u32 v9, v5;
	v5 =	vshll.u32 v10, $0x2;
	v8 =	vor.u32 v8, v15  }
0x31: {  	v9 =	vshll.u32 v12, $0x2;
	v10 =	vand.u32 $0x7F, v10;
	v5 =	vand.u32 $0xFFFFFE00, v5  }
0x32: {  	v14 =	vld [tilespmem:s0+$0x6010];
	v12 =	vand.u32 $0x7F, v12;
	v9 =	vand.u32 $0xFFFFFE00, v9;
	v16 =	vor.u32 v10, v5  }
0x33: {  	v21 =	vand.u32 $0xFFFFFE00, v11;
	v15 =	vld [tilespmem:s0+$0x6020];
	v11 =	vor.u32 v12, v9  }
0x34: {  	v10 =	vor.u32 v19, v21;
	v9 =	vld.idx.msk [tilespmem:v6+s24+$0x0], $0xffff;
	v6 =	vimm.f32 $0.0e+00;
	v4 =	vadd.f32 v4, v0  }
0x35: {  	s5 =	simm.s32 $0x300;
	s3 =	simm.s32 $0xC0;
	v3 =	vadd.f32 v17, v3;
	v17 =	vshll.u32 v13, $0x2;
	v5 =	vld.idx.msk [tilespmem:v8+s24+$0x0], $0xffff;
	v8 =	vshll.u32 v18, $0x2  }
0x36: {  	s6 =	simm.s32 $0x100;
	s8 =	sand.u32 $0x1E00, s5;
	s7 =	sand.u32 $0x40, s3;
	v12 =	vld.idx.msk [tilespmem:v20+s24+$0x0], $0xffff;
	v18 =	vand.u32 $0x7F, v18;
	v19 =	vand.u32 $0xFFFFFE00, v8;
	v8 =	vimm.f32 $0.0e+00  }
.LBB2_3:
0x37: {  	p0 =	sne.s32 s6, $0x7C0;
	s7 =	sor.u32 s7, s8;
	v17 =	vand.u32 $0xFFFFFE00, v17;
	v20 =	vshll.u32 v14, $0x2;
	v18 =	vor.u32 v18, v19;
	v19 =	vld.idx.msk [tilespmem:v16+s24+$0x0], $0xffff  }
0x38: {  	v16 =	vand.u32 $0x7F, v13;
	v21 =	vld [tilespmem:s7+$0x6030];
	v20 =	vand.u32 $0xFFFFFE00, v20;
	v22 =	vshll.u32 v15, $0x2  }
0x39: {  	v23 =	vand.u32 $0x7F, v14;
	v24 =	vand.u32 $0x7F, v15;
	v13 =	vld [tilespmem:s7+$0x6000];
	v22 =	vand.u32 $0xFFFFFE00, v22  }
.Ltmp0:
0x3a: {  	v16 =	vor.u32 v16, v17;
	v17 =	vor.u32 v23, v20;
	v4 =	vadd.f32 v5, v4;
	v14 =	vld [tilespmem:s7+$0x6010];
	(pc) =	sbr.rel @p0 .LBB2_3-.Ltmp0, $4  }
0x3b: {  	v20 =	vor.u32 v24, v22;
	v8 =	vadd.f32 v9, v8;
	v15 =	vld [tilespmem:s7+$0x6020]  }
0x3c: {  	v6 =	vadd.f32 v12, v6;
	v5 =	vld.idx.msk [tilespmem:v18+s24+$0x0], $0xffff  }
0x3d: {  	s5 =	sadd.s32 $0x100, s5;
	v3 =	vadd.f32 v19, v3;
	v12 =	vshll.u32 v21, $0x2;
	v9 =	vld.idx.msk [tilespmem:v11+s24+$0x0], $0xffff;
	v11 =	vmov v17  }
0x3e: {  	s8 =	sand.u32 $0x1E00, s5;
	s7 =	sand.u32 $0x40, s6;
	s6 =	sadd.s32 $0x40, s6;
	v18 =	vand.u32 $0x7F, v21;
	v17 =	vshll.u32 v13, $0x2;
	v19 =	vand.u32 $0xFFFFFE00, v12;
	v12 =	vld.idx.msk [tilespmem:v10+s24+$0x0], $0xffff;
	v10 =	vmovc v20  }
0x3f: {  	_ =	sdelay $0x3  }
0x40: {  	s5 =	sor.u32 s7, s8;
	v11 =	vld.idx.msk [tilespmem:v11+s24+$0x0], $0xffff  }
0x41: {  	v21 =	vshll.u32 v14, $0x2;
	v20 =	vld [tilespmem:s5+$0x6030]  }
0x42: {  	v18 =	vor.u32 v18, v19;
	v14 =	vand.u32 $0x7F, v14;
	v19 =	vld [tilespmem:s5+$0x6000];
	v21 =	vand.u32 $0xFFFFFE00, v21  }
0x43: {  	v17 =	vand.u32 $0xFFFFFE00, v17;
	v13 =	vand.u32 $0x7F, v13;
	v22 =	vld [tilespmem:s5+$0x6010];
	v14 =	vor.u32 v14, v21  }
0x44: {  	v16 =	vld.idx.msk [tilespmem:v16+s24+$0x0], $0xffff;
	v23 =	vshll.u32 v15, $0x2;
	v4 =	vadd.f32 v5, v4;
	v5 =	vadd.f32 v9, v8  }
0x45: {  	v13 =	vor.u32 v13, v17;
	v17 =	vld [tilespmem:s5+$0x6020];
	v15 =	vand.u32 $0x7F, v15;
	v23 =	vand.u32 $0xFFFFFE00, v23  }
0x46: {  	v10 =	vld.idx.msk [tilespmem:v10+s24+$0x0], $0xffff;
	v15 =	vor.u32 v15, v23;
	v5 =	vadd.f32 v11, v5  }
0x47: {  	v8 =	vld [tilespmem:s31+$0x60B0];
	v24 =	vshll.u32 v20, $0x2;
	v20 =	vand.u32 $0x7F, v20;
	v21 =	vshll.u32 v19, $0x2  }
0x48: {  	v23 =	vshll.u32 v22, $0x2;
	v19 =	vand.u32 $0x7F, v19;
	v24 =	vand.u32 $0xFFFFFE00, v24;
	v14 =	vld.idx.msk [tilespmem:v14+s24+$0x0], $0xffff  }
0x49: {  	v18 =	vld.idx.msk [tilespmem:v18+s24+$0x0], $0xffff;
	v22 =	vand.u32 $0x7F, v22;
	v21 =	vand.u32 $0xFFFFFE00, v21;
	v20 =	vor.u32 v20, v24  }
0x4a: {  	v11 =	vld [tilespmem:s31+$0x6080];
	v23 =	vand.u32 $0xFFFFFE00, v23;
	v19 =	vor.u32 v19, v21;
	v21 =	vshll.u32 v17, $0x2  }
0x4b: {  	v13 =	vld.idx.msk [tilespmem:v13+s24+$0x0], $0xffff;
	v22 =	vor.u32 v22, v23;
	v17 =	vand.u32 $0x7F, v17;
	v21 =	vand.u32 $0xFFFFFE00, v21  }
0x4c: {  	v15 =	vld.idx.msk [tilespmem:v15+s24+$0x0], $0xffff;
	v17 =	vor.u32 v17, v21  }
0x4d: {  	v5 =	vadd.f32 v14, v5;
	v14 =	vld [tilespmem:s31+$0x60A0]  }
0x4e: {  	v20 =	vld.idx.msk [tilespmem:v20+s24+$0x0], $0xffff  }
0x4f: {  	v6 =	vadd.f32 v12, v6;
	v19 =	vld.idx.msk [tilespmem:v19+s24+$0x0], $0xffff  }
0x50: {  	v3 =	vadd.f32 v16, v3;
	v21 =	vld.idx.msk [tilespmem:v22+s24+$0x0], $0xffff  }
0x51: {  	v6 =	vadd.f32 v10, v6;
	v9 =	vld.idx.msk [tilespmem:v17+s24+$0x0], $0xffff  }
0x52: {  	v4 =	vadd.f32 v18, v4;
	v10 =	vadd.f32 v13, v3;
	v13 =	vld [tilespmem:s31+$0x6090]  }
0x53: {  	v12 =	vimm.f32 $0.0e+00;
	v6 =	vadd.f32 v15, v6  }
0x54: {  	v17 =	vshll.u32 v14, $0x2;
	v3 =	vadd.f32 v20, v4;
	v4 =	vadd.f32 v19, v10  }
0x55: {  	v10 =	vshll.u32 v8, $0x2;
	v5 =	vadd.f32 v21, v5;
	v8 =	vand.u32 $0x7F, v8  }
0x56: {  	v15 =	vld [tilespmem:s30+$0x60B0];
	v17 =	vand.u32 $0xFFFFFE00, v17;
	v10 =	vand.u32 $0xFFFFFE00, v10;
	v6 =	vadd.f32 v9, v6  }
0x57: {  	v19 =	vld [tilespmem:s30+$0x6090];
	v9 =	vshll.u32 v11, $0x2;
	v8 =	vor.u32 v10, v8;
	v10 =	vshll.u32 v13, $0x2  }
0x58: {  	v16 =	vld [tilespmem:s30+$0x6080];
	v11 =	vand.u32 $0x7F, v11;
	v13 =	vand.u32 $0x7F, v13;
	v9 =	vand.u32 $0xFFFFFE00, v9  }
0x59: {  	v8 =	vor.u32 $0x80, v8;
	v10 =	vand.u32 $0xFFFFFE00, v10;
	v9 =	vor.u32 v9, v11  }
0x5a: {  	v10 =	vor.u32 v10, v13;
	v11 =	vand.u32 $0x7F, v14;
	v13 =	vld [tilespmem:s30+$0x60A0];
	v9 =	vor.u32 $0x80, v9  }
0x5b: {  	v11 =	vor.u32 v17, v11;
	v14 =	vor.u32 $0x80, v10;
	v17 =	vshll.u32 v15, $0x2  }
0x5c: {  	v18 =	vshll.u32 v19, $0x2;
	v19 =	vand.u32 $0x7F, v19;
	v10 =	vor.u32 $0x80, v11  }
0x5d: {  	v22 =	vld [tilespmem:s0+$0x60B0];
	v11 =	vand.u32 $0x7F, v15;
	v15 =	vand.u32 $0xFFFFFE00, v17;
	v17 =	vshll.u32 v16, $0x2  }
0x5e: {  	s24 =	simm.s32 $0x0;
	v11 =	vor.u32 v15, v11;
	v15 =	vand.u32 $0xFFFFFE00, v17;
	v17 =	vand.u32 $0xFFFFFE00, v18;
	v18 =	vld [tilespmem:s0+$0x6080]  }
0x5f: {  	v16 =	vand.u32 $0x7F, v16;
	v8 =	vld.idx.msk [tilespmem:v8+s24+$0x0], $0xffff;
	v11 =	vor.u32 $0x80, v11;
	v20 =	vshll.u32 v13, $0x2  }
0x60: {  	v15 =	vor.u32 v15, v16;
	v13 =	vand.u32 $0x7F, v13;
	v21 =	vand.u32 $0xFFFFFE00, v20;
	v20 =	vld [tilespmem:s0+$0x6090]  }
0x61: {  	v16 =	vor.u32 v17, v19;
	v19 =	vld [tilespmem:s0+$0x60A0];
	v17 =	vor.u32 $0x80, v15;
	v13 =	vor.u32 v21, v13  }
0x62: {  	v15 =	vor.u32 $0x80, v16;
	v16 =	vld.idx.msk [tilespmem:v14+s24+$0x0], $0xffff;
	v14 =	vimm.f32 $0.0e+00;
	v21 =	vor.u32 $0x80, v13  }
0x63: {  	s5 =	sand.u32 $0x40, s3;
	s30 =	simm.s32 $0x300;
	v9 =	vld.idx.msk [tilespmem:v9+s24+$0x0], $0xffff;
	v13 =	vshll.u32 v22, $0x2;
	v23 =	vshll.u32 v18, $0x2;
	v22 =	vand.u32 $0x7F, v22  }
0x64: {  	s3 =	simm.s32 $0x100;
	s6 =	sand.u32 $0x1E00, s30;
	s0 =	simm.s32 $0x0;
	v8 =	vadd.f32 v8, v12;
	v11 =	vld.idx.msk [tilespmem:v11+s24+$0x0], $0xffff;
	v24 =	vand.u32 $0xFFFFFE00, v13;
	v13 =	vimm.f32 $0.0e+00  }
.LBB2_5:
0x65: {  	p0 =	sne.s32 s3, $0x7C0;
	s5 =	sor.u32 s5, s6;
	v23 =	vand.u32 $0xFFFFFE00, v23;
	v25 =	vshll.u32 v20, $0x2;
	v22 =	vor.u32 v24, v22;
	v24 =	vld.idx.msk [tilespmem:v10+s0+$0x0], $0xffff;
	v10 =	vmovc v21;
	s0 =	smov.u32 s24  }
0x66: {  	v26 =	vld [tilespmem:s5+$0x60B0];
	v21 =	vand.u32 $0xFFFFFE00, v25;
	v25 =	vshll.u32 v19, $0x2;
	v22 =	vor.u32 $0x80, v22  }
0x67: {  	v27 =	vand.u32 $0x7F, v18;
	v28 =	vand.u32 $0x7F, v20;
	v18 =	vld [tilespmem:s5+$0x6080];
	v25 =	vand.u32 $0xFFFFFE00, v25  }
.Ltmp1:
0x68: {  	v23 =	vor.u32 v23, v27;
	v27 =	vand.u32 $0x7F, v19;
	v21 =	vor.u32 v21, v28;
	v20 =	vld [tilespmem:s5+$0x6090];
	(pc) =	sbr.rel @p0 .LBB2_5-.Ltmp1, $4  }
0x69: {  	v23 =	vor.u32 $0x80, v23;
	v25 =	vor.u32 v25, v27;
	v8 =	vadd.f32 v11, v8;
	v19 =	vld [tilespmem:s5+$0x60A0]  }
0x6a: {  	v7 =	vadd.f32 v9, v7;
	v27 =	vor.u32 $0x80, v21;
	v21 =	vor.u32 $0x80, v25;
	v9 =	vld.idx.msk [tilespmem:v17+s0+$0x0], $0xffff;
	v17 =	vmovc v23  }
0x6b: {  	s30 =	sadd.s32 $0x100, s30;
	v13 =	vadd.f32 v16, v13;
	v14 =	vadd.f32 v24, v14;
	v25 =	vshll.u32 v26, $0x2;
	v11 =	vld.idx.msk [tilespmem:v22+s24+$0x0], $0xffff  }
0x6c: {  	s6 =	sand.u32 $0x1E00, s30;
	s5 =	sand.u32 $0x40, s3;
	s3 =	sadd.s32 $0x40, s3;
	v22 =	vand.u32 $0x7F, v26;
	v23 =	vshll.u32 v18, $0x2;
	v24 =	vand.u32 $0xFFFFFE00, v25;
	v16 =	vld.idx.msk [tilespmem:v15+s0+$0x0], $0xffff;
	v15 =	vmovc v27  }
0x6d: {  	s3 =	sor.u32 s5, s6  }
0x6e: {  	v25 =	vld [tilespmem:s3+$0x60B0]  }
0x6f: {  	v23 =	vand.u32 $0xFFFFFE00, v23;
	v26 =	vshll.u32 v20, $0x2;
	v18 =	vand.u32 $0x7F, v18;
	v27 =	vld [tilespmem:s3+$0x6080]  }
0x70: {  	v22 =	vor.u32 v24, v22;
	v20 =	vand.u32 $0x7F, v20;
	v18 =	vor.u32 v23, v18;
	v23 =	vld [tilespmem:s3+$0x60A0]  }
0x71: {  	v24 =	vand.u32 $0xFFFFFE00, v26;
	v26 =	vshll.u32 v19, $0x2;
	v22 =	vor.u32 $0x80, v22  }
0x72: {  	v28 =	vld [tilespmem:s3+$0x6090];
	v19 =	vand.u32 $0x7F, v19;
	v26 =	vand.u32 $0xFFFFFE00, v26;
	v20 =	vor.u32 v24, v20  }
0x73: {  	v18 =	vor.u32 $0x80, v18;
	v19 =	vor.u32 v26, v19;
	v20 =	vor.u32 $0x80, v20  }
0x74: {  	v19 =	vor.u32 $0x80, v19;
	v24 =	vshll.u32 v25, $0x2;
	v25 =	vand.u32 $0x7F, v25  }
0x75: {  	v10 =	vld.idx.msk [tilespmem:v10+s0+$0x0], $0xffff;
	v26 =	vshll.u32 v27, $0x2;
	v29 =	vshll.u32 v23, $0x2;
	v27 =	vand.u32 $0x7F, v27  }
0x76: {  	v17 =	vld.idx.msk [tilespmem:v17+s24+$0x0], $0xffff;
	v23 =	vand.u32 $0x7F, v23;
	v24 =	vand.u32 $0xFFFFFE00, v24;
	v29 =	vand.u32 $0xFFFFFE00, v29  }
0x77: {  	v15 =	vld.idx.msk [tilespmem:v15+s24+$0x0], $0xffff;
	v24 =	vor.u32 v24, v25;
	v25 =	vand.u32 $0xFFFFFE00, v26;
	v26 =	vshll.u32 v28, $0x2  }
0x78: {  	s30 =	simm.s32 $0x0;
	v21 =	vld.idx.msk [tilespmem:v21+s24+$0x0], $0xffff;
	v28 =	vand.u32 $0x7F, v28;
	v23 =	vor.u32 v29, v23;
	v24 =	vor.u32 $0x80, v24  }
0x79: {  	v22 =	vld.idx.msk [tilespmem:v22+s30+$0x0], $0xffff;
	v26 =	vand.u32 $0xFFFFFE00, v26;
	v25 =	vor.u32 v25, v27;
	v23 =	vor.u32 $0x80, v23  }
0x7a: {  	v18 =	vld.idx.msk [tilespmem:v18+s30+$0x0], $0xffff;
	v26 =	vor.u32 v26, v28;
	v25 =	vor.u32 $0x80, v25  }
0x7b: {  	v20 =	vld.idx.msk [tilespmem:v20+s30+$0x0], $0xffff;
	v26 =	vor.u32 $0x80, v26  }
0x7c: {  	v19 =	vld.idx.msk [tilespmem:v19+s30+$0x0], $0xffff  }
0x7d: {  	v24 =	vld.idx.msk [tilespmem:v24+s30+$0x0], $0xffff  }
0x7e: {  	v8 =	vadd.f32 v11, v8;
	v10 =	vadd.f32 v10, v14;
	v11 =	vld.idx.msk [tilespmem:v23+s30+$0x0], $0xffff  }
0x7f: {  	v7 =	vadd.f32 v9, v7;
	v13 =	vadd.f32 v16, v13;
	v9 =	vld.idx.msk [tilespmem:v25+s30+$0x0], $0xffff  }
0x80: {  	p0 =	por $0x1, $0x1;
	v10 =	vadd.f32 v21, v10;
	v14 =	vld.idx.msk [tilespmem:v26+s30+$0x0], $0xffff  }
.Ltmp2:
0x81: {  	v7 =	vadd.f32 v17, v7;
	v13 =	vadd.f32 v15, v13;
	(pc) =	sbr.rel @!p0 .LBB2_17-.Ltmp2, $4  }
0x82: {  	v35 =	vimm.f32 $0.0e+00;
	v8 =	vadd.f32 v22, v8;
	v10 =	vadd.f32 v19, v10  }
0x83: {  	p6 =	por $0x0, $0x0;
	s31 =	simm.s32 $0x1;
	s0 =	simm.s32 $0x0;
	v29 =	vimm.f32 $0.0e+00;
	v15 =	vadd.f32 v18, v7;
	v13 =	vadd.f32 v20, v13  }
0x84: {  	p2 =	por $0x0, $0x0;
	p3 =	por $0x0, $0x0;
	s31 =	simm.s32 @!p6 $0x0;
	v28 =	vimm.f32 $0.0e+00;
	v7 =	vadd.f32 v24, v8;
	v10 =	vadd.f32 v11, v10  }
0x85: {  	v31 =	vmovc v2;
	p4 =	por $0x0, $0x0;
	p5 =	por $0x0, $0x0;
	s3 =	smov.u32 s31;
	v18 =	vimm.f32 $0.0e+00;
	v8 =	vadd.f32 v9, v15;
	v9 =	vadd.f32 v14, v13  }
0x86: {  	s0 =	sshll.u32 s31, $0x6  }
0x87: {  	p0 =	por $0x1, $0x1;
	s0 =	sadd.s32 $0x0, s0  }
.Ltmp3:
0x88: {  	s3 =	sor.u32 $0x130, s0;
	(pc) =	sbr.rel @!p0 .LBB2_8-.Ltmp3, $4  }
0x89: {  	s5 =	sor.u32 $0x100, s0;
	v14 =	vld [tilespmem:s3+$0x6000]  }
0x8a: {  	s24 =	sor.u32 $0x110, s0;
	v27 =	vld [tilespmem:s5+$0x6000]  }
0x8b: {  	p1 =	por !p6, !p6;
	s0 =	sor.u32 $0x120, s0;
	v11 =	vld [tilespmem:s24+$0x6000];
	s3 =	simm.s32 $0x1  }
0x8c: {  	p2 =	por $0x1, $0x1;
	v13 =	vld [tilespmem:s0+$0x6000];
	s3 =	simm.s32 @!p1 $0x0  }
0x8d: {  	_ =	sdelay $0x1  }
0x8e: {  	s0 =	sshll.u32 s3, $0x6;
	v15 =	vshll.u32 v14, $0x2;
	v14 =	vand.u32 $0x7F, v14  }
0x8f: {  	p0 =	por $0x1, $0x1;
	s0 =	sadd.s32 $0x100, s0;
	v16 =	vshll.u32 v27, $0x2;
	v15 =	vand.u32 $0xFFFFFE00, v15;
	v17 =	vshll.u32 v11, $0x2  }
.Ltmp4:
0x90: {  	s7 =	sor.u32 $0x130, s0;
	v16 =	vand.u32 $0xFFFFFE00, v16;
	v15 =	vor.u32 v15, v14;
	v20 =	vand.u32 $0x7F, v11;
	(pc) =	sbr.rel @!p0 .LBB2_10-.Ltmp4, $4  }
0x91: {  	s5 =	sor.u32 $0x100, s0;
	v14 =	vld [tilespmem:s7+$0x6000];
	v17 =	vand.u32 $0xFFFFFE00, v17;
	v19 =	vshll.u32 v13, $0x2;
	v24 =	vor.u32 $0x100, v15  }
0x92: {  	s8 =	sor.u32 $0x110, s0;
	v18 =	vld [tilespmem:s5+$0x6000];
	v15 =	vand.u32 $0x7F, v27;
	v13 =	vand.u32 $0x7F, v13;
	v19 =	vand.u32 $0xFFFFFE00, v19  }
0x93: {  	p1 =	por !p1, !p1;
	s3 =	simm.s32 $0x1;
	s24 =	sor.u32 $0x120, s0;
	v11 =	vld [tilespmem:s8+$0x6000];
	v15 =	vor.u32 v16, v15;
	v17 =	vor.u32 v17, v20;
	v19 =	vor.u32 v19, v13  }
0x94: {  	p3 =	por $0x1, $0x1;
	s3 =	simm.s32 @!p1 $0x0;
	s0 =	simm.s32 $0x100;
	v13 =	vld [tilespmem:s24+$0x6000];
	v16 =	vor.u32 $0x100, v15;
	v15 =	vor.u32 $0x100, v17;
	v17 =	vor.u32 $0x100, v19  }
0x95: {  	_ =	sdelay $0x1  }
0x96: {  	s0 =	sshll.u32 s3, $0x6  }
0x97: {  	v19 =	vshll.u32 v14, $0x2;
	s0 =	sadd.s32 $0x200, s0;
	v14 =	vand.u32 $0x7F, v14;
	v20 =	vshll.u32 v18, $0x2  }
0x98: {  	v21 =	vld.idx.msk [tilespmem:v24+s30+$0x0], $0xffff;
	p0 =	por $0x1, $0x1;
	v19 =	vand.u32 $0xFFFFFE00, v19;
	s8 =	sor.u32 $0x130, s0;
	v22 =	vand.u32 $0xFFFFFE00, v20;
	v20 =	vshll.u32 v11, $0x2  }
.Ltmp5:
0x99: {  	s5 =	sor.u32 $0x100, s0;
	v18 =	vand.u32 $0x7F, v18;
	v19 =	vor.u32 v19, v14;
	v14 =	vld [tilespmem:s8+$0x6000];
	v23 =	vand.u32 $0xFFFFFE00, v20;
	(pc) =	sbr.rel @!p0 .LBB2_12-.Ltmp5, $4  }
0x9a: {  	s24 =	sor.u32 $0x110, s0;
	v27 =	vld [tilespmem:s5+$0x6000];
	v24 =	vshll.u32 v13, $0x2;
	v20 =	vor.u32 $0x100, v19;
	v19 =	vand.u32 $0x7F, v11  }
0x9b: {  	s0 =	sor.u32 $0x120, s0;
	v11 =	vld [tilespmem:s24+$0x6000];
	v18 =	vor.u32 v22, v18;
	v25 =	vand.u32 $0x7F, v13;
	v24 =	vand.u32 $0xFFFFFE00, v24  }
0x9c: {  	p1 =	por !p1, !p1;
	s3 =	simm.s32 $0x1;
	v13 =	vld [tilespmem:s0+$0x6000];
	v19 =	vor.u32 v23, v19;
	v22 =	vor.u32 $0x100, v18;
	v23 =	vor.u32 v24, v25  }
0x9d: {  	p4 =	por $0x1, $0x1;
	s3 =	simm.s32 @!p1 $0x0;
	s0 =	simm.s32 $0x200;
	v18 =	vadd.f32 v21, v12;
	v21 =	vor.u32 $0x100, v19;
	v19 =	vld.idx.msk [tilespmem:v16+s30+$0x0], $0xffff;
	v23 =	vor.u32 $0x100, v23  }
0x9e: {  	_ =	sdelay $0x3  }
0x9f: {  	s0 =	sshll.u32 s3, $0x6;
	v16 =	vshll.u32 v14, $0x2;
	v26 =	vld.idx.msk [tilespmem:v20+s30+$0x0], $0xffff;
	v14 =	vand.u32 $0x7F, v14;
	v24 =	vshll.u32 v27, $0x2  }
0xa0: {  	v25 =	vld.idx.msk [tilespmem:v15+s30+$0x0], $0xffff;
	v35 =	vimm.f32 $0.0e+00;
	s0 =	sadd.s32 $0x300, s0;
	v16 =	vand.u32 $0xFFFFFE00, v16;
	v28 =	vand.u32 $0xFFFFFE00, v24  }
0xa1: {  	v30 =	vld.idx.msk [tilespmem:v17+s30+$0x0], $0xffff;
	p0 =	por $0x1, $0x1;
	v24 =	vshll.u32 v11, $0x2;
	s7 =	sor.u32 $0x130, s0;
	v16 =	vor.u32 v16, v14;
	v32 =	vand.u32 $0x7F, v11  }
.Ltmp6:
0xa2: {  	s5 =	sor.u32 $0x100, s0;
	v29 =	vand.u32 $0xFFFFFE00, v24;
	v31 =	vshll.u32 v13, $0x2;
	v14 =	vld [tilespmem:s7+$0x6000];
	v24 =	vor.u32 $0x100, v16;
	(pc) =	sbr.rel @!p0 .LBB2_14-.Ltmp6, $4  }
0xa3: {  	v34 =	vmovc v21;
	s8 =	sor.u32 $0x110, s0;
	v16 =	vand.u32 $0x7F, v27;
	v27 =	vld [tilespmem:s5+$0x6000];
	v13 =	vand.u32 $0x7F, v13;
	v31 =	vand.u32 $0xFFFFFE00, v31  }
0xa4: {  	s24 =	sor.u32 $0x120, s0;
	v11 =	vld [tilespmem:s8+$0x6000];
	v16 =	vor.u32 v28, v16;
	v29 =	vor.u32 v29, v32;
	v28 =	vadd.f32 v26, v18;
	v26 =	vmovc v23  }
0xa5: {  	p6 =	por !p1, !p1;
	s3 =	simm.s32 $0x1;
	p5 =	por $0x1, $0x1;
	v16 =	vor.u32 $0x100, v16;
	v31 =	vor.u32 v31, v13;
	v13 =	vld [tilespmem:s24+$0x6000];
	v36 =	vor.u32 $0x100, v29  }
0xa6: {  	v33 =	vld.idx.msk [tilespmem:v22+s30+$0x0], $0xffff;
	s3 =	simm.s32 @!p6 $0x0;
	s0 =	simm.s32 $0x300;
	s24 =	simm.s32 $0x140;
	v29 =	vimm.f32 $0.0e+00;
	v32 =	vor.u32 $0x100, v31;
	v31 =	vadd.f32 v19, v2  }
.LBB2_15:
0xa7: {  	p1 =	sne.s32 s24, $0x7C0;
	s3 =	sshll.u32 s3, $0x6;
	v37 =	vshll.u32 v14, $0x2;
	s0 =	sadd.s32 $0x100, s0;
	v38 =	vld.idx.msk [tilespmem:v24+s30+$0x0], $0xffff;
	v29 =	vadd.f32 v25, v29;
	v35 =	vadd.f32 v30, v35  }
0xa8: {  	v14 =	vand.u32 $0x7F, v14;
	s3 =	sadd.s32 s3, s0;
	v24 =	vshll.u32 v27, $0x2;
	v30 =	vand.u32 $0xFFFFFE00, v37;
	v25 =	vld.idx.msk [tilespmem:v34+s30+$0x0], $0xffff;
	v34 =	vmovc v36  }
0xa9: {  	s5 =	sor.u32 $0x100, s3;
	s6 =	sor.u32 $0x110, s3;
	s7 =	sor.u32 $0x130, s3;
	v36 =	vand.u32 $0xFFFFFE00, v24;
	v24 =	vshll.u32 v11, $0x2;
	v37 =	vor.u32 v30, v14;
	v30 =	vld.idx.msk [tilespmem:v26+s30+$0x0], $0xffff;
	v26 =	vmovc v32  }
.Ltmp7:
0xaa: {  	s3 =	sor.u32 $0x120, s3;
	v14 =	vld [tilespmem:s7+$0x6000];
	v32 =	vand.u32 $0xFFFFFE00, v24;
	v39 =	vshll.u32 v13, $0x2;
	v24 =	vor.u32 $0x100, v37;
	(pc) =	sbr.rel @p1 .LBB2_15-.Ltmp7, $4  }
0xab: {  	v40 =	vand.u32 $0x7F, v11;
	v37 =	vand.u32 $0x7F, v27;
	v27 =	vld [tilespmem:s5+$0x6000];
	v39 =	vand.u32 $0xFFFFFE00, v39  }
0xac: {  	v36 =	vor.u32 v36, v37;
	v32 =	vor.u32 v32, v40;
	v37 =	vand.u32 $0x7F, v13;
	v11 =	vld [tilespmem:s6+$0x6000]  }
0xad: {  	p6 =	por !p6, !p6;
	v40 =	vor.u32 $0x100, v36;
	v37 =	vor.u32 v39, v37;
	v28 =	vadd.f32 v38, v28;
	v13 =	vld [tilespmem:s3+$0x6000];
	s3 =	simm.s32 $0x1  }
0xae: {  	s24 =	sadd.s32 $0x40, s24;
	v31 =	vadd.f32 v33, v31;
	v36 =	vor.u32 $0x100, v32;
	v32 =	vor.u32 $0x100, v37;
	s3 =	simm.s32 @!p6 $0x0;
	v33 =	vld.idx.msk [tilespmem:v16+s30+$0x0], $0xffff;
	v16 =	vmovc v40  }
0xaf: {  	p6 =	por $0x0, $0x0;
	p0 =	por $0x1, $0x1  }
.LBB2_17:
0xb0: {  	_ =	sdelay $0x2  }
0xb1: {  	v37 =	vshll.u32 @p2 v14, $0x2;
	v25 =	vadd.f32 @p5 v25, v29;
	v29 =	vadd.f32 @p5 v30, v35  }
0xb2: {  	v30 =	vshll.u32 @p2 v27, $0x2;
	s0 =	sadd.s32 @p2 $0x100, s0;
	v24 =	vld.idx.msk @p3 [tilespmem:v24+s30+$0x0], $0xffff;
	s5 =	simm.s32 $0x0;
	v14 =	vand.u32 @p2 $0x7F, v14;
	v27 =	vand.u32 @p2 $0x7F, v27  }
0xb3: {  	s3 =	sshll.u32 s3, $0x6;
	v34 =	vld.idx.msk @p4 [tilespmem:v34+s30+$0x0], $0xffff;
	v35 =	vand.u32 @p2 $0xFFFFFE00, v37;
	v37 =	vshll.u32 @p2 v11, $0x2;
	s5 =	smov.u32 @p2 s0;
	v30 =	vand.u32 @p2 $0xFFFFFE00, v30  }
0xb4: {  	v26 =	vld.idx.msk @p4 [tilespmem:v26+s30+$0x0], $0xffff;
	v11 =	vand.u32 @p2 $0x7F, v11;
	v14 =	vor.u32 @p2 v35, v14;
	v35 =	vand.u32 @p2 $0xFFFFFE00, v37;
	s0 =	sadd.s32 s3, s5  }
0xb5: {  	v16 =	vld.idx.msk @p3 [tilespmem:v16+s30+$0x0], $0xffff;
	v37 =	vshll.u32 @p2 v13, $0x2;
	v27 =	vor.u32 @p2 v30, v27;
	v13 =	vand.u32 @p2 $0x7F, v13;
	s3 =	sor.u32 $0x130, s0  }
0xb6: {  	v25 =	vpsel p5, v25, v12;
	v29 =	vpsel p5, v29, v12;
	v14 =	vor.u32 @p2 $0x100, v14;
	s5 =	sor.u32 $0x100, s0;
	v50 =	vld [tilespmem:s3+$0x6000]  }
0xb7: {  	v37 =	vand.u32 @p2 $0xFFFFFE00, v37;
	v11 =	vor.u32 @p2 v35, v11;
	v27 =	vor.u32 @p2 $0x100, v27;
	s24 =	sor.u32 $0x110, s0;
	v51 =	vld [tilespmem:s5+$0x6000]  }
0xb8: {  	s0 =	sor.u32 $0x120, s0;
	v31 =	vadd.f32 @p4 v33, v31;
	v13 =	vor.u32 @p2 v37, v13;
	v11 =	vor.u32 @p2 $0x100, v11;
	v52 =	vld [tilespmem:s24+$0x6000]  }
0xb9: {  	v14 =	vpsel p2, v14, v20;
	v20 =	vmovc @p3 v32;
	v53 =	vld [tilespmem:s0+$0x6000];
	v24 =	vadd.f32 @p3 v24, v28;
	v13 =	vor.u32 @p2 $0x100, v13  }
0xba: {  	v33 =	vpsel p4, v34, v0;
	v11 =	vpsel p2, v11, v21;
	v17 =	vpsel p3, v20, v17  }
0xbb: {  	v28 =	vmovc @p3 v36;
	v20 =	vpsel p2, v27, v22;
	v26 =	vpsel p4, v26, v0;
	v16 =	vpsel p3, v16, v19  }
0xbc: {  	v15 =	vpsel p3, v28, v15;
	v13 =	vpsel p2, v13, v23;
	v11 =	vpsel p2, v11, v0  }
0xbd: {  	v13 =	vpsel p2, v13, v0;
	v54 =	vshll.u32 v50, $0x2;
	v55 =	vshll.u32 v51, $0x2  }
0xbe: {  	v56 =	vand.u32 $0x7F, v50;
	v57 =	vshll.u32 v52, $0x2;
	v59 =	vshll.u32 v53, $0x2  }
0xbf: {  	v60 =	vand.u32 $0x7F, v51;
	v61 =	vand.u32 $0x7F, v52;
	v21 =	vand.u32 $0xFFFFFE00, v54  }
0xc0: {  	v14 =	vld.idx.msk @p2 [tilespmem:v14+s30+$0x0], $0xffff;
	v62 =	vand.u32 $0x7F, v53;
	v22 =	vand.u32 $0xFFFFFE00, v55;
	v21 =	vor.u32 v21, v56  }
0xc1: {  	v58 =	vand.u32 $0xFFFFFE00, v57;
	v17 =	vld.idx.msk @p3 [tilespmem:v17+s30+$0x0], $0xffff;
	v22 =	vor.u32 v22, v60;
	v21 =	vor.u32 $0x100, v21  }
0xc2: {  	v27 =	vand.u32 $0xFFFFFE00, v59;
	v15 =	vld.idx.msk @p3 [tilespmem:v15+s30+$0x0], $0xffff;
	v23 =	vor.u32 v58, v61;
	v22 =	vor.u32 $0x100, v22  }
0xc3: {  	v19 =	vadd.f32 @p4 v26, v29;
	v20 =	vld.idx.msk @p2 [tilespmem:v20+s30+$0x0], $0xffff;
	v27 =	vor.u32 v27, v62;
	v23 =	vor.u32 $0x100, v23  }
0xc4: {  	v18 =	vpsel p3, v24, v18;
	v24 =	vadd.f32 @p4 v33, v25;
	v63 =	vor.u32 $0x100, v27;
	v13 =	vld.idx.msk @p2 [tilespmem:v13+s30+$0x0], $0xffff  }
0xc5: {  	v19 =	vpsel p4, v19, v12;
	v11 =	vld.idx.msk @p2 [tilespmem:v11+s30+$0x0], $0xffff;
	v27 =	vpsel p4, v31, v2  }
0xc6: {  	v24 =	vpsel p4, v24, v12;
	v16 =	vadd.f32 @p3 v16, v27;
	v17 =	vpsel p3, v17, v0;
	v21 =	vld.idx.msk [tilespmem:v21+s30+$0x0], $0xffff  }
0xc7: {  	v14 =	vadd.f32 @p2 v14, v18;
	v15 =	vpsel p3, v15, v0;
	v17 =	vadd.f32 @p3 v17, v19;
	v22 =	vld.idx.msk [tilespmem:v22+s30+$0x0], $0xffff  }
0xc8: {  	v16 =	vpsel p3, v16, v2;
	v20 =	vpsel p2, v20, v0;
	v15 =	vadd.f32 @p3 v15, v24;
	v19 =	vld.idx.msk [tilespmem:v23+s30+$0x0], $0xffff  }
0xc9: {  	v16 =	vadd.f32 @p2 v20, v16;
	v18 =	vld.idx.msk [tilespmem:v63+s30+$0x0], $0xffff;
	v13 =	vpsel p2, v13, v0;
	v17 =	vpsel p3, v17, v12  }
.Ltmp8:
0xca: {  	v11 =	vpsel p2, v11, v0;
	v15 =	vpsel p3, v15, v12;
	v13 =	vadd.f32 @p2 v13, v17;
	(pc) =	sbr.rel @!p0 .LBB2_18-.Ltmp8, $4  }
0xcb: {  	v15 =	vadd.f32 @p2 v11, v15  }
0xcc: {  	v14 =	vpsel p2, v14, v12;
	v2 =	vpsel p2, v16, v2;
	v13 =	vpsel p2, v13, v12  }
0xcd: {  	v11 =	vadd.f32 v21, v14;
	v2 =	vadd.f32 v22, v2;
	v14 =	vpsel p2, v15, v12  }
0xce: {  	v13 =	vadd.f32 v18, v13;
	v18 =	vimm.f32 $0.0e+00;
	v12 =	vadd.f32 v19, v14  }
0xcf: {  	s0 =	sshll.u32 s31, $0x6  }
0xd0: {  	p0 =	por $0x1, $0x1;
	s0 =	sadd.s32 $0x0, s0  }
.Ltmp9:
0xd1: {  	s3 =	sor.u32 $0x1B0, s0;
	(pc) =	sbr.rel @!p0 .LBB2_20-.Ltmp9, $4  }
0xd2: {  	s5 =	sor.u32 $0x180, s0;
	v17 =	vld [tilespmem:s3+$0x6000]  }
0xd3: {  	s24 =	sor.u32 $0x190, s0;
	v37 =	vld [tilespmem:s5+$0x6000]  }
0xd4: {  	p2 =	por !p6, !p6;
	s31 =	simm.s32 $0x1;
	s0 =	sor.u32 $0x1A0, s0;
	v14 =	vld [tilespmem:s24+$0x6000]  }
0xd5: {  	p1 =	por $0x1, $0x1;
	s31 =	simm.s32 @!p2 $0x0;
	v15 =	vld [tilespmem:s0+$0x6000]  }
0xd6: {  	_ =	sdelay $0x1  }
0xd7: {  	s0 =	sshll.u32 s31, $0x6;
	v16 =	vshll.u32 v17, $0x2;
	v17 =	vand.u32 $0x7F, v17  }
0xd8: {  	p0 =	por $0x1, $0x1;
	s0 =	sadd.s32 $0x100, s0;
	v19 =	vshll.u32 v37, $0x2;
	v16 =	vand.u32 $0xFFFFFE00, v16;
	v20 =	vshll.u32 v14, $0x2  }
.Ltmp10:
0xd9: {  	s3 =	sor.u32 $0x1B0, s0;
	v21 =	vand.u32 $0xFFFFFE00, v19;
	v16 =	vor.u32 v16, v17;
	v23 =	vand.u32 $0x7F, v14;
	(pc) =	sbr.rel @!p0 .LBB2_22-.Ltmp10, $4  }
0xda: {  	s5 =	sor.u32 $0x180, s0;
	v17 =	vld [tilespmem:s3+$0x6000];
	v20 =	vand.u32 $0xFFFFFE00, v20;
	v22 =	vshll.u32 v15, $0x2;
	v27 =	vor.u32 $0x180, v16  }
0xdb: {  	s8 =	sor.u32 $0x190, s0;
	v19 =	vld [tilespmem:s5+$0x6000];
	v16 =	vand.u32 $0x7F, v37;
	v15 =	vand.u32 $0x7F, v15;
	v22 =	vand.u32 $0xFFFFFE00, v22  }
0xdc: {  	p3 =	por !p2, !p2;
	s31 =	simm.s32 $0x1;
	s24 =	sor.u32 $0x1A0, s0;
	v14 =	vld [tilespmem:s8+$0x6000];
	v16 =	vor.u32 v21, v16;
	v20 =	vor.u32 v20, v23;
	v21 =	vor.u32 v22, v15  }
0xdd: {  	p2 =	por $0x1, $0x1;
	s31 =	simm.s32 @!p3 $0x0;
	s0 =	simm.s32 $0x100;
	v15 =	vld [tilespmem:s24+$0x6000];
	v24 =	vor.u32 $0x180, v16;
	v23 =	vor.u32 $0x180, v20;
	v25 =	vor.u32 $0x180, v21  }
0xde: {  	_ =	sdelay $0x1  }
0xdf: {  	s0 =	sshll.u32 s31, $0x6  }
0xe0: {  	v16 =	vshll.u32 v17, $0x2;
	s0 =	sadd.s32 $0x200, s0;
	v17 =	vand.u32 $0x7F, v17;
	v20 =	vshll.u32 v19, $0x2  }
0xe1: {  	v21 =	vld.idx.msk [tilespmem:v27+s4+$0x0], $0xffff;
	p0 =	por $0x1, $0x1;
	v16 =	vand.u32 $0xFFFFFE00, v16;
	s3 =	sor.u32 $0x1B0, s0;
	v20 =	vand.u32 $0xFFFFFE00, v20;
	v22 =	vshll.u32 v14, $0x2  }
.Ltmp11:
0xe2: {  	s5 =	sor.u32 $0x180, s0;
	v16 =	vor.u32 v16, v17;
	v17 =	vld [tilespmem:s3+$0x6000];
	v22 =	vand.u32 $0xFFFFFE00, v22;
	v26 =	vshll.u32 v15, $0x2;
	(pc) =	sbr.rel @!p0 .LBB2_24-.Ltmp11, $4  }
0xe3: {  	s24 =	sor.u32 $0x190, s0;
	v37 =	vld [tilespmem:s5+$0x6000];
	v29 =	vor.u32 $0x180, v16;
	v16 =	vand.u32 $0x7F, v19;
	v19 =	vand.u32 $0x7F, v14  }
0xe4: {  	s0 =	sor.u32 $0x1A0, s0;
	v14 =	vld [tilespmem:s24+$0x6000];
	v26 =	vand.u32 $0xFFFFFE00, v26;
	v16 =	vor.u32 v20, v16;
	v20 =	vand.u32 $0x7F, v15  }
0xe5: {  	p4 =	por !p3, !p3;
	s31 =	simm.s32 $0x1;
	v22 =	vor.u32 v22, v19;
	v15 =	vld [tilespmem:s0+$0x6000];
	v33 =	vor.u32 $0x180, v16;
	v16 =	vor.u32 v26, v20  }
0xe6: {  	p3 =	por $0x1, $0x1;
	s31 =	simm.s32 @!p4 $0x0;
	s0 =	simm.s32 $0x200;
	v19 =	vadd.f32 v21, v18;
	v32 =	vor.u32 $0x180, v22;
	v22 =	vld.idx.msk [tilespmem:v24+s4+$0x0], $0xffff;
	v34 =	vor.u32 $0x180, v16  }
0xe7: {  	_ =	sdelay $0x3  }
0xe8: {  	s0 =	sshll.u32 s31, $0x6;
	v16 =	vshll.u32 v17, $0x2;
	v21 =	vld.idx.msk [tilespmem:v29+s4+$0x0], $0xffff;
	v17 =	vand.u32 $0x7F, v17;
	v20 =	vshll.u32 v37, $0x2  }
0xe9: {  	s0 =	sadd.s32 $0x300, s0;
	v24 =	vand.u32 $0xFFFFFE00, v16;
	v16 =	vld.idx.msk [tilespmem:v23+s4+$0x0], $0xffff;
	v26 =	vand.u32 $0xFFFFFE00, v20;
	v27 =	vshll.u32 v14, $0x2  }
0xea: {  	p0 =	por $0x1, $0x1;
	s3 =	sor.u32 $0x1B0, s0;
	v24 =	vor.u32 v24, v17;
	v20 =	vld.idx.msk [tilespmem:v25+s4+$0x0], $0xffff;
	v31 =	vand.u32 $0x7F, v14;
	v28 =	vand.u32 $0xFFFFFE00, v27  }
.Ltmp12:
0xeb: {  	s5 =	sor.u32 $0x180, s0;
	v30 =	vshll.u32 v15, $0x2;
	v17 =	vld [tilespmem:s3+$0x6000];
	v27 =	vor.u32 $0x180, v24;
	v24 =	vand.u32 $0x7F, v37;
	(pc) =	sbr.rel @!p0 .LBB2_26-.Ltmp12, $4  }
0xec: {  	v35 =	vmovc v32;
	s8 =	sor.u32 $0x190, s0;
	v37 =	vld [tilespmem:s5+$0x6000];
	v15 =	vand.u32 $0x7F, v15;
	v30 =	vand.u32 $0xFFFFFE00, v30;
	v24 =	vor.u32 v26, v24  }
0xed: {  	v36 =	vmovc v34;
	s24 =	sor.u32 $0x1A0, s0;
	v14 =	vld [tilespmem:s8+$0x6000];
	v26 =	vor.u32 v28, v31;
	v24 =	vor.u32 $0x180, v24;
	v30 =	vor.u32 v30, v15  }
0xee: {  	p4 =	por !p4, !p4;
	s31 =	simm.s32 $0x1;
	p6 =	por $0x1, $0x1;
	v15 =	vld [tilespmem:s24+$0x6000];
	v28 =	vadd.f32 v21, v19;
	v38 =	vor.u32 $0x180, v26;
	v21 =	vimm.f32 $0.0e+00  }
0xef: {  	s31 =	simm.s32 @!p4 $0x0;
	s0 =	simm.s32 $0x300;
	s3 =	simm.s32 $0x140;
	v31 =	vld.idx.msk [tilespmem:v33+s4+$0x0], $0xffff;
	v26 =	vimm.f32 $0.0e+00;
	v39 =	vor.u32 $0x180, v30;
	v30 =	vadd.f32 v22, v1  }
.LBB2_27:
0xf0: {  	p5 =	sne.s32 s3, $0x7C0;
	s5 =	sshll.u32 s31, $0x6;
	v40 =	vshll.u32 v17, $0x2;
	s0 =	sadd.s32 $0x100, s0;
	v41 =	vld.idx.msk [tilespmem:v27+s4+$0x0], $0xffff;
	v21 =	vadd.f32 v16, v21;
	v26 =	vadd.f32 v20, v26  }
0xf1: {  	v17 =	vand.u32 $0x7F, v17;
	s5 =	sadd.s32 s5, s0;
	v20 =	vshll.u32 v37, $0x2;
	v27 =	vand.u32 $0xFFFFFE00, v40;
	v16 =	vld.idx.msk [tilespmem:v35+s4+$0x0], $0xffff;
	v35 =	vmovc v38  }
0xf2: {  	s6 =	sor.u32 $0x180, s5;
	s7 =	sor.u32 $0x190, s5;
	s8 =	sor.u32 $0x1B0, s5;
	v38 =	vand.u32 $0xFFFFFE00, v20;
	v40 =	vshll.u32 v14, $0x2;
	v27 =	vor.u32 v27, v17;
	v20 =	vld.idx.msk [tilespmem:v36+s4+$0x0], $0xffff;
	v36 =	vmovc v39  }
.Ltmp13:
0xf3: {  	s5 =	sor.u32 $0x1A0, s5;
	v17 =	vld [tilespmem:s8+$0x6000];
	v39 =	vand.u32 $0xFFFFFE00, v40;
	v40 =	vshll.u32 v15, $0x2;
	v27 =	vor.u32 $0x180, v27;
	(pc) =	sbr.rel @p5 .LBB2_27-.Ltmp13, $4  }
0xf4: {  	v42 =	vand.u32 $0x7F, v37;
	v43 =	vand.u32 $0x7F, v14;
	v37 =	vld [tilespmem:s6+$0x6000];
	v40 =	vand.u32 $0xFFFFFE00, v40  }
0xf5: {  	v38 =	vor.u32 v38, v42;
	v42 =	vand.u32 $0x7F, v15;
	v39 =	vor.u32 v39, v43;
	v14 =	vld [tilespmem:s7+$0x6000]  }
0xf6: {  	p4 =	por !p4, !p4;
	s31 =	simm.s32 $0x1;
	v43 =	vor.u32 $0x180, v38;
	v40 =	vor.u32 v40, v42;
	v28 =	vadd.f32 v41, v28;
	v15 =	vld [tilespmem:s5+$0x6000]  }
0xf7: {  	s3 =	sadd.s32 $0x40, s3;
	s31 =	simm.s32 @!p4 $0x0;
	v30 =	vadd.f32 v31, v30;
	v38 =	vor.u32 $0x180, v39;
	v39 =	vor.u32 $0x180, v40;
	v31 =	vld.idx.msk [tilespmem:v24+s4+$0x0], $0xffff;
	v24 =	vmovc v43  }
.LBB2_28:
0xf8: {  	s0 =	sadd.s32 @p1 $0x100, s0  }
0xf9: {  	s3 =	sshll.u32 s31, $0x6;
	s30 =	smov.u32 @p1 s0  }
0xfa: {  	v40 =	vshll.u32 @p1 v17, $0x2;
	v17 =	vand.u32 @p1 $0x7F, v17;
	v23 =	vpsel p2, v38, v23;
	s0 =	sadd.s32 s3, s30  }
0xfb: {  	v25 =	vpsel p2, v39, v25;
	v41 =	vshll.u32 @p1 v37, $0x2;
	v40 =	vand.u32 @p1 $0xFFFFFE00, v40;
	s3 =	sor.u32 $0x1B0, s0  }
0xfc: {  	v37 =	vand.u32 @p1 $0x7F, v37;
	v41 =	vand.u32 @p1 $0xFFFFFE00, v41;
	v42 =	vshll.u32 @p1 v14, $0x2;
	s5 =	sor.u32 $0x180, s0;
	v51 =	vld [tilespmem:s3+$0x6000]  }
0xfd: {  	v17 =	vor.u32 @p1 v40, v17;
	v14 =	vand.u32 @p1 $0x7F, v14;
	v40 =	vand.u32 @p1 $0xFFFFFE00, v42;
	s24 =	sor.u32 $0x190, s0;
	v52 =	vld [tilespmem:s5+$0x6000]  }
0xfe: {  	v43 =	vshll.u32 @p1 v15, $0x2;
	v17 =	vor.u32 @p1 $0x180, v17;
	v37 =	vor.u32 @p1 v41, v37;
	s0 =	sor.u32 $0x1A0, s0;
	v53 =	vld [tilespmem:s24+$0x6000]  }
0xff: {  	v15 =	vand.u32 @p1 $0x7F, v15;
	v43 =	vand.u32 @p1 $0xFFFFFE00, v43;
	v14 =	vor.u32 @p1 v40, v14;
	v54 =	vld [tilespmem:s0+$0x6000]  }
0x100: {  	v37 =	vor.u32 @p1 $0x180, v37;
	v15 =	vor.u32 @p1 v43, v15;
	v14 =	vor.u32 @p1 $0x180, v14  }
0x101: {  	v17 =	vpsel p1, v17, v29;
	v29 =	vmovc @p1 v37;
	v15 =	vor.u32 @p1 $0x180, v15;
	v14 =	vpsel p1, v14, v32  }
0x102: {  	v27 =	vld.idx.msk @p2 [tilespmem:v27+s4+$0x0], $0xffff;
	v29 =	vpsel p1, v29, v33;
	v15 =	vpsel p1, v15, v34;
	v14 =	vpsel p1, v14, v0  }
0x103: {  	v36 =	vld.idx.msk @p3 [tilespmem:v36+s4+$0x0], $0xffff;
	v15 =	vpsel p1, v15, v0;
	v55 =	vshll.u32 v51, $0x2;
	v56 =	vshll.u32 v52, $0x2  }
0x104: {  	v24 =	vld.idx.msk @p2 [tilespmem:v24+s4+$0x0], $0xffff;
	v57 =	vand.u32 $0x7F, v51;
	v58 =	vshll.u32 v53, $0x2;
	v60 =	vshll.u32 v54, $0x2  }
0x105: {  	v23 =	vld.idx.msk @p2 [tilespmem:v23+s4+$0x0], $0xffff;
	v61 =	vand.u32 $0x7F, v52;
	v62 =	vand.u32 $0x7F, v53;
	v32 =	vand.u32 $0xFFFFFE00, v55  }
0x106: {  	v25 =	vld.idx.msk @p2 [tilespmem:v25+s4+$0x0], $0xffff;
	v63 =	vand.u32 $0x7F, v54;
	v34 =	vand.u32 $0xFFFFFE00, v56;
	v32 =	vor.u32 v32, v57  }
0x107: {  	v33 =	vld.idx.msk @p3 [tilespmem:v35+s4+$0x0], $0xffff;
	v59 =	vand.u32 $0xFFFFFE00, v58;
	v34 =	vor.u32 v34, v61;
	v32 =	vor.u32 $0x180, v32  }
0x108: {  	v17 =	vld.idx.msk @p1 [tilespmem:v17+s4+$0x0], $0xffff;
	v37 =	vand.u32 $0xFFFFFE00, v60;
	v35 =	vor.u32 v59, v62;
	v34 =	vor.u32 $0x180, v34  }
0x109: {  	v37 =	vor.u32 v37, v63;
	v29 =	vld.idx.msk @p1 [tilespmem:v29+s4+$0x0], $0xffff;
	v35 =	vor.u32 $0x180, v35  }
0x10a: {  	v37 =	vor.u32 $0x180, v37;
	v38 =	vld.idx.msk @p1 [tilespmem:v14+s4+$0x0], $0xffff  }
0x10b: {  	v15 =	vld.idx.msk @p1 [tilespmem:v15+s4+$0x0], $0xffff  }
0x10c: {  	v32 =	vld.idx.msk [tilespmem:v32+s4+$0x0], $0xffff  }
0x10d: {  	v34 =	vld.idx.msk [tilespmem:v34+s4+$0x0], $0xffff  }
0x10e: {  	v35 =	vld.idx.msk [tilespmem:v35+s4+$0x0], $0xffff  }
0x10f: {  	v37 =	vld.idx.msk [tilespmem:v37+s4+$0x0], $0xffff;
	_ =	swait.ge [sflag:s22], $0x2000  }
0x110: {  	[sflag:s22] =	ssyncset.done $0x0  }
0x111: {  	v4 =	vadd.f32 v5, v4;
	v3 =	vadd.f32 v3, v6;
	[sflag:s22] =	ssyncadd.s32 $0xFFFFE000  }
0x112: {  	s29 =	sadd.s32 s10, s29;
	_ =	swait.ge [sflag:s22], $0x2000  }
0x113: {  	v3 =	vadd.f32 v3, v4;
	s0 =	sshrl.u32 s29, $0x3;
	[sflag:s22] =	ssyncset.done $0x0  }
0x114: {  	s31 =	simm.s32 $0x0;
	s30 =	sadd.s32 s1, s0;
	v14 =	vadd.f32 @p6 v16, v21;
	v16 =	vadd.f32 @p6 v20, v26;
	[sflag:s22] =	ssyncadd.s32 $0xFFFFE000  }
0x115: {  	v20 =	vadd.f32 @p2 v27, v28;
	v21 =	vadd.f32 @p3 v31, v30;
	v26 =	vpsel p3, v33, v0;
	[tilespmem:s31], [sflag:$0x1] =	stream.strided.gather [hbm4b:s30+s14], $0x2000, s15, s14, $0x38;
	[tilespmem:$0xC080] =	vst v63  }
0x116: {  	s6 =	sand.u32 $0x1E00, s31;
	s3 =	sand.u32 $0x40, s31;
	s0 =	sadd.s32 s2, s0;
	v27 =	vpsel p3, v36, v0;
	v14 =	vpsel p6, v14, v18;
	v16 =	vpsel p6, v16, v18  }
0x117: {  	v19 =	vpsel p2, v20, v19;
	v20 =	vpsel p3, v21, v1;
	v21 =	vpsel p2, v24, v22;
	[tilespmem:s16], [sflag:$0x1] =	stream.strided.gather [hbm4b:s0+s14], $0x2000, s15, s14, $0x38;
	[tilespmem:$0xC080] =	vst v63  }
0x118: {  	v22 =	vpsel p2, v25, v0;
	v14 =	vadd.f32 @p3 v26, v14;
	v16 =	vadd.f32 @p3 v27, v16;
	s0 =	sor.u32 s3, s6  }
0x119: {  	v17 =	vadd.f32 @p1 v17, v19;
	v19 =	vadd.f32 @p2 v21, v20;
	v20 =	vpsel p2, v23, v0;
	v21 =	vld [tilespmem:s0+$0x8030]  }
0x11a: {  	v24 =	vpsel p1, v29, v0;
	v14 =	vpsel p3, v14, v18;
	v16 =	vpsel p3, v16, v18  }
0x11b: {  	v17 =	vpsel p1, v17, v18;
	v19 =	vpsel p2, v19, v1;
	v20 =	vadd.f32 @p2 v20, v14;
	v23 =	vld [tilespmem:s0+$0x8000]  }
0x11c: {  	v16 =	vadd.f32 @p2 v22, v16;
	v15 =	vpsel p1, v15, v0;
	v14 =	vadd.f32 v32, v17  }
0x11d: {  	s7 =	simm.s32 $0x40;
	s8 =	simm.s32 $0x100;
	v17 =	vadd.f32 @p1 v24, v19;
	v19 =	vpsel p2, v20, v18;
	v20 =	vpsel p1, v38, v0  }
0x11e: {  	s5 =	sand.u32 $0x1E00, s8;
	v16 =	vpsel p2, v16, v18;
	v19 =	vadd.f32 @p1 v20, v19;
	s3 =	sand.u32 $0x40, s7;
	v20 =	vld [tilespmem:s0+$0x8010];
	v22 =	vshll.u32 v21, $0x2  }
0x11f: {  	v16 =	vadd.f32 @p1 v15, v16;
	v24 =	vld [tilespmem:s0+$0x8020];
	s24 =	sor.u32 s3, s5;
	v21 =	vand.u32 $0x7F, v21;
	v22 =	vand.u32 $0xFFFFFE00, v22  }
0x120: {  	v1 =	vpsel p1, v17, v1;
	v25 =	vshll.u32 v23, $0x2;
	v21 =	vor.u32 v21, v22;
	v22 =	vld [tilespmem:s24+$0x8030]  }
0x121: {  	v17 =	vpsel p1, v19, v18;
	v5 =	vld [tilespmem:s24+$0x8000];
	v23 =	vand.u32 $0x7F, v23;
	v25 =	vand.u32 $0xFFFFFE00, v25  }
0x122: {  	v15 =	vadd.f32 v34, v1;
	v1 =	vpsel p1, v16, v18;
	v23 =	vor.u32 v23, v25  }
0x123: {  	s29 =	simm.s32 $0x80;
	s30 =	simm.s32 $0x200;
	v16 =	vadd.f32 v35, v17;
	v17 =	vadd.f32 v37, v1;
	v4 =	vld [tilespmem:s24+$0x8020];
	v1 =	vshll.u32 v20, $0x2  }
0x124: {  	s3 =	sand.u32 $0x40, s29;
	s0 =	sand.u32 $0x1E00, s30;
	v6 =	vld [tilespmem:s24+$0x8010];
	v19 =	vshll.u32 v24, $0x2;
	v20 =	vand.u32 $0x7F, v20;
	v1 =	vand.u32 $0xFFFFFE00, v1  }
0x125: {  	s0 =	sor.u32 s3, s0;
	v19 =	vand.u32 $0xFFFFFE00, v19;
	v29 =	vor.u32 v20, v1;
	v26 =	vld.idx.msk [tilespmem:v21+s17+$0x0], $0xffff;
	v21 =	vshll.u32 v22, $0x2  }
0x126: {  	v28 =	vld [tilespmem:s0+$0x8030];
	v1 =	vshll.u32 v5, $0x2;
	v22 =	vand.u32 $0x7F, v22;
	v21 =	vand.u32 $0xFFFFFE00, v21  }
0x127: {  	v5 =	vand.u32 $0x7F, v5;
	v27 =	vld.idx.msk [tilespmem:v23+s17+$0x0], $0xffff;
	v23 =	vand.u32 $0x7F, v24;
	v22 =	vor.u32 v22, v21  }
0x128: {  	v20 =	vshll.u32 v4, $0x2;
	v1 =	vand.u32 $0xFFFFFE00, v1;
	v30 =	vor.u32 v23, v19;
	v23 =	vld [tilespmem:s0+$0x8000]  }
0x129: {  	v4 =	vand.u32 $0x7F, v4;
	v25 =	vor.u32 v5, v1;
	v19 =	vshll.u32 v6, $0x2;
	v21 =	vld [tilespmem:s0+$0x8010]  }
0x12a: {  	v31 =	vand.u32 $0xFFFFFE00, v20;
	v24 =	vld [tilespmem:s0+$0x8020];
	v6 =	vand.u32 $0x7F, v6;
	v19 =	vand.u32 $0xFFFFFE00, v19  }
0x12b: {  	v5 =	vshll.u32 v28, $0x2;
	v20 =	vor.u32 v6, v19;
	v19 =	vor.u32 v4, v31;
	v6 =	vld.idx.msk [tilespmem:v29+s17+$0x0], $0xffff  }
0x12c: {  	s31 =	simm.s32 $0xC0;
	s0 =	simm.s32 $0x300;
	v1 =	vadd.f32 v26, v18;
	v3 =	vadd.f32 v27, v3;
	v27 =	vand.u32 $0x7F, v28;
	v4 =	vld.idx.msk [tilespmem:v22+s17+$0x0], $0xffff  }
0x12d: {  	s5 =	sand.u32 $0x40, s31;
	s3 =	simm.s32 $0x100;
	s6 =	sand.u32 $0x1E00, s0;
	v28 =	vand.u32 $0xFFFFFE00, v5;
	v5 =	vimm.f32 $0.0e+00;
	v26 =	vshll.u32 v23, $0x2;
	v22 =	vld.idx.msk [tilespmem:v30+s17+$0x0], $0xffff  }
.LBB2_29:
0x12e: {  	p0 =	sne.s32 s3, $0x7C0;
	s5 =	sor.u32 s5, s6;
	v26 =	vand.u32 $0xFFFFFE00, v26;
	v29 =	vshll.u32 v21, $0x2;
	v27 =	vor.u32 v27, v28;
	v28 =	vld.idx.msk [tilespmem:v25+s17+$0x0], $0xffff  }
0x12f: {  	v25 =	vand.u32 $0x7F, v23;
	v30 =	vld [tilespmem:s5+$0x8030];
	v29 =	vand.u32 $0xFFFFFE00, v29;
	v31 =	vshll.u32 v24, $0x2  }
0x130: {  	v32 =	vand.u32 $0x7F, v21;
	v33 =	vand.u32 $0x7F, v24;
	v23 =	vld [tilespmem:s5+$0x8000];
	v31 =	vand.u32 $0xFFFFFE00, v31  }
.Ltmp14:
0x131: {  	v25 =	vor.u32 v25, v26;
	v26 =	vor.u32 v32, v29;
	v1 =	vadd.f32 v4, v1;
	v21 =	vld [tilespmem:s5+$0x8010];
	(pc) =	sbr.rel @p0 .LBB2_29-.Ltmp14, $4  }
0x132: {  	v29 =	vor.u32 v33, v31;
	v18 =	vadd.f32 v6, v18;
	v24 =	vld [tilespmem:s5+$0x8020]  }
0x133: {  	v5 =	vadd.f32 v22, v5;
	v4 =	vld.idx.msk [tilespmem:v27+s17+$0x0], $0xffff  }
0x134: {  	s0 =	sadd.s32 $0x100, s0;
	v3 =	vadd.f32 v28, v3;
	v22 =	vshll.u32 v30, $0x2;
	v6 =	vld.idx.msk [tilespmem:v20+s17+$0x0], $0xffff;
	v20 =	vmov v26  }
0x135: {  	s6 =	sand.u32 $0x1E00, s0;
	s5 =	sand.u32 $0x40, s3;
	s3 =	sadd.s32 $0x40, s3;
	v27 =	vand.u32 $0x7F, v30;
	v26 =	vshll.u32 v23, $0x2;
	v28 =	vand.u32 $0xFFFFFE00, v22;
	v22 =	vld.idx.msk [tilespmem:v19+s17+$0x0], $0xffff;
	v19 =	vmovc v29  }
0x136: {  	_ =	sdelay $0x3  }
0x137: {  	s0 =	sor.u32 s5, s6;
	v30 =	vshll.u32 v21, $0x2;
	v25 =	vld.idx.msk [tilespmem:v25+s17+$0x0], $0xffff  }
0x138: {  	v27 =	vor.u32 v27, v28;
	v21 =	vand.u32 $0x7F, v21;
	v28 =	vld [tilespmem:s0+$0x8000];
	v30 =	vand.u32 $0xFFFFFE00, v30  }
0x139: {  	v31 =	vld [tilespmem:s0+$0x8010];
	v21 =	vor.u32 v21, v30  }
0x13a: {  	v26 =	vand.u32 $0xFFFFFE00, v26;
	v23 =	vand.u32 $0x7F, v23;
	v20 =	vld.idx.msk [tilespmem:v20+s17+$0x0], $0xffff  }
0x13b: {  	v29 =	vld [tilespmem:s0+$0x8030];
	v23 =	vor.u32 v23, v26;
	v26 =	vshll.u32 v24, $0x2  }
0x13c: {  	v63 =	vld [tilespmem:s0+$0x8020];
	v24 =	vand.u32 $0x7F, v24;
	v26 =	vand.u32 $0xFFFFFE00, v26  }
0x13d: {  	s7 =	simm.s32 $0x0;
	v24 =	vor.u32 v24, v26;
	v6 =	vadd.f32 v6, v18;
	v26 =	vld.idx.msk [tilespmem:v27+s17+$0x0], $0xffff;
	v27 =	vshll.u32 v28, $0x2  }
0x13e: {  	s3 =	sand.u32 $0x40, s7;
	s0 =	sand.u32 $0x1E00, s7;
	v30 =	vshll.u32 v31, $0x2;
	v28 =	vand.u32 $0x7F, v28;
	v27 =	vand.u32 $0xFFFFFE00, v27;
	v21 =	vld.idx.msk [tilespmem:v21+s17+$0x0], $0xffff  }
0x13f: {  	v19 =	vld.idx.msk [tilespmem:v19+s17+$0x0], $0xffff;
	s0 =	sor.u32 s3, s0;
	v31 =	vand.u32 $0x7F, v31;
	v30 =	vand.u32 $0xFFFFFE00, v30;
	v27 =	vor.u32 v28, v27  }
0x140: {  	v6 =	vadd.f32 v20, v6;
	v20 =	vld [tilespmem:s0+$0x80B0];
	v32 =	vshll.u32 v29, $0x2;
	v30 =	vor.u32 v31, v30  }
0x141: {  	v29 =	vand.u32 $0x7F, v29;
	v23 =	vld.idx.msk [tilespmem:v23+s17+$0x0], $0xffff;
	v32 =	vand.u32 $0xFFFFFE00, v32;
	v28 =	vshll.u32 v63, $0x2  }
0x142: {  	v29 =	vor.u32 v29, v32;
	v31 =	vand.u32 $0x7F, v63;
	v24 =	vld.idx.msk [tilespmem:v24+s17+$0x0], $0xffff;
	v28 =	vand.u32 $0xFFFFFE00, v28  }
0x143: {  	v28 =	vor.u32 v31, v28;
	v6 =	vadd.f32 v21, v6;
	v21 =	vld [tilespmem:s0+$0x8080]  }
0x144: {  	v1 =	vadd.f32 v4, v1;
	v18 =	vld.idx.msk [tilespmem:v27+s17+$0x0], $0xffff  }
0x145: {  	v4 =	vadd.f32 v22, v5;
	v3 =	vadd.f32 v25, v3;
	v5 =	vld.idx.msk [tilespmem:v30+s17+$0x0], $0xffff;
	_ =	sdelay $0x1  }
0x146: {  	v4 =	vadd.f32 v19, v4;
	v3 =	vadd.f32 v23, v3;
	v29 =	vld.idx.msk [tilespmem:v29+s17+$0x0], $0xffff  }
0x147: {  	v7 =	vadd.f32 v7, v10;
	v1 =	vadd.f32 v26, v1;
	v19 =	vld.idx.msk [tilespmem:v28+s17+$0x0], $0xffff  }
0x148: {  	s8 =	simm.s32 $0x40;
	s24 =	simm.s32 $0x100;
	v23 =	vld [tilespmem:s0+$0x8090];
	v22 =	vadd.f32 v24, v4;
	v10 =	vshll.u32 v21, $0x2;
	v3 =	vadd.f32 v18, v3  }
0x149: {  	s3 =	sand.u32 $0x40, s8;
	v4 =	vadd.f32 v5, v6;
	v18 =	vld [tilespmem:s0+$0x80A0];
	v6 =	vadd.f32 v9, v8;
	v8 =	vshll.u32 v20, $0x2;
	s0 =	sand.u32 $0x1E00, s24  }
0x14a: {  	v21 =	vand.u32 $0x7F, v21;
	v9 =	vand.u32 $0x7F, v20;
	v8 =	vand.u32 $0xFFFFFE00, v8;
	s0 =	sor.u32 s3, s0  }
0x14b: {  	v1 =	vadd.f32 v29, v1;
	v10 =	vand.u32 $0xFFFFFE00, v10;
	v8 =	vor.u32 v8, v9;
	v9 =	vld [tilespmem:s0+$0x80B0]  }
0x14c: {  	v10 =	vor.u32 v10, v21;
	v5 =	vadd.f32 v19, v22;
	v6 =	vadd.f32 v7, v6;
	v24 =	vld [tilespmem:s0+$0x8090]  }
0x14d: {  	v7 =	vimm.f32 $0.0e+00;
	v19 =	vshll.u32 v23, $0x2;
	v22 =	vld [tilespmem:s0+$0x8080];
	v8 =	vor.u32 $0x80, v8  }
0x14e: {  	v23 =	vand.u32 $0x7F, v23;
	v19 =	vand.u32 $0xFFFFFE00, v19;
	v20 =	vshll.u32 v18, $0x2  }
0x14f: {  	v21 =	vld [tilespmem:s0+$0x80A0];
	v19 =	vor.u32 v19, v23;
	v18 =	vand.u32 $0x7F, v18;
	v20 =	vand.u32 $0xFFFFFE00, v20  }
0x150: {  	s29 =	simm.s32 $0x80;
	s30 =	simm.s32 $0x200;
	v10 =	vor.u32 $0x80, v10;
	v30 =	vor.u32 $0x80, v19;
	v18 =	vor.u32 v20, v18  }
0x151: {  	s3 =	sand.u32 $0x40, s29;
	s0 =	sand.u32 $0x1E00, s30;
	v20 =	vshll.u32 v9, $0x2;
	v9 =	vand.u32 $0x7F, v9;
	v25 =	vshll.u32 v24, $0x2  }
0x152: {  	s0 =	sor.u32 s3, s0;
	v8 =	vld.idx.msk [tilespmem:v8+s17+$0x0], $0xffff;
	v20 =	vand.u32 $0xFFFFFE00, v20;
	v19 =	vor.u32 $0x80, v18;
	v18 =	vshll.u32 v22, $0x2  }
0x153: {  	v22 =	vand.u32 $0x7F, v22;
	v9 =	vor.u32 v20, v9;
	v20 =	vld [tilespmem:s0+$0x80B0];
	v18 =	vand.u32 $0xFFFFFE00, v18  }
0x154: {  	v23 =	vld [tilespmem:s0+$0x8080];
	v27 =	vor.u32 $0x80, v9;
	v9 =	vand.u32 $0xFFFFFE00, v25;
	v25 =	vshll.u32 v21, $0x2  }
0x155: {  	v24 =	vand.u32 $0x7F, v24;
	v18 =	vor.u32 v18, v22;
	v26 =	vand.u32 $0xFFFFFE00, v25;
	v25 =	vld [tilespmem:s0+$0x8090]  }
0x156: {  	v21 =	vand.u32 $0x7F, v21;
	v9 =	vor.u32 v9, v24;
	v24 =	vld [tilespmem:s0+$0x80A0];
	v22 =	vor.u32 $0x80, v18  }
0x157: {  	v18 =	vor.u32 v26, v21;
	v21 =	vor.u32 $0x80, v9;
	v9 =	vld.idx.msk [tilespmem:v10+s17+$0x0], $0xffff;
	v8 =	vadd.f32 v8, v7  }
0x158: {  	s31 =	simm.s32 $0xC0;
	s0 =	simm.s32 $0x300;
	v26 =	vor.u32 $0x80, v18;
	v10 =	vshll.u32 v20, $0x2;
	v28 =	vand.u32 $0x7F, v20;
	v20 =	vld.idx.msk [tilespmem:v30+s17+$0x0], $0xffff  }
0x159: {  	s5 =	sand.u32 $0x40, s31;
	s3 =	simm.s32 $0x100;
	s6 =	sand.u32 $0x1E00, s0;
	v18 =	vld.idx.msk [tilespmem:v27+s17+$0x0], $0xffff;
	v27 =	vshll.u32 v23, $0x2;
	v29 =	vand.u32 $0xFFFFFE00, v10;
	v10 =	vimm.f32 $0.0e+00  }
.LBB2_31:
0x15a: {  	p0 =	sne.s32 s3, $0x7C0;
	s5 =	sor.u32 s5, s6;
	v27 =	vand.u32 $0xFFFFFE00, v27;
	v30 =	vshll.u32 v25, $0x2;
	v28 =	vor.u32 v29, v28;
	v29 =	vld.idx.msk [tilespmem:v19+s17+$0x0], $0xffff;
	v19 =	vmovc v26  }
0x15b: {  	v31 =	vld [tilespmem:s5+$0x80B0];
	v26 =	vand.u32 $0xFFFFFE00, v30;
	v30 =	vshll.u32 v24, $0x2;
	v28 =	vor.u32 $0x80, v28  }
0x15c: {  	v32 =	vand.u32 $0x7F, v23;
	v33 =	vand.u32 $0x7F, v25;
	v23 =	vld [tilespmem:s5+$0x8080];
	v30 =	vand.u32 $0xFFFFFE00, v30  }
.Ltmp15:
0x15d: {  	v27 =	vor.u32 v27, v32;
	v32 =	vand.u32 $0x7F, v24;
	v26 =	vor.u32 v26, v33;
	v25 =	vld [tilespmem:s5+$0x8090];
	(pc) =	sbr.rel @p0 .LBB2_31-.Ltmp15, $4  }
0x15e: {  	v27 =	vor.u32 $0x80, v27;
	v30 =	vor.u32 v30, v32;
	v8 =	vadd.f32 v18, v8;
	v24 =	vld [tilespmem:s5+$0x80A0]  }
0x15f: {  	v6 =	vadd.f32 v9, v6;
	v32 =	vor.u32 $0x80, v26;
	v26 =	vor.u32 $0x80, v30;
	v9 =	vld.idx.msk [tilespmem:v22+s17+$0x0], $0xffff;
	v22 =	vmovc v27  }
0x160: {  	s0 =	sadd.s32 $0x100, s0;
	v7 =	vadd.f32 v20, v7;
	v10 =	vadd.f32 v29, v10;
	v30 =	vshll.u32 v31, $0x2;
	v18 =	vld.idx.msk [tilespmem:v28+s17+$0x0], $0xffff  }
0x161: {  	s6 =	sand.u32 $0x1E00, s0;
	s5 =	sand.u32 $0x40, s3;
	s3 =	sadd.s32 $0x40, s3;
	v28 =	vand.u32 $0x7F, v31;
	v27 =	vshll.u32 v23, $0x2;
	v29 =	vand.u32 $0xFFFFFE00, v30;
	v20 =	vld.idx.msk [tilespmem:v21+s17+$0x0], $0xffff;
	v21 =	vmovc v32  }
0x162: {  	_ =	sdelay $0x3  }
0x163: {  	v31 =	vshll.u32 v25, $0x2;
	v19 =	vld.idx.msk [tilespmem:v19+s17+$0x0], $0xffff  }
0x164: {  	s0 =	sor.u32 s5, s6;
	v27 =	vand.u32 $0xFFFFFE00, v27;
	v28 =	vor.u32 v29, v28;
	v23 =	vand.u32 $0x7F, v23;
	v22 =	vld.idx.msk [tilespmem:v22+s17+$0x0], $0xffff  }
0x165: {  	v25 =	vand.u32 $0x7F, v25;
	v30 =	vld [tilespmem:s0+$0x80B0];
	v29 =	vand.u32 $0xFFFFFE00, v31;
	v31 =	vshll.u32 v24, $0x2  }
0x166: {  	v28 =	vor.u32 $0x80, v28;
	v33 =	vld [tilespmem:s0+$0x8090];
	v23 =	vor.u32 v27, v23;
	v24 =	vand.u32 $0x7F, v24  }
0x167: {  	v31 =	vand.u32 $0xFFFFFE00, v31;
	v25 =	vor.u32 v29, v25;
	v29 =	vld [tilespmem:s0+$0x80A0];
	v23 =	vor.u32 $0x80, v23  }
0x168: {  	v32 =	vld [tilespmem:s0+$0x8080];
	v6 =	vadd.f32 v9, v6;
	v24 =	vor.u32 v31, v24;
	v25 =	vor.u32 $0x80, v25  }
0x169: {  	p0 =	por $0x0, $0x0;
	s0 =	simm.s32 $0x1;
	v24 =	vor.u32 $0x80, v24;
	v7 =	vadd.f32 v20, v7;
	v10 =	vadd.f32 v19, v10  }
0x16a: {  	v21 =	vld.idx.msk [tilespmem:v21+s17+$0x0], $0xffff;
	s0 =	simm.s32 @!p0 $0x0;
	v6 =	vadd.f32 v22, v6;
	v27 =	vshll.u32 v30, $0x2;
	v30 =	vand.u32 $0x7F, v30  }
0x16b: {  	v26 =	vld.idx.msk [tilespmem:v26+s17+$0x0], $0xffff;
	s0 =	sshll.u32 s0, $0x6;
	v31 =	vshll.u32 v33, $0x2;
	v33 =	vand.u32 $0x7F, v33;
	v27 =	vand.u32 $0xFFFFFE00, v27  }
0x16c: {  	s0 =	sadd.s32 $0x0, s0;
	v31 =	vand.u32 $0xFFFFFE00, v31;
	v62 =	vshll.u32 v29, $0x2;
	v23 =	vld.idx.msk [tilespmem:v23+s17+$0x0], $0xffff;
	v27 =	vor.u32 v27, v30  }
0x16d: {  	v28 =	vld.idx.msk [tilespmem:v28+s17+$0x0], $0xffff;
	s3 =	sor.u32 $0x130, s0;
	v30 =	vshll.u32 v32, $0x2;
	v31 =	vor.u32 v31, v33;
	v27 =	vor.u32 $0x80, v27  }
0x16e: {  	v19 =	vld [tilespmem:s3+$0x8000];
	v32 =	vand.u32 $0x7F, v32;
	v30 =	vand.u32 $0xFFFFFE00, v30;
	v31 =	vor.u32 $0x80, v31  }
0x16f: {  	v29 =	vand.u32 $0x7F, v29;
	v24 =	vld.idx.msk [tilespmem:v24+s17+$0x0], $0xffff;
	v30 =	vor.u32 v30, v32;
	v32 =	vand.u32 $0xFFFFFE00, v62  }
0x170: {  	s7 =	sor.u32 $0x100, s0;
	v25 =	vld.idx.msk [tilespmem:v25+s17+$0x0], $0xffff;
	v30 =	vor.u32 $0x80, v30;
	v29 =	vor.u32 v32, v29  }
0x171: {  	v7 =	vadd.f32 v21, v7;
	v29 =	vor.u32 $0x80, v29;
	v21 =	vadd.f32 v23, v6;
	v23 =	vld [tilespmem:s7+$0x8000]  }
0x172: {  	v10 =	vadd.f32 v26, v10;
	v27 =	vld.idx.msk [tilespmem:v27+s17+$0x0], $0xffff  }
0x173: {  	v8 =	vadd.f32 v18, v8;
	s8 =	sor.u32 $0x110, s0;
	v18 =	vld.idx.msk [tilespmem:v31+s17+$0x0], $0xffff  }
0x174: {  	v10 =	vadd.f32 v24, v10;
	v24 =	vld [tilespmem:s8+$0x8000]  }
0x175: {  	v9 =	vld.idx.msk [tilespmem:v30+s17+$0x0], $0xffff  }
0x176: {  	p0 =	por !p0, !p0;
	s3 =	simm.s32 $0x1;
	v20 =	vld.idx.msk [tilespmem:v29+s17+$0x0], $0xffff  }
0x177: {  	s3 =	simm.s32 @!p0 $0x0;
	v8 =	vadd.f32 v28, v8;
	v22 =	vadd.f32 v25, v7  }
0x178: {  	v2 =	vadd.f32 v12, v2;
	v11 =	vadd.f32 v11, v13;
	s0 =	sor.u32 $0x120, s0;
	s24 =	sshll.u32 s3, $0x6;
	v12 =	vshll.u32 v19, $0x2  }
0x179: {  	v12 =	vand.u32 $0xFFFFFE00, v12;
	v6 =	vadd.f32 v27, v8;
	v8 =	vadd.f32 v18, v22;
	v18 =	vld [tilespmem:s0+$0x8000];
	s0 =	sadd.s32 $0x100, s24  }
0x17a: {  	v13 =	vshll.u32 v24, $0x2;
	v22 =	vand.u32 $0x7F, v23;
	s29 =	sor.u32 $0x130, s0;
	v7 =	vadd.f32 v9, v21  }
0x17b: {  	v21 =	vadd.f32 v11, v2;
	v11 =	vld [tilespmem:s29+$0x8000];
	v9 =	vadd.f32 v20, v10;
	v10 =	vand.u32 $0x7F, v19  }
0x17c: {  	p0 =	por !p0, !p0;
	s3 =	simm.s32 $0x1;
	s30 =	sor.u32 $0x100, s0;
	v13 =	vand.u32 $0xFFFFFE00, v13;
	v2 =	vimm.f32 $0.0e+00;
	v10 =	vor.u32 v12, v10  }
0x17d: {  	s3 =	simm.s32 @!p0 $0x0;
	s31 =	sor.u32 $0x110, s0;
	v20 =	vld [tilespmem:s30+$0x8000];
	v12 =	vshll.u32 v23, $0x2;
	v23 =	vand.u32 $0x7F, v24;
	v10 =	vor.u32 $0x100, v10  }
0x17e: {  	s6 =	sshll.u32 s3, $0x6;
	s0 =	sor.u32 $0x120, s0;
	v24 =	vld [tilespmem:s31+$0x8000];
	v12 =	vand.u32 $0xFFFFFE00, v12;
	v19 =	vshll.u32 v18, $0x2;
	v13 =	vor.u32 v13, v23  }
0x17f: {  	v18 =	vand.u32 $0x7F, v18;
	v19 =	vand.u32 $0xFFFFFE00, v19;
	v12 =	vor.u32 v12, v22;
	v22 =	vld [tilespmem:s0+$0x8000];
	s0 =	sadd.s32 $0x200, s6  }
0x180: {  	v23 =	vor.u32 $0x100, v13;
	v18 =	vor.u32 v19, v18;
	v19 =	vshll.u32 v11, $0x2;
	s7 =	sor.u32 $0x130, s0  }
0x181: {  	v12 =	vor.u32 $0x100, v12;
	v11 =	vand.u32 $0x7F, v11;
	s8 =	sor.u32 $0x100, s0;
	v13 =	vand.u32 $0xFFFFFE00, v19;
	v25 =	vld [tilespmem:s7+$0x8000]  }
0x182: {  	v18 =	vor.u32 $0x100, v18;
	v19 =	vshll.u32 v20, $0x2;
	v26 =	vld [tilespmem:s8+$0x8000];
	v11 =	vor.u32 v13, v11  }
0x183: {  	s24 =	sor.u32 $0x110, s0;
	v13 =	vand.u32 $0xFFFFFE00, v19;
	v19 =	vshll.u32 v24, $0x2;
	v10 =	vld.idx.msk [tilespmem:v10+s17+$0x0], $0xffff;
	v11 =	vor.u32 $0x100, v11  }
0x184: {  	v20 =	vand.u32 $0x7F, v20;
	v28 =	vld [tilespmem:s24+$0x8000];
	v24 =	vand.u32 $0x7F, v24;
	v19 =	vand.u32 $0xFFFFFE00, v19  }
0x185: {  	s0 =	sor.u32 $0x120, s0;
	v13 =	vor.u32 v13, v20;
	v27 =	vshll.u32 v22, $0x2;
	v19 =	vor.u32 v19, v24  }
0x186: {  	p0 =	por !p0, !p0;
	v20 =	vand.u32 $0x7F, v22;
	v22 =	vld [tilespmem:s0+$0x8000];
	v30 =	vor.u32 $0x100, v13;
	s0 =	simm.s32 $0x1;
	v27 =	vand.u32 $0xFFFFFE00, v27  }
0x187: {  	s0 =	simm.s32 @!p0 $0x0;
	v63 =	vld.idx.msk [tilespmem:v12+s17+$0x0], $0xffff;
	v13 =	vor.u32 v27, v20;
	v20 =	vor.u32 $0x100, v19;
	v12 =	vshll.u32 v26, $0x2  }
0x188: {  	s0 =	sshll.u32 s0, $0x6;
	v19 =	vand.u32 $0x7F, v25;
	v31 =	vadd.f32 v10, v2;
	v10 =	vshll.u32 v25, $0x2;
	v11 =	vld.idx.msk [tilespmem:v11+s17+$0x0], $0xffff  }
0x189: {  	v13 =	vor.u32 $0x100, v13;
	s0 =	sadd.s32 $0x300, s0;
	v24 =	vand.u32 $0xFFFFFE00, v10;
	v10 =	vld.idx.msk [tilespmem:v23+s17+$0x0], $0xffff;
	v23 =	vshll.u32 v28, $0x2  }
0x18a: {  	s29 =	sor.u32 $0x130, s0;
	v25 =	vand.u32 $0xFFFFFE00, v12;
	v12 =	vld.idx.msk [tilespmem:v18+s17+$0x0], $0xffff;
	v19 =	vor.u32 v24, v19;
	v18 =	vand.u32 $0xFFFFFE00, v23  }
0x18b: {  	s30 =	sor.u32 $0x100, s0;
	v27 =	vld [tilespmem:s29+$0x8000];
	v24 =	vshll.u32 v22, $0x2;
	v29 =	vor.u32 $0x100, v19;
	v19 =	vand.u32 $0x7F, v26  }
0x18c: {  	s31 =	sor.u32 $0x110, s0;
	v23 =	vld [tilespmem:s30+$0x8000];
	v26 =	vand.u32 $0x7F, v28;
	v28 =	vand.u32 $0xFFFFFE00, v24;
	v19 =	vor.u32 v25, v19  }
0x18d: {  	s0 =	sor.u32 $0x120, s0;
	v25 =	vld [tilespmem:s31+$0x8000];
	v18 =	vor.u32 v18, v26;
	v26 =	vand.u32 $0x7F, v22;
	v22 =	vor.u32 $0x100, v19  }
0x18e: {  	s5 =	simm.s32 $0x1;
	p0 =	por !p0, !p0;
	v24 =	vld [tilespmem:s0+$0x8000];
	v19 =	vor.u32 v28, v26;
	v11 =	vadd.f32 v11, v31;
	v28 =	vor.u32 $0x100, v18  }
0x18f: {  	s3 =	simm.s32 $0x140;
	s5 =	simm.s32 @!p0 $0x0;
	s0 =	simm.s32 $0x300;
	v18 =	vadd.f32 v63, v21;
	v21 =	vimm.f32 $0.0e+00;
	v26 =	vor.u32 $0x100, v19;
	v19 =	vld.idx.msk [tilespmem:v30+s17+$0x0], $0xffff  }
.LBB2_33:
0x190: {  	p1 =	sne.s32 s3, $0x7C0;
	s5 =	sshll.u32 s5, $0x6;
	v30 =	vshll.u32 v27, $0x2;
	s0 =	sadd.s32 $0x100, s0;
	v31 =	vld.idx.msk [tilespmem:v29+s17+$0x0], $0xffff;
	v2 =	vadd.f32 v10, v2;
	v21 =	vadd.f32 v12, v21  }
0x191: {  	v27 =	vand.u32 $0x7F, v27;
	s5 =	sadd.s32 s5, s0;
	v12 =	vshll.u32 v23, $0x2;
	v29 =	vand.u32 $0xFFFFFE00, v30;
	v10 =	vld.idx.msk [tilespmem:v20+s17+$0x0], $0xffff;
	v20 =	vmovc v28  }
0x192: {  	s6 =	sor.u32 $0x100, s5;
	s7 =	sor.u32 $0x110, s5;
	s8 =	sor.u32 $0x130, s5;
	v28 =	vand.u32 $0xFFFFFE00, v12;
	v30 =	vshll.u32 v25, $0x2;
	v29 =	vor.u32 v29, v27;
	v12 =	vld.idx.msk [tilespmem:v13+s17+$0x0], $0xffff;
	v13 =	vmovc v26  }
.Ltmp16:
0x193: {  	s5 =	sor.u32 $0x120, s5;
	v27 =	vld [tilespmem:s8+$0x8000];
	v26 =	vand.u32 $0xFFFFFE00, v30;
	v30 =	vshll.u32 v24, $0x2;
	v29 =	vor.u32 $0x100, v29;
	(pc) =	sbr.rel @p1 .LBB2_33-.Ltmp16, $4  }
0x194: {  	v32 =	vand.u32 $0x7F, v23;
	v33 =	vand.u32 $0x7F, v25;
	v23 =	vld [tilespmem:s6+$0x8000];
	v30 =	vand.u32 $0xFFFFFE00, v30  }
0x195: {  	v28 =	vor.u32 v28, v32;
	v32 =	vand.u32 $0x7F, v24;
	v26 =	vor.u32 v26, v33;
	v25 =	vld [tilespmem:s7+$0x8000]  }
0x196: {  	p0 =	por !p0, !p0;
	v33 =	vor.u32 $0x100, v28;
	v30 =	vor.u32 v30, v32;
	v11 =	vadd.f32 v31, v11;
	v24 =	vld [tilespmem:s5+$0x8000];
	s5 =	simm.s32 $0x1  }
0x197: {  	s3 =	sadd.s32 $0x40, s3;
	v18 =	vadd.f32 v19, v18;
	v28 =	vor.u32 $0x100, v26;
	v26 =	vor.u32 $0x100, v30;
	s5 =	simm.s32 @!p0 $0x0;
	v19 =	vld.idx.msk [tilespmem:v22+s17+$0x0], $0xffff;
	v22 =	vmovc v33  }
0x198: {  	_ =	sdelay $0x1  }
0x199: {  	s3 =	sshll.u32 s5, $0x6;
	s0 =	sadd.s32 $0x100, s0  }
0x19a: {  	s0 =	sadd.s32 s3, s0  }
0x19b: {  	v30 =	vshll.u32 v27, $0x2;
	v27 =	vand.u32 $0x7F, v27;
	v29 =	vld.idx.msk [tilespmem:v29+s17+$0x0], $0xffff;
	s3 =	sor.u32 $0x130, s0  }
0x19c: {  	v31 =	vshll.u32 v23, $0x2;
	v30 =	vand.u32 $0xFFFFFE00, v30;
	v23 =	vand.u32 $0x7F, v23;
	s31 =	sor.u32 $0x100, s0;
	v32 =	vld [tilespmem:s3+$0x8000]  }
0x19d: {  	v33 =	vshll.u32 v25, $0x2;
	v31 =	vand.u32 $0xFFFFFE00, v31;
	v27 =	vor.u32 v30, v27;
	s5 =	sor.u32 $0x110, s0;
	v58 =	vld [tilespmem:s31+$0x8000]  }
0x19e: {  	v25 =	vand.u32 $0x7F, v25;
	v34 =	vshll.u32 v24, $0x2;
	v23 =	vor.u32 v31, v23;
	v31 =	vld [tilespmem:s5+$0x8000]  }
0x19f: {  	v20 =	vld.idx.msk [tilespmem:v20+s17+$0x0], $0xffff;
	v30 =	vand.u32 $0xFFFFFE00, v33;
	v24 =	vand.u32 $0x7F, v24;
	v34 =	vand.u32 $0xFFFFFE00, v34  }
0x1a0: {  	v13 =	vld.idx.msk [tilespmem:v13+s17+$0x0], $0xffff;
	s0 =	sor.u32 $0x120, s0;
	v27 =	vor.u32 $0x100, v27;
	v25 =	vor.u32 v30, v25;
	v24 =	vor.u32 v34, v24  }
0x1a1: {  	v59 =	vld [tilespmem:s0+$0x8000];
	v23 =	vor.u32 $0x100, v23;
	v25 =	vor.u32 $0x100, v25;
	v24 =	vor.u32 $0x100, v24  }
0x1a2: {  	v22 =	vld.idx.msk [tilespmem:v22+s17+$0x0], $0xffff;
	v30 =	vshll.u32 v32, $0x2;
	v32 =	vand.u32 $0x7F, v32;
	v60 =	vshll.u32 v58, $0x2  }
0x1a3: {  	v28 =	vld.idx.msk [tilespmem:v28+s17+$0x0], $0xffff;
	v33 =	vand.u32 $0x7F, v58;
	v61 =	vshll.u32 v31, $0x2;
	v30 =	vand.u32 $0xFFFFFE00, v30  }
0x1a4: {  	v26 =	vld.idx.msk [tilespmem:v26+s17+$0x0], $0xffff;
	p0 =	por $0x0, $0x0;
	s0 =	simm.s32 $0x1;
	v31 =	vand.u32 $0x7F, v31;
	v30 =	vor.u32 v30, v32;
	v32 =	vand.u32 $0xFFFFFE00, v60  }
0x1a5: {  	s0 =	simm.s32 @!p0 $0x0;
	v27 =	vld.idx.msk [tilespmem:v27+s17+$0x0], $0xffff;
	v30 =	vor.u32 $0x100, v30;
	v32 =	vor.u32 v32, v33;
	v33 =	vand.u32 $0xFFFFFE00, v61  }
0x1a6: {  	s0 =	sshll.u32 s0, $0x6;
	v62 =	vshll.u32 v59, $0x2;
	v23 =	vld.idx.msk [tilespmem:v23+s17+$0x0], $0xffff;
	v31 =	vor.u32 v33, v31;
	v32 =	vor.u32 $0x100, v32  }
0x1a7: {  	s0 =	sadd.s32 $0x0, s0;
	v34 =	vand.u32 $0x7F, v59;
	v25 =	vld.idx.msk [tilespmem:v25+s17+$0x0], $0xffff;
	v33 =	vand.u32 $0xFFFFFE00, v62;
	v31 =	vor.u32 $0x100, v31  }
0x1a8: {  	v12 =	vadd.f32 v12, v21;
	s8 =	sor.u32 $0x190, s0;
	v21 =	vld.idx.msk [tilespmem:v24+s17+$0x0], $0xffff;
	v33 =	vor.u32 v33, v34  }
0x1a9: {  	v2 =	vadd.f32 v10, v2;
	v24 =	vld [tilespmem:s8+$0x8000];
	v10 =	vor.u32 $0x100, v33  }
0x1aa: {  	v18 =	vadd.f32 v19, v18;
	v30 =	vld.idx.msk [tilespmem:v30+s17+$0x0], $0xffff  }
0x1ab: {  	v2 =	vadd.f32 v20, v2;
	v12 =	vadd.f32 v13, v12;
	v19 =	vld.idx.msk [tilespmem:v32+s17+$0x0], $0xffff  }
0x1ac: {  	v11 =	vadd.f32 v29, v11;
	v18 =	vadd.f32 v22, v18;
	s6 =	sor.u32 $0x1B0, s0;
	v13 =	vld.idx.msk [tilespmem:v31+s17+$0x0], $0xffff  }
0x1ad: {  	v2 =	vadd.f32 v28, v2;
	v12 =	vadd.f32 v26, v12;
	v20 =	vld [tilespmem:s6+$0x8000]  }
0x1ae: {  	s7 =	sor.u32 $0x180, s0;
	v11 =	vadd.f32 v27, v11;
	v18 =	vadd.f32 v23, v18;
	v22 =	vld.idx.msk [tilespmem:v10+s17+$0x0], $0xffff  }
0x1af: {  	s3 =	simm.s32 $0x1;
	p0 =	por !p0, !p0;
	v23 =	vld [tilespmem:s7+$0x8000];
	v2 =	vadd.f32 v25, v2;
	v21 =	vadd.f32 v21, v12  }
0x1b0: {  	s3 =	simm.s32 @!p0 $0x0;
	v10 =	vadd.f32 v30, v11;
	v11 =	vadd.f32 v19, v18  }
0x1b1: {  	s24 =	sshll.u32 s3, $0x6;
	s0 =	sor.u32 $0x1A0, s0;
	v18 =	vshll.u32 v24, $0x2;
	v12 =	vadd.f32 v13, v2;
	v2 =	vadd.f32 v16, v15  }
0x1b2: {  	v13 =	vld [tilespmem:s0+$0x8000];
	v15 =	vadd.f32 v14, v17;
	v16 =	vshll.u32 v20, $0x2;
	s0 =	sadd.s32 $0x100, s24;
	v17 =	vand.u32 $0x7F, v20  }
0x1b3: {  	v18 =	vand.u32 $0xFFFFFE00, v18;
	v14 =	vadd.f32 v22, v21;
	v16 =	vand.u32 $0xFFFFFE00, v16;
	s29 =	sor.u32 $0x1B0, s0  }
0x1b4: {  	s30 =	sor.u32 $0x180, s0;
	v22 =	vand.u32 $0x7F, v23;
	v19 =	vadd.f32 v15, v2;
	v15 =	vor.u32 v16, v17;
	v16 =	vld [tilespmem:s29+$0x8000]  }
0x1b5: {  	p0 =	por !p0, !p0;
	s3 =	simm.s32 $0x1;
	s31 =	sor.u32 $0x190, s0;
	v2 =	vimm.f32 $0.0e+00;
	v17 =	vshll.u32 v23, $0x2;
	v21 =	vld [tilespmem:s30+$0x8000];
	v23 =	vand.u32 $0x7F, v24  }
0x1b6: {  	s3 =	simm.s32 @!p0 $0x0;
	s0 =	sor.u32 $0x1A0, s0;
	v24 =	vld [tilespmem:s31+$0x8000];
	v15 =	vor.u32 $0x180, v15;
	v17 =	vand.u32 $0xFFFFFE00, v17;
	v18 =	vor.u32 v18, v23  }
0x1b7: {  	s6 =	sshll.u32 s3, $0x6;
	v17 =	vor.u32 v17, v22;
	v22 =	vld [tilespmem:s0+$0x8000];
	v18 =	vor.u32 $0x180, v18;
	v20 =	vshll.u32 v13, $0x2  }
0x1b8: {  	s0 =	sadd.s32 $0x200, s6;
	v13 =	vand.u32 $0x7F, v13;
	v17 =	vor.u32 $0x180, v17;
	v20 =	vand.u32 $0xFFFFFE00, v20  }
0x1b9: {  	s7 =	sor.u32 $0x1B0, s0;
	v13 =	vor.u32 v20, v13;
	v20 =	vshll.u32 v16, $0x2;
	v16 =	vand.u32 $0x7F, v16  }
0x1ba: {  	s8 =	sor.u32 $0x180, s0;
	v25 =	vld [tilespmem:s7+$0x8000];
	v20 =	vand.u32 $0xFFFFFE00, v20;
	v23 =	vor.u32 $0x180, v13;
	v13 =	vshll.u32 v21, $0x2  }
0x1bb: {  	v26 =	vld [tilespmem:s8+$0x8000];
	v21 =	vand.u32 $0x7F, v21;
	v16 =	vor.u32 v20, v16;
	v13 =	vand.u32 $0xFFFFFE00, v13  }
0x1bc: {  	s24 =	sor.u32 $0x190, s0;
	v15 =	vld.idx.msk [tilespmem:v15+s17+$0x0], $0xffff;
	v20 =	vshll.u32 v24, $0x2;
	v27 =	vshll.u32 v22, $0x2;
	v24 =	vand.u32 $0x7F, v24  }
0x1bd: {  	v28 =	vld [tilespmem:s24+$0x8000];
	v16 =	vor.u32 $0x180, v16;
	v20 =	vand.u32 $0xFFFFFE00, v20;
	v27 =	vand.u32 $0xFFFFFE00, v27  }
0x1be: {  	s0 =	sor.u32 $0x1A0, s0;
	v13 =	vor.u32 v13, v21;
	v21 =	vand.u32 $0x7F, v22;
	v20 =	vor.u32 v20, v24  }
0x1bf: {  	p0 =	por !p0, !p0;
	v22 =	vld [tilespmem:s0+$0x8000];
	s0 =	simm.s32 $0x1;
	v30 =	vor.u32 $0x180, v13;
	v13 =	vor.u32 v27, v21;
	v24 =	vand.u32 $0x7F, v25  }
0x1c0: {  	v17 =	vld.idx.msk [tilespmem:v17+s17+$0x0], $0xffff;
	s0 =	simm.s32 @!p0 $0x0;
	v21 =	vor.u32 $0x180, v20;
	v20 =	vor.u32 $0x180, v13;
	v13 =	vshll.u32 v25, $0x2  }
0x1c1: {  	s0 =	sshll.u32 s0, $0x6;
	v31 =	vadd.f32 v15, v2;
	v15 =	vshll.u32 v26, $0x2;
	v25 =	vand.u32 $0xFFFFFE00, v13;
	v13 =	vld.idx.msk [tilespmem:v18+s17+$0x0], $0xffff  }
0x1c2: {  	s0 =	sadd.s32 $0x300, s0;
	v18 =	vshll.u32 v28, $0x2;
	v63 =	vand.u32 $0xFFFFFE00, v15;
	v15 =	vld.idx.msk [tilespmem:v23+s17+$0x0], $0xffff  }
0x1c3: {  	s29 =	sor.u32 $0x1B0, s0;
	v24 =	vor.u32 v25, v24;
	v18 =	vand.u32 $0xFFFFFE00, v18;
	v16 =	vld.idx.msk [tilespmem:v16+s17+$0x0], $0xffff  }
0x1c4: {  	s30 =	sor.u32 $0x180, s0;
	v29 =	vld [tilespmem:s29+$0x8000];
	v25 =	vshll.u32 v22, $0x2;
	v27 =	vor.u32 $0x180, v24;
	v24 =	vand.u32 $0x7F, v26  }
0x1c5: {  	s31 =	sor.u32 $0x190, s0;
	v23 =	vld [tilespmem:s30+$0x8000];
	v26 =	vand.u32 $0x7F, v28;
	v17 =	vadd.f32 v17, v19;
	v28 =	vand.u32 $0xFFFFFE00, v25  }
0x1c6: {  	s0 =	sor.u32 $0x1A0, s0;
	v24 =	vor.u32 v63, v24;
	v25 =	vld [tilespmem:s31+$0x8000];
	v18 =	vor.u32 v18, v26;
	v26 =	vand.u32 $0x7F, v22  }
0x1c7: {  	s5 =	simm.s32 $0x1;
	p0 =	por !p0, !p0;
	v19 =	vimm.f32 $0.0e+00;
	v22 =	vor.u32 $0x180, v24;
	v24 =	vld [tilespmem:s0+$0x8000];
	v26 =	vor.u32 v28, v26  }
0x1c8: {  	s3 =	simm.s32 $0x140;
	s5 =	simm.s32 @!p0 $0x0;
	v28 =	vor.u32 $0x180, v18;
	s0 =	simm.s32 $0x300;
	v18 =	vld.idx.msk [tilespmem:v30+s17+$0x0], $0xffff;
	v26 =	vor.u32 $0x180, v26;
	v16 =	vadd.f32 v16, v31  }
.LBB2_35:
0x1c9: {  	p1 =	sne.s32 s3, $0x7C0;
	s5 =	sshll.u32 s5, $0x6;
	v30 =	vshll.u32 v29, $0x2;
	s0 =	sadd.s32 $0x100, s0;
	v31 =	vld.idx.msk [tilespmem:v27+s17+$0x0], $0xffff;
	v2 =	vadd.f32 v13, v2;
	v19 =	vadd.f32 v15, v19  }
0x1ca: {  	v27 =	vand.u32 $0x7F, v29;
	s5 =	sadd.s32 s5, s0;
	v15 =	vshll.u32 v23, $0x2;
	v29 =	vand.u32 $0xFFFFFE00, v30;
	v13 =	vld.idx.msk [tilespmem:v21+s17+$0x0], $0xffff;
	v21 =	vmovc v28  }
0x1cb: {  	s6 =	sor.u32 $0x180, s5;
	s7 =	sor.u32 $0x190, s5;
	s8 =	sor.u32 $0x1B0, s5;
	v28 =	vand.u32 $0xFFFFFE00, v15;
	v30 =	vshll.u32 v25, $0x2;
	v27 =	vor.u32 v29, v27;
	v15 =	vld.idx.msk [tilespmem:v20+s17+$0x0], $0xffff;
	v20 =	vmovc v26  }
.Ltmp17:
0x1cc: {  	s5 =	sor.u32 $0x1A0, s5;
	v29 =	vld [tilespmem:s8+$0x8000];
	v26 =	vand.u32 $0xFFFFFE00, v30;
	v30 =	vshll.u32 v24, $0x2;
	v27 =	vor.u32 $0x180, v27;
	(pc) =	sbr.rel @p1 .LBB2_35-.Ltmp17, $4  }
0x1cd: {  	v32 =	vand.u32 $0x7F, v23;
	v33 =	vand.u32 $0x7F, v25;
	v23 =	vld [tilespmem:s6+$0x8000];
	v30 =	vand.u32 $0xFFFFFE00, v30  }
0x1ce: {  	v28 =	vor.u32 v28, v32;
	v32 =	vand.u32 $0x7F, v24;
	v26 =	vor.u32 v26, v33;
	v25 =	vld [tilespmem:s7+$0x8000]  }
0x1cf: {  	p0 =	por !p0, !p0;
	v33 =	vor.u32 $0x180, v28;
	v30 =	vor.u32 v30, v32;
	v16 =	vadd.f32 v31, v16;
	v24 =	vld [tilespmem:s5+$0x8000];
	s5 =	simm.s32 $0x1  }
0x1d0: {  	s3 =	sadd.s32 $0x40, s3;
	v17 =	vadd.f32 v18, v17;
	v28 =	vor.u32 $0x180, v26;
	v26 =	vor.u32 $0x180, v30;
	s5 =	simm.s32 @!p0 $0x0;
	v18 =	vld.idx.msk [tilespmem:v22+s17+$0x0], $0xffff;
	v22 =	vmovc v33  }
0x1d1: {  	s3 =	sshll.u32 s5, $0x6;
	s0 =	sadd.s32 $0x100, s0  }
0x1d2: {  	s0 =	sadd.s32 s3, s0  }
0x1d3: {  	v30 =	vshll.u32 v29, $0x2;
	s3 =	sor.u32 $0x1B0, s0  }
0x1d4: {  	v29 =	vand.u32 $0x7F, v29;
	v32 =	vshll.u32 v23, $0x2;
	v30 =	vand.u32 $0xFFFFFE00, v30;
	s24 =	sor.u32 $0x180, s0;
	v31 =	vld [tilespmem:s3+$0x8000]  }
0x1d5: {  	v23 =	vand.u32 $0x7F, v23;
	v33 =	vshll.u32 v25, $0x2;
	v29 =	vor.u32 v30, v29;
	s29 =	sor.u32 $0x190, s0;
	v30 =	vld [tilespmem:s24+$0x8000]  }
0x1d6: {  	v32 =	vand.u32 $0xFFFFFE00, v32;
	v25 =	vand.u32 $0x7F, v25;
	s0 =	sor.u32 $0x1A0, s0;
	v33 =	vand.u32 $0xFFFFFE00, v33;
	v35 =	vld [tilespmem:s29+$0x8000]  }
0x1d7: {  	v34 =	vshll.u32 v24, $0x2;
	v29 =	vor.u32 $0x180, v29;
	v23 =	vor.u32 v32, v23;
	v59 =	vld [tilespmem:s0+$0x8000]  }
0x1d8: {  	v24 =	vand.u32 $0x7F, v24;
	v34 =	vand.u32 $0xFFFFFE00, v34;
	v25 =	vor.u32 v33, v25  }
0x1d9: {  	v27 =	vld.idx.msk [tilespmem:v27+s17+$0x0], $0xffff;
	v23 =	vor.u32 $0x180, v23;
	v24 =	vor.u32 v34, v24;
	v25 =	vor.u32 $0x180, v25  }
0x1da: {  	v21 =	vld.idx.msk [tilespmem:v21+s17+$0x0], $0xffff;
	v24 =	vor.u32 $0x180, v24;
	v58 =	vshll.u32 v31, $0x2;
	v31 =	vand.u32 $0x7F, v31  }
0x1db: {  	v20 =	vld.idx.msk [tilespmem:v20+s17+$0x0], $0xffff;
	v60 =	vshll.u32 v30, $0x2;
	v30 =	vand.u32 $0x7F, v30;
	v61 =	vshll.u32 v35, $0x2  }
0x1dc: {  	v22 =	vld.idx.msk [tilespmem:v22+s17+$0x0], $0xffff;
	v62 =	vand.u32 $0x7F, v35;
	v63 =	vshll.u32 v59, $0x2;
	v32 =	vand.u32 $0xFFFFFE00, v58  }
0x1dd: {  	v28 =	vld.idx.msk [tilespmem:v28+s17+$0x0], $0xffff;
	v33 =	vand.u32 $0x7F, v59;
	v34 =	vand.u32 $0xFFFFFE00, v63;
	v31 =	vor.u32 v32, v31  }
0x1de: {  	v26 =	vld.idx.msk [tilespmem:v26+s17+$0x0], $0xffff;
	v32 =	vand.u32 $0xFFFFFE00, v60;
	v33 =	vor.u32 v34, v33;
	v31 =	vor.u32 $0x180, v31  }
0x1df: {  	v29 =	vld.idx.msk [tilespmem:v29+s17+$0x0], $0xffff;
	v30 =	vor.u32 v32, v30;
	v32 =	vand.u32 $0xFFFFFE00, v61;
	v33 =	vor.u32 $0x180, v33  }
0x1e0: {  	v23 =	vld.idx.msk [tilespmem:v23+s17+$0x0], $0xffff;
	v32 =	vor.u32 v32, v62;
	v30 =	vor.u32 $0x180, v30  }
0x1e1: {  	v25 =	vld.idx.msk [tilespmem:v25+s17+$0x0], $0xffff;
	v32 =	vor.u32 $0x180, v32  }
0x1e2: {  	v24 =	vld.idx.msk [tilespmem:v24+s17+$0x0], $0xffff  }
0x1e3: {  	v31 =	vld.idx.msk [tilespmem:v31+s17+$0x0], $0xffff  }
0x1e4: {  	v33 =	vld.idx.msk [tilespmem:v33+s17+$0x0], $0xffff  }
0x1e5: {  	s30 =	smul.u32 $0x3, s28;
	v30 =	vld.idx.msk [tilespmem:v30+s17+$0x0], $0xffff  }
0x1e6: {  	v32 =	vld.idx.msk [tilespmem:v32+s17+$0x0], $0xffff;
	_ =	swait.ge [sflag:s23], $0x2000  }
0x1e7: {  	s0 =	smin.u32 s30, $0x2C;
	[sflag:s23] =	ssyncset.done $0x0  }
0x1e8: {  	s0 =	sshll.u32 s0, $0x12;
	[sflag:s23] =	ssyncadd.s32 $0xFFFFE000  }
0x1e9: {  	s0 =	sadd.s32 s11, s0;
	_ =	swait.ge [sflag:s23], $0x2000  }
0x1ea: {  	s0 =	sshrl.u32 s0, $0x3;
	[sflag:s23] =	ssyncset.done $0x0  }
0x1eb: {  	s31 =	sadd.s32 s1, s0;
	[sflag:s23] =	ssyncadd.s32 $0xFFFFE000  }
0x1ec: {  	[tilespmem:s17], [sflag:$0x2] =	stream.strided.gather [hbm4b:s31+s14], $0x2000, s15, s14, $0x38;
	[tilespmem:$0xC080] =	vst v63  }
0x1ed: {  	s5 =	simm.s32 $0x0;
	s0 =	sadd.s32 s2, s0  }
0x1ee: {  	[tilespmem:s18], [sflag:$0x2] =	stream.strided.gather [hbm4b:s0+s14], $0x2000, s15, s14, $0x38;
	[tilespmem:$0xC080] =	vst v63  }
0x1ef: {  	s6 =	sand.u32 $0x40, s5;
	s0 =	sand.u32 $0x1E00, s5  }
0x1f0: {  	v2 =	vadd.f32 v13, v2;
	v13 =	vadd.f32 v15, v19;
	s0 =	sor.u32 s6, s0  }
0x1f1: {  	v17 =	vadd.f32 v18, v17;
	v15 =	vadd.f32 v27, v16;
	v16 =	vld [tilespmem:s0+$0xA030]  }
0x1f2: {  	v3 =	vadd.f32 v4, v3;
	v13 =	vadd.f32 v20, v13;
	v18 =	vld [tilespmem:s0+$0xA000]  }
0x1f3: {  	v17 =	vadd.f32 v22, v17;
	v15 =	vadd.f32 v29, v15  }
0x1f4: {  	s7 =	simm.s32 $0x40;
	s8 =	simm.s32 $0x100;
	v2 =	vadd.f32 v21, v2;
	v19 =	vadd.f32 v26, v13  }
0x1f5: {  	s3 =	sand.u32 $0x40, s7;
	v13 =	vadd.f32 v31, v15;
	v15 =	vadd.f32 v23, v17;
	s5 =	sand.u32 $0x1E00, s8;
	v17 =	vld [tilespmem:s0+$0xA010]  }
0x1f6: {  	v1 =	vadd.f32 v1, v5;
	v2 =	vadd.f32 v28, v2;
	s24 =	sor.u32 s3, s5;
	v21 =	vld [tilespmem:s0+$0xA020];
	v20 =	vshll.u32 v16, $0x2  }
0x1f7: {  	v23 =	vld [tilespmem:s24+$0xA030];
	v22 =	vshll.u32 v18, $0x2;
	v16 =	vand.u32 $0x7F, v16;
	v20 =	vand.u32 $0xFFFFFE00, v20  }
0x1f8: {  	v4 =	vld [tilespmem:s24+$0xA000];
	v20 =	vor.u32 v16, v20;
	v16 =	vand.u32 $0x7F, v18;
	v18 =	vadd.f32 v24, v19  }
0x1f9: {  	v3 =	vadd.f32 v1, v3;
	v2 =	vadd.f32 v25, v2;
	v22 =	vand.u32 $0xFFFFFE00, v22  }
0x1fa: {  	v19 =	vor.u32 v16, v22;
	v16 =	vadd.f32 v33, v18;
	v18 =	vshll.u32 v17, $0x2  }
0x1fb: {  	s29 =	simm.s32 $0x80;
	s30 =	simm.s32 $0x200;
	v5 =	vadd.f32 v32, v2;
	v2 =	vld [tilespmem:s24+$0xA010];
	v17 =	vand.u32 $0x7F, v17;
	v18 =	vand.u32 $0xFFFFFE00, v18  }
0x1fc: {  	v1 =	vimm.f32 $0.0e+00;
	s3 =	sand.u32 $0x40, s29;
	s0 =	sand.u32 $0x1E00, s30;
	v24 =	vshll.u32 v21, $0x2;
	v22 =	vld [tilespmem:s24+$0xA020];
	v17 =	vor.u32 v17, v18  }
0x1fd: {  	s0 =	sor.u32 s3, s0;
	v18 =	vshll.u32 v4, $0x2;
	v4 =	vand.u32 $0x7F, v4;
	v26 =	vld.idx.msk [tilespmem:v20+s20+$0x0], $0xffff;
	v20 =	vshll.u32 v23, $0x2  }
0x1fe: {  	v29 =	vld [tilespmem:s0+$0xA030];
	v23 =	vand.u32 $0x7F, v23;
	v18 =	vand.u32 $0xFFFFFE00, v18;
	v20 =	vand.u32 $0xFFFFFE00, v20  }
0x1ff: {  	v27 =	vld.idx.msk [tilespmem:v19+s20+$0x0], $0xffff;
	v19 =	vand.u32 $0x7F, v21;
	v21 =	vand.u32 $0xFFFFFE00, v24;
	v28 =	vor.u32 v23, v20  }
0x200: {  	v15 =	vadd.f32 v30, v15;
	v25 =	vor.u32 v4, v18;
	v30 =	vor.u32 v19, v21;
	v23 =	vld [tilespmem:s0+$0xA000]  }
0x201: {  	v19 =	vshll.u32 v2, $0x2;
	v20 =	vshll.u32 v22, $0x2;
	v2 =	vand.u32 $0x7F, v2;
	v21 =	vld [tilespmem:s0+$0xA010]  }
0x202: {  	v24 =	vld [tilespmem:s0+$0xA020];
	v22 =	vand.u32 $0x7F, v22;
	v19 =	vand.u32 $0xFFFFFE00, v19;
	v31 =	vand.u32 $0xFFFFFE00, v20  }
0x203: {  	v20 =	vor.u32 v2, v19;
	v19 =	vor.u32 v22, v31;
	v22 =	vshll.u32 v29, $0x2;
	v18 =	vld.idx.msk [tilespmem:v17+s20+$0x0], $0xffff  }
0x204: {  	s31 =	simm.s32 $0xC0;
	s0 =	simm.s32 $0x300;
	v17 =	vimm.f32 $0.0e+00;
	v2 =	vadd.f32 v26, v1;
	v3 =	vadd.f32 v27, v3;
	v4 =	vld.idx.msk [tilespmem:v28+s20+$0x0], $0xffff  }
0x205: {  	s5 =	sand.u32 $0x40, s31;
	s3 =	simm.s32 $0x100;
	s6 =	sand.u32 $0x1E00, s0;
	v27 =	vand.u32 $0x7F, v29;
	v26 =	vshll.u32 v23, $0x2;
	v28 =	vand.u32 $0xFFFFFE00, v22;
	v22 =	vld.idx.msk [tilespmem:v30+s20+$0x0], $0xffff  }
.LBB2_37:
0x206: {  	p0 =	sne.s32 s3, $0x7C0;
	s5 =	sor.u32 s5, s6;
	v26 =	vand.u32 $0xFFFFFE00, v26;
	v29 =	vshll.u32 v21, $0x2;
	v27 =	vor.u32 v27, v28;
	v28 =	vld.idx.msk [tilespmem:v25+s20+$0x0], $0xffff  }
0x207: {  	v25 =	vand.u32 $0x7F, v23;
	v30 =	vld [tilespmem:s5+$0xA030];
	v29 =	vand.u32 $0xFFFFFE00, v29;
	v31 =	vshll.u32 v24, $0x2  }
0x208: {  	v32 =	vand.u32 $0x7F, v21;
	v33 =	vand.u32 $0x7F, v24;
	v23 =	vld [tilespmem:s5+$0xA000];
	v31 =	vand.u32 $0xFFFFFE00, v31  }
.Ltmp18:
0x209: {  	v25 =	vor.u32 v25, v26;
	v26 =	vor.u32 v32, v29;
	v2 =	vadd.f32 v4, v2;
	v21 =	vld [tilespmem:s5+$0xA010];
	(pc) =	sbr.rel @p0 .LBB2_37-.Ltmp18, $4  }
0x20a: {  	v29 =	vor.u32 v33, v31;
	v1 =	vadd.f32 v18, v1;
	v24 =	vld [tilespmem:s5+$0xA020]  }
0x20b: {  	v17 =	vadd.f32 v22, v17;
	v4 =	vld.idx.msk [tilespmem:v27+s20+$0x0], $0xffff  }
0x20c: {  	s0 =	sadd.s32 $0x100, s0;
	v3 =	vadd.f32 v28, v3;
	v22 =	vshll.u32 v30, $0x2;
	v18 =	vld.idx.msk [tilespmem:v20+s20+$0x0], $0xffff;
	v20 =	vmov v26  }
0x20d: {  	s6 =	sand.u32 $0x1E00, s0;
	s5 =	sand.u32 $0x40, s3;
	s3 =	sadd.s32 $0x40, s3;
	v27 =	vand.u32 $0x7F, v30;
	v26 =	vshll.u32 v23, $0x2;
	v28 =	vand.u32 $0xFFFFFE00, v22;
	v22 =	vld.idx.msk [tilespmem:v19+s20+$0x0], $0xffff;
	v19 =	vmovc v29  }
0x20e: {  	_ =	sdelay $0x3  }
0x20f: {  	s0 =	sor.u32 s5, s6;
	v20 =	vld.idx.msk [tilespmem:v20+s20+$0x0], $0xffff  }
0x210: {  	v29 =	vld [tilespmem:s0+$0xA030]  }
0x211: {  	v26 =	vand.u32 $0xFFFFFE00, v26;
	v27 =	vor.u32 v27, v28;
	v28 =	vld [tilespmem:s0+$0xA000]  }
0x212: {  	v30 =	vshll.u32 v21, $0x2;
	v23 =	vand.u32 $0x7F, v23;
	v21 =	vand.u32 $0x7F, v21;
	v31 =	vld [tilespmem:s0+$0xA010]  }
0x213: {  	v30 =	vand.u32 $0xFFFFFE00, v30;
	v23 =	vor.u32 v23, v26;
	v26 =	vshll.u32 v24, $0x2  }
0x214: {  	v24 =	vand.u32 $0x7F, v24;
	v26 =	vand.u32 $0xFFFFFE00, v26;
	v1 =	vadd.f32 v18, v1  }
0x215: {  	v25 =	vld.idx.msk [tilespmem:v25+s20+$0x0], $0xffff;
	s7 =	simm.s32 $0x0;
	v21 =	vor.u32 v21, v30;
	v24 =	vor.u32 v24, v26  }
0x216: {  	v63 =	vld [tilespmem:s0+$0xA020];
	s3 =	sand.u32 $0x40, s7;
	s0 =	sand.u32 $0x1E00, s7;
	v1 =	vadd.f32 v20, v1;
	v32 =	vshll.u32 v29, $0x2;
	v29 =	vand.u32 $0x7F, v29  }
0x217: {  	s0 =	sor.u32 s3, s0;
	v26 =	vld.idx.msk [tilespmem:v27+s20+$0x0], $0xffff;
	v27 =	vshll.u32 v28, $0x2;
	v30 =	vshll.u32 v31, $0x2;
	v32 =	vand.u32 $0xFFFFFE00, v32  }
0x218: {  	v20 =	vld [tilespmem:s0+$0xA0B0];
	v28 =	vand.u32 $0x7F, v28;
	v27 =	vand.u32 $0xFFFFFE00, v27;
	v29 =	vor.u32 v29, v32  }
0x219: {  	v19 =	vld.idx.msk [tilespmem:v19+s20+$0x0], $0xffff;
	v31 =	vand.u32 $0x7F, v31;
	v30 =	vand.u32 $0xFFFFFE00, v30;
	v27 =	vor.u32 v28, v27  }
0x21a: {  	v2 =	vadd.f32 v4, v2;
	v4 =	vadd.f32 v22, v17;
	v22 =	vld [tilespmem:s0+$0xA080];
	v30 =	vor.u32 v31, v30  }
0x21b: {  	v23 =	vld.idx.msk [tilespmem:v23+s20+$0x0], $0xffff;
	v28 =	vshll.u32 v63, $0x2  }
0x21c: {  	v21 =	vld.idx.msk [tilespmem:v21+s20+$0x0], $0xffff;
	v31 =	vand.u32 $0x7F, v63;
	v28 =	vand.u32 $0xFFFFFE00, v28  }
0x21d: {  	v7 =	vadd.f32 v8, v7;
	v28 =	vor.u32 v31, v28;
	v8 =	vshll.u32 v20, $0x2;
	v29 =	vld.idx.msk [tilespmem:v29+s20+$0x0], $0xffff  }
0x21e: {  	v6 =	vadd.f32 v6, v9;
	v9 =	vand.u32 $0x7F, v20;
	v8 =	vand.u32 $0xFFFFFE00, v8;
	v18 =	vld.idx.msk [tilespmem:v27+s20+$0x0], $0xffff  }
0x21f: {  	v3 =	vadd.f32 v25, v3;
	v8 =	vor.u32 v8, v9;
	v17 =	vld.idx.msk [tilespmem:v30+s20+$0x0], $0xffff  }
0x220: {  	v24 =	vld.idx.msk [tilespmem:v24+s20+$0x0], $0xffff;
	v8 =	vor.u32 $0x80, v8  }
0x221: {  	v2 =	vadd.f32 v26, v2;
	v3 =	vadd.f32 v23, v3;
	v23 =	vld [tilespmem:s0+$0xA090]  }
0x222: {  	v4 =	vadd.f32 v19, v4;
	v21 =	vadd.f32 v21, v1;
	v19 =	vld.idx.msk [tilespmem:v28+s20+$0x0], $0xffff  }
0x223: {  	s8 =	simm.s32 $0x40;
	s24 =	simm.s32 $0x100;
	v1 =	vadd.f32 v29, v2  }
0x224: {  	s3 =	sand.u32 $0x40, s8;
	v2 =	vadd.f32 v18, v3;
	v3 =	vadd.f32 v17, v21;
	v17 =	vld [tilespmem:s0+$0xA0A0];
	s0 =	sand.u32 $0x1E00, s24  }
0x225: {  	v6 =	vadd.f32 v6, v7;
	v4 =	vadd.f32 v24, v4;
	v18 =	vshll.u32 v22, $0x2;
	v8 =	vld.idx.msk [tilespmem:v8+s20+$0x0], $0xffff;
	s0 =	sor.u32 s3, s0  }
0x226: {  	v7 =	vimm.f32 $0.0e+00;
	v22 =	vand.u32 $0x7F, v22;
	v18 =	vand.u32 $0xFFFFFE00, v18;
	v9 =	vld [tilespmem:s0+$0xA0B0]  }
0x227: {  	v4 =	vadd.f32 v19, v4;
	v19 =	vshll.u32 v23, $0x2;
	v24 =	vld [tilespmem:s0+$0xA090];
	v18 =	vor.u32 v18, v22  }
0x228: {  	v21 =	vld [tilespmem:s0+$0xA080];
	v23 =	vand.u32 $0x7F, v23;
	v19 =	vand.u32 $0xFFFFFE00, v19;
	v18 =	vor.u32 $0x80, v18  }
0x229: {  	v22 =	vld [tilespmem:s0+$0xA0A0];
	v19 =	vor.u32 v19, v23;
	v20 =	vshll.u32 v17, $0x2;
	v17 =	vand.u32 $0x7F, v17  }
0x22a: {  	s29 =	simm.s32 $0x80;
	s30 =	simm.s32 $0x200;
	v30 =	vor.u32 $0x80, v19;
	v8 =	vadd.f32 v8, v7;
	v20 =	vand.u32 $0xFFFFFE00, v20  }
0x22b: {  	s3 =	sand.u32 $0x40, s29;
	s0 =	sand.u32 $0x1E00, s30;
	v17 =	vor.u32 v20, v17;
	v20 =	vshll.u32 v9, $0x2;
	v9 =	vand.u32 $0x7F, v9  }
0x22c: {  	s0 =	sor.u32 s3, s0;
	v25 =	vshll.u32 v24, $0x2;
	v24 =	vand.u32 $0x7F, v24;
	v20 =	vand.u32 $0xFFFFFE00, v20  }
0x22d: {  	v19 =	vor.u32 $0x80, v17;
	v17 =	vshll.u32 v21, $0x2;
	v9 =	vor.u32 v20, v9;
	v20 =	vld [tilespmem:s0+$0xA0B0]  }
0x22e: {  	v23 =	vld [tilespmem:s0+$0xA080];
	v27 =	vor.u32 $0x80, v9;
	v9 =	vand.u32 $0xFFFFFE00, v25;
	v25 =	vshll.u32 v22, $0x2  }
0x22f: {  	v21 =	vand.u32 $0x7F, v21;
	v17 =	vand.u32 $0xFFFFFE00, v17;
	v26 =	vand.u32 $0xFFFFFE00, v25;
	v25 =	vld [tilespmem:s0+$0xA090]  }
0x230: {  	v17 =	vor.u32 v17, v21;
	v21 =	vand.u32 $0x7F, v22;
	v9 =	vor.u32 v9, v24;
	v24 =	vld [tilespmem:s0+$0xA0A0]  }
0x231: {  	v22 =	vor.u32 $0x80, v17;
	v17 =	vor.u32 v26, v21;
	v21 =	vor.u32 $0x80, v9;
	v9 =	vld.idx.msk [tilespmem:v18+s20+$0x0], $0xffff  }
0x232: {  	s31 =	simm.s32 $0xC0;
	s0 =	simm.s32 $0x300;
	v26 =	vor.u32 $0x80, v17;
	v17 =	vshll.u32 v20, $0x2;
	v28 =	vand.u32 $0x7F, v20;
	v20 =	vld.idx.msk [tilespmem:v30+s20+$0x0], $0xffff  }
0x233: {  	s5 =	sand.u32 $0x40, s31;
	s3 =	simm.s32 $0x100;
	s6 =	sand.u32 $0x1E00, s0;
	v18 =	vld.idx.msk [tilespmem:v27+s20+$0x0], $0xffff;
	v27 =	vshll.u32 v23, $0x2;
	v29 =	vand.u32 $0xFFFFFE00, v17;
	v17 =	vimm.f32 $0.0e+00  }
.LBB2_39:
0x234: {  	p0 =	sne.s32 s3, $0x7C0;
	s5 =	sor.u32 s5, s6;
	v27 =	vand.u32 $0xFFFFFE00, v27;
	v30 =	vshll.u32 v25, $0x2;
	v28 =	vor.u32 v29, v28;
	v29 =	vld.idx.msk [tilespmem:v19+s20+$0x0], $0xffff;
	v19 =	vmovc v26  }
0x235: {  	v31 =	vld [tilespmem:s5+$0xA0B0];
	v26 =	vand.u32 $0xFFFFFE00, v30;
	v30 =	vshll.u32 v24, $0x2;
	v28 =	vor.u32 $0x80, v28  }
0x236: {  	v32 =	vand.u32 $0x7F, v23;
	v33 =	vand.u32 $0x7F, v25;
	v23 =	vld [tilespmem:s5+$0xA080];
	v30 =	vand.u32 $0xFFFFFE00, v30  }
.Ltmp19:
0x237: {  	v27 =	vor.u32 v27, v32;
	v32 =	vand.u32 $0x7F, v24;
	v26 =	vor.u32 v26, v33;
	v25 =	vld [tilespmem:s5+$0xA090];
	(pc) =	sbr.rel @p0 .LBB2_39-.Ltmp19, $4  }
0x238: {  	v27 =	vor.u32 $0x80, v27;
	v30 =	vor.u32 v30, v32;
	v8 =	vadd.f32 v18, v8;
	v24 =	vld [tilespmem:s5+$0xA0A0]  }
0x239: {  	v6 =	vadd.f32 v9, v6;
	v32 =	vor.u32 $0x80, v26;
	v26 =	vor.u32 $0x80, v30;
	v9 =	vld.idx.msk [tilespmem:v22+s20+$0x0], $0xffff;
	v22 =	vmovc v27  }
0x23a: {  	s0 =	sadd.s32 $0x100, s0;
	v7 =	vadd.f32 v20, v7;
	v17 =	vadd.f32 v29, v17;
	v30 =	vshll.u32 v31, $0x2;
	v18 =	vld.idx.msk [tilespmem:v28+s20+$0x0], $0xffff  }
0x23b: {  	s6 =	sand.u32 $0x1E00, s0;
	s5 =	sand.u32 $0x40, s3;
	s3 =	sadd.s32 $0x40, s3;
	v28 =	vand.u32 $0x7F, v31;
	v27 =	vshll.u32 v23, $0x2;
	v29 =	vand.u32 $0xFFFFFE00, v30;
	v20 =	vld.idx.msk [tilespmem:v21+s20+$0x0], $0xffff;
	v21 =	vmovc v32  }
0x23c: {  	_ =	sdelay $0x3  }
0x23d: {  	v19 =	vld.idx.msk [tilespmem:v19+s20+$0x0], $0xffff  }
0x23e: {  	s0 =	sor.u32 s5, s6;
	v31 =	vshll.u32 v25, $0x2;
	v27 =	vand.u32 $0xFFFFFE00, v27;
	v22 =	vld.idx.msk [tilespmem:v22+s20+$0x0], $0xffff  }
0x23f: {  	v28 =	vor.u32 v29, v28;
	v23 =	vand.u32 $0x7F, v23;
	v25 =	vand.u32 $0x7F, v25;
	v30 =	vld [tilespmem:s0+$0xA0B0]  }
0x240: {  	v29 =	vand.u32 $0xFFFFFE00, v31;
	v31 =	vshll.u32 v24, $0x2;
	v28 =	vor.u32 $0x80, v28;
	v33 =	vld [tilespmem:s0+$0xA090]  }
0x241: {  	v23 =	vor.u32 v27, v23;
	v24 =	vand.u32 $0x7F, v24;
	v31 =	vand.u32 $0xFFFFFE00, v31  }
0x242: {  	v32 =	vld [tilespmem:s0+$0xA080];
	v25 =	vor.u32 v29, v25;
	v23 =	vor.u32 $0x80, v23;
	v6 =	vadd.f32 v9, v6  }
0x243: {  	v24 =	vor.u32 v31, v24;
	v25 =	vor.u32 $0x80, v25;
	v7 =	vadd.f32 v20, v7  }
0x244: {  	p0 =	por $0x0, $0x0;
	v29 =	vld [tilespmem:s0+$0xA0A0];
	s0 =	simm.s32 $0x1;
	v24 =	vor.u32 $0x80, v24;
	v17 =	vadd.f32 v19, v17;
	v6 =	vadd.f32 v22, v6  }
0x245: {  	v21 =	vld.idx.msk [tilespmem:v21+s20+$0x0], $0xffff;
	s0 =	simm.s32 @!p0 $0x0;
	v27 =	vshll.u32 v30, $0x2;
	v30 =	vand.u32 $0x7F, v30;
	v31 =	vshll.u32 v33, $0x2  }
0x246: {  	v26 =	vld.idx.msk [tilespmem:v26+s20+$0x0], $0xffff;
	s0 =	sshll.u32 s0, $0x6;
	v33 =	vand.u32 $0x7F, v33;
	v27 =	vand.u32 $0xFFFFFE00, v27;
	v31 =	vand.u32 $0xFFFFFE00, v31  }
0x247: {  	s0 =	sadd.s32 $0x0, s0;
	v23 =	vld.idx.msk [tilespmem:v23+s20+$0x0], $0xffff;
	v27 =	vor.u32 v27, v30;
	v30 =	vshll.u32 v32, $0x2;
	v32 =	vand.u32 $0x7F, v32  }
0x248: {  	v28 =	vld.idx.msk [tilespmem:v28+s20+$0x0], $0xffff;
	s3 =	sor.u32 $0x130, s0;
	v31 =	vor.u32 v31, v33;
	v27 =	vor.u32 $0x80, v27;
	v30 =	vand.u32 $0xFFFFFE00, v30  }
0x249: {  	v62 =	vshll.u32 v29, $0x2;
	v19 =	vld [tilespmem:s3+$0xA000];
	v31 =	vor.u32 $0x80, v31;
	v30 =	vor.u32 v30, v32  }
0x24a: {  	v29 =	vand.u32 $0x7F, v29;
	v25 =	vld.idx.msk [tilespmem:v25+s20+$0x0], $0xffff;
	v32 =	vand.u32 $0xFFFFFE00, v62;
	v30 =	vor.u32 $0x80, v30  }
0x24b: {  	s7 =	sor.u32 $0x100, s0;
	v24 =	vld.idx.msk [tilespmem:v24+s20+$0x0], $0xffff;
	v29 =	vor.u32 v32, v29  }
0x24c: {  	v7 =	vadd.f32 v21, v7;
	v29 =	vor.u32 $0x80, v29;
	v21 =	vadd.f32 v23, v6;
	v23 =	vld [tilespmem:s7+$0xA000]  }
0x24d: {  	v27 =	vld.idx.msk [tilespmem:v27+s20+$0x0], $0xffff  }
0x24e: {  	v8 =	vadd.f32 v18, v8;
	v17 =	vadd.f32 v26, v17;
	v18 =	vld.idx.msk [tilespmem:v31+s20+$0x0], $0xffff  }
0x24f: {  	s8 =	sor.u32 $0x110, s0;
	v9 =	vld.idx.msk [tilespmem:v30+s20+$0x0], $0xffff  }
0x250: {  	v11 =	vadd.f32 v12, v11;
	p0 =	por !p0, !p0;
	s3 =	simm.s32 $0x1;
	v17 =	vadd.f32 v24, v17;
	v24 =	vld [tilespmem:s8+$0xA000]  }
0x251: {  	s3 =	simm.s32 @!p0 $0x0;
	v8 =	vadd.f32 v28, v8;
	v22 =	vadd.f32 v25, v7;
	v20 =	vld.idx.msk [tilespmem:v29+s20+$0x0], $0xffff  }
0x252: {  	v10 =	vadd.f32 v10, v14;
	s0 =	sor.u32 $0x120, s0;
	s24 =	sshll.u32 s3, $0x6;
	v12 =	vshll.u32 v19, $0x2;
	v14 =	vand.u32 $0x7F, v19  }
0x253: {  	v12 =	vand.u32 $0xFFFFFE00, v12;
	v6 =	vadd.f32 v27, v8;
	v8 =	vadd.f32 v18, v22;
	v18 =	vld [tilespmem:s0+$0xA000];
	s0 =	sadd.s32 $0x100, s24  }
0x254: {  	v22 =	vand.u32 $0x7F, v23;
	s29 =	sor.u32 $0x130, s0;
	v7 =	vadd.f32 v9, v21;
	v21 =	vadd.f32 v10, v11  }
0x255: {  	s30 =	sor.u32 $0x100, s0;
	v10 =	vimm.f32 $0.0e+00;
	v11 =	vor.u32 v12, v14;
	v12 =	vld [tilespmem:s29+$0xA000];
	v14 =	vshll.u32 v23, $0x2  }
0x256: {  	p0 =	por !p0, !p0;
	s3 =	simm.s32 $0x1;
	s31 =	sor.u32 $0x110, s0;
	v23 =	vand.u32 $0x7F, v24;
	v9 =	vadd.f32 v20, v17;
	v17 =	vshll.u32 v24, $0x2;
	v20 =	vld [tilespmem:s30+$0xA000]  }
0x257: {  	s3 =	simm.s32 @!p0 $0x0;
	s0 =	sor.u32 $0x120, s0;
	v11 =	vor.u32 $0x100, v11;
	v14 =	vand.u32 $0xFFFFFE00, v14;
	v24 =	vld [tilespmem:s31+$0xA000];
	v17 =	vand.u32 $0xFFFFFE00, v17  }
0x258: {  	s6 =	sshll.u32 s3, $0x6;
	v14 =	vor.u32 v14, v22;
	v22 =	vld [tilespmem:s0+$0xA000];
	v19 =	vshll.u32 v18, $0x2;
	v17 =	vor.u32 v17, v23  }
0x259: {  	s0 =	sadd.s32 $0x200, s6;
	v18 =	vand.u32 $0x7F, v18;
	v14 =	vor.u32 $0x100, v14;
	v19 =	vand.u32 $0xFFFFFE00, v19  }
0x25a: {  	s7 =	sor.u32 $0x130, s0;
	v23 =	vor.u32 $0x100, v17;
	v18 =	vor.u32 v19, v18;
	v19 =	vshll.u32 v12, $0x2  }
0x25b: {  	s8 =	sor.u32 $0x100, s0;
	v25 =	vld [tilespmem:s7+$0xA000];
	v12 =	vand.u32 $0x7F, v12;
	v17 =	vand.u32 $0xFFFFFE00, v19;
	v18 =	vor.u32 $0x100, v18  }
0x25c: {  	v26 =	vld [tilespmem:s8+$0xA000];
	v19 =	vshll.u32 v20, $0x2;
	v20 =	vand.u32 $0x7F, v20;
	v12 =	vor.u32 v17, v12  }
0x25d: {  	s24 =	sor.u32 $0x110, s0;
	v11 =	vld.idx.msk [tilespmem:v11+s20+$0x0], $0xffff;
	v17 =	vand.u32 $0xFFFFFE00, v19;
	v19 =	vshll.u32 v24, $0x2;
	v27 =	vshll.u32 v22, $0x2  }
0x25e: {  	v28 =	vld [tilespmem:s24+$0xA000];
	v24 =	vand.u32 $0x7F, v24;
	v12 =	vor.u32 $0x100, v12;
	v19 =	vand.u32 $0xFFFFFE00, v19  }
0x25f: {  	s0 =	sor.u32 $0x120, s0;
	v27 =	vand.u32 $0xFFFFFE00, v27;
	v17 =	vor.u32 v17, v20;
	v20 =	vand.u32 $0x7F, v22  }
0x260: {  	p0 =	por !p0, !p0;
	v22 =	vld [tilespmem:s0+$0xA000];
	s0 =	simm.s32 $0x1;
	v19 =	vor.u32 v19, v24;
	v30 =	vor.u32 $0x100, v17;
	v17 =	vor.u32 v27, v20  }
0x261: {  	v63 =	vld.idx.msk [tilespmem:v14+s20+$0x0], $0xffff;
	s0 =	simm.s32 @!p0 $0x0;
	v14 =	vshll.u32 v26, $0x2;
	v20 =	vor.u32 $0x100, v19;
	v19 =	vand.u32 $0x7F, v25  }
0x262: {  	s0 =	sshll.u32 s0, $0x6;
	v31 =	vadd.f32 v11, v10;
	v11 =	vshll.u32 v25, $0x2;
	v25 =	vand.u32 $0xFFFFFE00, v14;
	v14 =	vld.idx.msk [tilespmem:v18+s20+$0x0], $0xffff  }
0x263: {  	s0 =	sadd.s32 $0x300, s0;
	v24 =	vand.u32 $0xFFFFFE00, v11;
	v11 =	vld.idx.msk [tilespmem:v23+s20+$0x0], $0xffff;
	v23 =	vshll.u32 v28, $0x2  }
0x264: {  	v17 =	vor.u32 $0x100, v17;
	s29 =	sor.u32 $0x130, s0;
	v12 =	vld.idx.msk [tilespmem:v12+s20+$0x0], $0xffff;
	v19 =	vor.u32 v24, v19;
	v18 =	vand.u32 $0xFFFFFE00, v23  }
0x265: {  	s30 =	sor.u32 $0x100, s0;
	v27 =	vld [tilespmem:s29+$0xA000];
	v24 =	vshll.u32 v22, $0x2;
	v29 =	vor.u32 $0x100, v19;
	v19 =	vand.u32 $0x7F, v26  }
0x266: {  	s31 =	sor.u32 $0x110, s0;
	v23 =	vld [tilespmem:s30+$0xA000];
	v26 =	vand.u32 $0x7F, v28;
	v28 =	vand.u32 $0xFFFFFE00, v24;
	v19 =	vor.u32 v25, v19  }
0x267: {  	s0 =	sor.u32 $0x120, s0;
	v25 =	vld [tilespmem:s31+$0xA000];
	v18 =	vor.u32 v18, v26;
	v26 =	vand.u32 $0x7F, v22;
	v22 =	vor.u32 $0x100, v19  }
0x268: {  	s5 =	simm.s32 $0x1;
	p0 =	por !p0, !p0;
	v24 =	vld [tilespmem:s0+$0xA000];
	v19 =	vor.u32 v28, v26;
	v28 =	vor.u32 $0x100, v18;
	v18 =	vadd.f32 v63, v21  }
0x269: {  	s3 =	simm.s32 $0x140;
	s5 =	simm.s32 @!p0 $0x0;
	s0 =	simm.s32 $0x300;
	v21 =	vimm.f32 $0.0e+00;
	v26 =	vor.u32 $0x100, v19;
	v19 =	vld.idx.msk [tilespmem:v30+s20+$0x0], $0xffff;
	v12 =	vadd.f32 v12, v31  }
.LBB2_41:
0x26a: {  	p1 =	sne.s32 s3, $0x7C0;
	s5 =	sshll.u32 s5, $0x6;
	v30 =	vshll.u32 v27, $0x2;
	s0 =	sadd.s32 $0x100, s0;
	v31 =	vld.idx.msk [tilespmem:v29+s20+$0x0], $0xffff;
	v10 =	vadd.f32 v11, v10;
	v21 =	vadd.f32 v14, v21  }
0x26b: {  	v27 =	vand.u32 $0x7F, v27;
	s5 =	sadd.s32 s5, s0;
	v14 =	vshll.u32 v23, $0x2;
	v29 =	vand.u32 $0xFFFFFE00, v30;
	v11 =	vld.idx.msk [tilespmem:v20+s20+$0x0], $0xffff;
	v20 =	vmovc v28  }
0x26c: {  	s6 =	sor.u32 $0x100, s5;
	s7 =	sor.u32 $0x110, s5;
	s8 =	sor.u32 $0x130, s5;
	v28 =	vand.u32 $0xFFFFFE00, v14;
	v30 =	vshll.u32 v25, $0x2;
	v29 =	vor.u32 v29, v27;
	v14 =	vld.idx.msk [tilespmem:v17+s20+$0x0], $0xffff;
	v17 =	vmovc v26  }
.Ltmp20:
0x26d: {  	s5 =	sor.u32 $0x120, s5;
	v27 =	vld [tilespmem:s8+$0xA000];
	v26 =	vand.u32 $0xFFFFFE00, v30;
	v30 =	vshll.u32 v24, $0x2;
	v29 =	vor.u32 $0x100, v29;
	(pc) =	sbr.rel @p1 .LBB2_41-.Ltmp20, $4  }
0x26e: {  	v32 =	vand.u32 $0x7F, v23;
	v33 =	vand.u32 $0x7F, v25;
	v23 =	vld [tilespmem:s6+$0xA000];
	v30 =	vand.u32 $0xFFFFFE00, v30  }
0x26f: {  	v28 =	vor.u32 v28, v32;
	v32 =	vand.u32 $0x7F, v24;
	v26 =	vor.u32 v26, v33;
	v25 =	vld [tilespmem:s7+$0xA000]  }
0x270: {  	p0 =	por !p0, !p0;
	v33 =	vor.u32 $0x100, v28;
	v30 =	vor.u32 v30, v32;
	v12 =	vadd.f32 v31, v12;
	v24 =	vld [tilespmem:s5+$0xA000];
	s5 =	simm.s32 $0x1  }
0x271: {  	s3 =	sadd.s32 $0x40, s3;
	v18 =	vadd.f32 v19, v18;
	v28 =	vor.u32 $0x100, v26;
	v26 =	vor.u32 $0x100, v30;
	s5 =	simm.s32 @!p0 $0x0;
	v19 =	vld.idx.msk [tilespmem:v22+s20+$0x0], $0xffff;
	v22 =	vmovc v33  }
0x272: {  	_ =	sdelay $0x1  }
0x273: {  	s3 =	sshll.u32 s5, $0x6;
	s0 =	sadd.s32 $0x100, s0  }
0x274: {  	v30 =	vshll.u32 v27, $0x2;
	s0 =	sadd.s32 s3, s0  }
0x275: {  	v27 =	vand.u32 $0x7F, v27;
	v29 =	vld.idx.msk [tilespmem:v29+s20+$0x0], $0xffff;
	v10 =	vadd.f32 v11, v10;
	v14 =	vadd.f32 v14, v21;
	s3 =	sor.u32 $0x130, s0  }
0x276: {  	v31 =	vshll.u32 v23, $0x2;
	v30 =	vand.u32 $0xFFFFFE00, v30;
	v23 =	vand.u32 $0x7F, v23;
	s31 =	sor.u32 $0x100, s0;
	v32 =	vld [tilespmem:s3+$0xA000]  }
0x277: {  	v33 =	vshll.u32 v25, $0x2;
	v31 =	vand.u32 $0xFFFFFE00, v31;
	v27 =	vor.u32 v30, v27;
	s5 =	sor.u32 $0x110, s0;
	v58 =	vld [tilespmem:s31+$0xA000]  }
0x278: {  	v25 =	vand.u32 $0x7F, v25;
	v34 =	vshll.u32 v24, $0x2;
	v23 =	vor.u32 v31, v23;
	v31 =	vld [tilespmem:s5+$0xA000]  }
0x279: {  	v20 =	vld.idx.msk [tilespmem:v20+s20+$0x0], $0xffff;
	v30 =	vand.u32 $0xFFFFFE00, v33;
	v24 =	vand.u32 $0x7F, v24;
	v34 =	vand.u32 $0xFFFFFE00, v34  }
0x27a: {  	v17 =	vld.idx.msk [tilespmem:v17+s20+$0x0], $0xffff;
	v27 =	vor.u32 $0x100, v27;
	v25 =	vor.u32 v30, v25;
	v24 =	vor.u32 v34, v24  }
0x27b: {  	v22 =	vld.idx.msk [tilespmem:v22+s20+$0x0], $0xffff;
	s0 =	sor.u32 $0x120, s0;
	v23 =	vor.u32 $0x100, v23;
	v25 =	vor.u32 $0x100, v25;
	v24 =	vor.u32 $0x100, v24  }
0x27c: {  	p0 =	por $0x0, $0x0;
	v59 =	vld [tilespmem:s0+$0xA000];
	s0 =	simm.s32 $0x1;
	v30 =	vshll.u32 v32, $0x2;
	v32 =	vand.u32 $0x7F, v32;
	v60 =	vshll.u32 v58, $0x2  }
0x27d: {  	v28 =	vld.idx.msk [tilespmem:v28+s20+$0x0], $0xffff;
	s0 =	simm.s32 @!p0 $0x0;
	v33 =	vand.u32 $0x7F, v58;
	v61 =	vshll.u32 v31, $0x2;
	v30 =	vand.u32 $0xFFFFFE00, v30  }
0x27e: {  	v26 =	vld.idx.msk [tilespmem:v26+s20+$0x0], $0xffff;
	s0 =	sshll.u32 s0, $0x6;
	v31 =	vand.u32 $0x7F, v31;
	v30 =	vor.u32 v30, v32;
	v32 =	vand.u32 $0xFFFFFE00, v60  }
0x27f: {  	s0 =	sadd.s32 $0x0, s0;
	v27 =	vld.idx.msk [tilespmem:v27+s20+$0x0], $0xffff;
	v30 =	vor.u32 $0x100, v30;
	v32 =	vor.u32 v32, v33;
	v33 =	vand.u32 $0xFFFFFE00, v61  }
0x280: {  	v10 =	vadd.f32 v20, v10;
	s6 =	sor.u32 $0x1B0, s0;
	v21 =	vld.idx.msk [tilespmem:v24+s20+$0x0], $0xffff;
	v31 =	vor.u32 v33, v31  }
0x281: {  	v14 =	vadd.f32 v17, v14;
	v62 =	vshll.u32 v59, $0x2;
	v20 =	vld [tilespmem:s6+$0xA000];
	v31 =	vor.u32 $0x100, v31  }
0x282: {  	v34 =	vand.u32 $0x7F, v59;
	v23 =	vld.idx.msk [tilespmem:v23+s20+$0x0], $0xffff;
	v32 =	vor.u32 $0x100, v32;
	v33 =	vand.u32 $0xFFFFFE00, v62  }
0x283: {  	v14 =	vadd.f32 v26, v14;
	v25 =	vld.idx.msk [tilespmem:v25+s20+$0x0], $0xffff;
	v33 =	vor.u32 v33, v34  }
0x284: {  	s8 =	sor.u32 $0x190, s0;
	v11 =	vor.u32 $0x100, v33;
	v30 =	vld.idx.msk [tilespmem:v30+s20+$0x0], $0xffff  }
0x285: {  	v18 =	vadd.f32 v19, v18;
	v14 =	vadd.f32 v21, v14;
	v21 =	vld [tilespmem:s8+$0xA000]  }
0x286: {  	v12 =	vadd.f32 v29, v12;
	v17 =	vld.idx.msk [tilespmem:v31+s20+$0x0], $0xffff  }
0x287: {  	v18 =	vadd.f32 v22, v18;
	v10 =	vadd.f32 v28, v10;
	v19 =	vld.idx.msk [tilespmem:v32+s20+$0x0], $0xffff  }
0x288: {  	s3 =	simm.s32 $0x1;
	p0 =	por !p0, !p0;
	v12 =	vadd.f32 v27, v12  }
0x289: {  	s3 =	simm.s32 @!p0 $0x0;
	s7 =	sor.u32 $0x180, s0;
	v22 =	vld.idx.msk [tilespmem:v11+s20+$0x0], $0xffff;
	v11 =	vadd.f32 v23, v18;
	v18 =	vadd.f32 v25, v10  }
0x28a: {  	v15 =	vadd.f32 v5, v15;
	v13 =	vadd.f32 v13, v16;
	s24 =	sshll.u32 s3, $0x6;
	s0 =	sor.u32 $0x1A0, s0;
	v16 =	vshll.u32 v20, $0x2;
	v23 =	vld [tilespmem:s7+$0xA000]  }
0x28b: {  	v16 =	vand.u32 $0xFFFFFE00, v16;
	v10 =	vadd.f32 v30, v12;
	v12 =	vadd.f32 v17, v18;
	v17 =	vld [tilespmem:s0+$0xA000];
	s0 =	sadd.s32 $0x100, s24  }
0x28c: {  	v11 =	vadd.f32 v19, v11;
	v19 =	vadd.f32 v13, v15;
	v18 =	vshll.u32 v21, $0x2;
	s29 =	sor.u32 $0x1B0, s0  }
0x28d: {  	v13 =	vimm.f32 $0.0e+00;
	v21 =	vand.u32 $0x7F, v21;
	s30 =	sor.u32 $0x180, s0;
	s31 =	sor.u32 $0x190, s0;
	v18 =	vand.u32 $0xFFFFFE00, v18;
	s0 =	sor.u32 $0x1A0, s0;
	v15 =	vld [tilespmem:s29+$0xA000]  }
0x28e: {  	p0 =	por !p0, !p0;
	s3 =	simm.s32 $0x1;
	v5 =	vadd.f32 v22, v14;
	v14 =	vand.u32 $0x7F, v20;
	v18 =	vor.u32 v18, v21;
	v21 =	vld [tilespmem:s0+$0xA000]  }
0x28f: {  	s3 =	simm.s32 @!p0 $0x0;
	v14 =	vor.u32 v16, v14;
	v16 =	vshll.u32 v23, $0x2;
	v23 =	vand.u32 $0x7F, v23  }
0x290: {  	s6 =	sshll.u32 s3, $0x6;
	v22 =	vld [tilespmem:s30+$0xA000];
	v14 =	vor.u32 $0x180, v14;
	v16 =	vand.u32 $0xFFFFFE00, v16;
	v20 =	vshll.u32 v17, $0x2  }
0x291: {  	v24 =	vld [tilespmem:s31+$0xA000];
	s0 =	sadd.s32 $0x200, s6;
	v16 =	vor.u32 v16, v23;
	v17 =	vand.u32 $0x7F, v17;
	v20 =	vand.u32 $0xFFFFFE00, v20  }
0x292: {  	s7 =	sor.u32 $0x1B0, s0;
	v23 =	vor.u32 $0x180, v18;
	v16 =	vor.u32 $0x180, v16;
	v17 =	vor.u32 v20, v17  }
0x293: {  	s8 =	sor.u32 $0x180, s0;
	v25 =	vld [tilespmem:s7+$0xA000];
	v20 =	vshll.u32 v15, $0x2;
	v15 =	vand.u32 $0x7F, v15;
	v27 =	vshll.u32 v21, $0x2  }
0x294: {  	v26 =	vld [tilespmem:s8+$0xA000];
	v21 =	vand.u32 $0x7F, v21;
	v18 =	vand.u32 $0xFFFFFE00, v20;
	v17 =	vor.u32 $0x180, v17  }
0x295: {  	s24 =	sor.u32 $0x190, s0;
	v14 =	vld.idx.msk [tilespmem:v14+s20+$0x0], $0xffff;
	v20 =	vshll.u32 v22, $0x2;
	v22 =	vand.u32 $0x7F, v22;
	v27 =	vand.u32 $0xFFFFFE00, v27  }
0x296: {  	s0 =	sor.u32 $0x1A0, s0;
	v28 =	vld [tilespmem:s24+$0xA000];
	v15 =	vor.u32 v18, v15;
	v18 =	vand.u32 $0xFFFFFE00, v20;
	v20 =	vshll.u32 v24, $0x2  }
0x297: {  	v21 =	vor.u32 v27, v21;
	v15 =	vor.u32 $0x180, v15;
	v18 =	vor.u32 v18, v22;
	v22 =	vld [tilespmem:s0+$0xA000]  }
0x298: {  	p0 =	por !p0, !p0;
	v24 =	vand.u32 $0x7F, v24;
	v20 =	vand.u32 $0xFFFFFE00, v20;
	s0 =	simm.s32 $0x1;
	v63 =	vld.idx.msk [tilespmem:v16+s20+$0x0], $0xffff;
	v16 =	vor.u32 $0x180, v21  }
0x299: {  	v21 =	vand.u32 $0x7F, v25;
	v20 =	vor.u32 v20, v24;
	v30 =	vor.u32 $0x180, v18;
	s0 =	simm.s32 @!p0 $0x0  }
0x29a: {  	v18 =	vor.u32 $0x180, v20;
	s0 =	sshll.u32 s0, $0x6;
	v31 =	vadd.f32 v14, v13;
	v14 =	vshll.u32 v25, $0x2;
	v17 =	vld.idx.msk [tilespmem:v17+s20+$0x0], $0xffff  }
0x29b: {  	v20 =	vshll.u32 v26, $0x2;
	s0 =	sadd.s32 $0x300, s0;
	v24 =	vand.u32 $0xFFFFFE00, v14;
	v14 =	vld.idx.msk [tilespmem:v23+s20+$0x0], $0xffff;
	v23 =	vshll.u32 v28, $0x2  }
0x29c: {  	v20 =	vand.u32 $0xFFFFFE00, v20;
	s29 =	sor.u32 $0x1B0, s0;
	v15 =	vld.idx.msk [tilespmem:v15+s20+$0x0], $0xffff;
	v21 =	vor.u32 v24, v21;
	v24 =	vand.u32 $0xFFFFFE00, v23  }
0x29d: {  	s30 =	sor.u32 $0x180, s0;
	v29 =	vld [tilespmem:s29+$0xA000];
	v25 =	vshll.u32 v22, $0x2;
	v19 =	vadd.f32 v63, v19;
	v27 =	vor.u32 $0x180, v21  }
0x29e: {  	s31 =	sor.u32 $0x190, s0;
	v23 =	vld [tilespmem:s30+$0xA000];
	v21 =	vand.u32 $0x7F, v26;
	v26 =	vand.u32 $0x7F, v28;
	v28 =	vand.u32 $0xFFFFFE00, v25  }
0x29f: {  	s0 =	sor.u32 $0x1A0, s0;
	v25 =	vld [tilespmem:s31+$0xA000];
	v20 =	vor.u32 v20, v21;
	v21 =	vor.u32 v24, v26;
	v26 =	vand.u32 $0x7F, v22  }
0x2a0: {  	s5 =	simm.s32 $0x1;
	p0 =	por !p0, !p0;
	v24 =	vld [tilespmem:s0+$0xA000];
	v22 =	vor.u32 $0x180, v20;
	v20 =	vor.u32 v28, v26;
	v28 =	vor.u32 $0x180, v21  }
0x2a1: {  	s3 =	simm.s32 $0x140;
	s5 =	simm.s32 @!p0 $0x0;
	s0 =	simm.s32 $0x300;
	v21 =	vimm.f32 $0.0e+00;
	v26 =	vor.u32 $0x180, v20;
	v20 =	vld.idx.msk [tilespmem:v30+s20+$0x0], $0xffff;
	v15 =	vadd.f32 v15, v31  }
.LBB2_43:
0x2a2: {  	p1 =	sne.s32 s3, $0x7C0;
	s5 =	sshll.u32 s5, $0x6;
	v30 =	vshll.u32 v29, $0x2;
	s0 =	sadd.s32 $0x100, s0;
	v31 =	vld.idx.msk [tilespmem:v27+s20+$0x0], $0xffff;
	v13 =	vadd.f32 v14, v13;
	v21 =	vadd.f32 v17, v21  }
0x2a3: {  	v27 =	vand.u32 $0x7F, v29;
	s5 =	sadd.s32 s5, s0;
	v17 =	vshll.u32 v23, $0x2;
	v29 =	vand.u32 $0xFFFFFE00, v30;
	v14 =	vld.idx.msk [tilespmem:v18+s20+$0x0], $0xffff;
	v18 =	vmovc v28  }
0x2a4: {  	s6 =	sor.u32 $0x180, s5;
	s7 =	sor.u32 $0x190, s5;
	s8 =	sor.u32 $0x1B0, s5;
	v28 =	vand.u32 $0xFFFFFE00, v17;
	v30 =	vshll.u32 v25, $0x2;
	v27 =	vor.u32 v29, v27;
	v17 =	vld.idx.msk [tilespmem:v16+s20+$0x0], $0xffff;
	v16 =	vmovc v26  }
.Ltmp21:
0x2a5: {  	s5 =	sor.u32 $0x1A0, s5;
	v29 =	vld [tilespmem:s8+$0xA000];
	v26 =	vand.u32 $0xFFFFFE00, v30;
	v30 =	vshll.u32 v24, $0x2;
	v27 =	vor.u32 $0x180, v27;
	(pc) =	sbr.rel @p1 .LBB2_43-.Ltmp21, $4  }
0x2a6: {  	v32 =	vand.u32 $0x7F, v23;
	v33 =	vand.u32 $0x7F, v25;
	v23 =	vld [tilespmem:s6+$0xA000];
	v30 =	vand.u32 $0xFFFFFE00, v30  }
0x2a7: {  	v28 =	vor.u32 v28, v32;
	v32 =	vand.u32 $0x7F, v24;
	v26 =	vor.u32 v26, v33;
	v25 =	vld [tilespmem:s7+$0xA000]  }
0x2a8: {  	p0 =	por !p0, !p0;
	v33 =	vor.u32 $0x180, v28;
	v30 =	vor.u32 v30, v32;
	v15 =	vadd.f32 v31, v15;
	v24 =	vld [tilespmem:s5+$0xA000];
	s5 =	simm.s32 $0x1  }
0x2a9: {  	s3 =	sadd.s32 $0x40, s3;
	v19 =	vadd.f32 v20, v19;
	v28 =	vor.u32 $0x180, v26;
	v26 =	vor.u32 $0x180, v30;
	s5 =	simm.s32 @!p0 $0x0;
	v20 =	vld.idx.msk [tilespmem:v22+s20+$0x0], $0xffff;
	v22 =	vmovc v33  }
0x2aa: {  	s3 =	sshll.u32 s5, $0x6;
	s0 =	sadd.s32 $0x100, s0  }
0x2ab: {  	s0 =	sadd.s32 s3, s0  }
0x2ac: {  	v30 =	vshll.u32 v29, $0x2;
	s3 =	sor.u32 $0x1B0, s0  }
0x2ad: {  	v44 =	vand.u32 $0x7F, v29;
	v32 =	vshll.u32 v23, $0x2;
	v30 =	vand.u32 $0xFFFFFE00, v30;
	s30 =	sor.u32 $0x180, s0;
	v31 =	vld [tilespmem:s3+$0xA000]  }
0x2ae: {  	v46 =	vand.u32 $0x7F, v23;
	v32 =	vand.u32 $0xFFFFFE00, v32;
	v33 =	vshll.u32 v25, $0x2;
	s31 =	sor.u32 $0x190, s0;
	v45 =	vld [tilespmem:s30+$0xA000]  }
0x2af: {  	v29 =	vor.u32 v30, v44;
	v47 =	vand.u32 $0x7F, v25;
	s0 =	sor.u32 $0x1A0, s0;
	v33 =	vand.u32 $0xFFFFFE00, v33;
	v35 =	vld [tilespmem:s31+$0xA000]  }
0x2b0: {  	v34 =	vshll.u32 v24, $0x2;
	v29 =	vor.u32 $0x180, v29;
	v23 =	vor.u32 v32, v46;
	v50 =	vld [tilespmem:s0+$0xA000]  }
0x2b1: {  	v49 =	vand.u32 $0x7F, v24;
	v34 =	vand.u32 $0xFFFFFE00, v34;
	v25 =	vor.u32 v33, v47  }
0x2b2: {  	v27 =	vld.idx.msk [tilespmem:v27+s20+$0x0], $0xffff;
	v23 =	vor.u32 $0x180, v23;
	v24 =	vor.u32 v34, v49;
	v25 =	vor.u32 $0x180, v25  }
0x2b3: {  	v18 =	vld.idx.msk [tilespmem:v18+s20+$0x0], $0xffff;
	v24 =	vor.u32 $0x180, v24;
	v48 =	vshll.u32 v31, $0x2;
	v31 =	vand.u32 $0x7F, v31  }
0x2b4: {  	v16 =	vld.idx.msk [tilespmem:v16+s20+$0x0], $0xffff;
	v51 =	vshll.u32 v45, $0x2;
	v30 =	vand.u32 $0x7F, v45;
	v52 =	vshll.u32 v35, $0x2  }
0x2b5: {  	v22 =	vld.idx.msk [tilespmem:v22+s20+$0x0], $0xffff;
	v53 =	vand.u32 $0x7F, v35;
	v54 =	vshll.u32 v50, $0x2;
	v32 =	vand.u32 $0xFFFFFE00, v48  }
0x2b6: {  	v28 =	vld.idx.msk [tilespmem:v28+s20+$0x0], $0xffff;
	v33 =	vand.u32 $0x7F, v50;
	v34 =	vand.u32 $0xFFFFFE00, v54;
	v31 =	vor.u32 v32, v31  }
0x2b7: {  	v26 =	vld.idx.msk [tilespmem:v26+s20+$0x0], $0xffff;
	v32 =	vand.u32 $0xFFFFFE00, v51;
	v33 =	vor.u32 v34, v33;
	v31 =	vor.u32 $0x180, v31  }
0x2b8: {  	v29 =	vld.idx.msk [tilespmem:v29+s20+$0x0], $0xffff;
	v30 =	vor.u32 v32, v30;
	v32 =	vand.u32 $0xFFFFFE00, v52;
	v33 =	vor.u32 $0x180, v33  }
0x2b9: {  	v23 =	vld.idx.msk [tilespmem:v23+s20+$0x0], $0xffff;
	v32 =	vor.u32 v32, v53;
	v30 =	vor.u32 $0x180, v30  }
0x2ba: {  	v13 =	vadd.f32 v14, v13;
	v25 =	vld.idx.msk [tilespmem:v25+s20+$0x0], $0xffff;
	v32 =	vor.u32 $0x180, v32  }
0x2bb: {  	v55 =	vadd.f32 v17, v21;
	v2 =	vadd.f32 v3, v2;
	v56 =	vld.idx.msk [tilespmem:v24+s20+$0x0], $0xffff  }
0x2bc: {  	v1 =	vadd.f32 v1, v4;
	v4 =	vadd.f32 v8, v7;
	v31 =	vld.idx.msk [tilespmem:v31+s20+$0x0], $0xffff  }
0x2bd: {  	v6 =	vadd.f32 v6, v9;
	v14 =	vadd.f32 v16, v55;
	v60 =	vld.idx.msk [tilespmem:v33+s20+$0x0], $0xffff  }
0x2be: {  	v19 =	vadd.f32 v20, v19;
	v13 =	vadd.f32 v18, v13;
	v57 =	vld.idx.msk [tilespmem:v30+s20+$0x0], $0xffff  }
0x2bf: {  	v15 =	vadd.f32 v27, v15;
	v14 =	vadd.f32 v26, v14;
	v58 =	vld.idx.msk [tilespmem:v32+s20+$0x0], $0xffff  }
0x2c0: {  	v59 =	vadd.f32 v22, v19;
	v13 =	vadd.f32 v28, v13  }
0x2c1: {  	v15 =	vadd.f32 v29, v15;
	v14 =	vadd.f32 v56, v14  }
0x2c2: {  	s28 =	sadd.s32 $0x1, s28;
	v18 =	vadd.f32 v23, v59;
	v13 =	vadd.f32 v25, v13  }
0x2c3: {  	p0 =	sne.s32 s28, $0x10;
	v15 =	vadd.f32 v31, v15;
	v14 =	vadd.f32 v60, v14  }
.Ltmp22:
0x2c4: {  	v61 =	vadd.f32 v57, v18;
	v13 =	vadd.f32 v58, v13;
	(pc) =	sbr.rel @p0 .LBB2_2-.Ltmp22, $4  }
.Ltmp23:
0x2c5: {  	v8 =	vadd.f32 v12, v11;
	v5 =	vadd.f32 v10, v5;
	(pc) =	sbr.rel @!p0 .LBB2_45-.Ltmp23, $4  }
0x2c6: {  	v63 =	vadd.f32 v15, v14;
	v62 =	vadd.f32 v13, v61  }
0x2c7: {  	v3 =	vadd.f32 v1, v2;
	v7 =	vadd.f32 v6, v4  }
0x2c8: {  	v2 =	vadd.f32 v5, v8;
	v1 =	vadd.f32 v63, v62  }
0x2c9: {  	_ = 	snop  }
.LBB2_18:
.Ltmp24:
0x2ca: {  	(pc) =	sbr.rel .LBB2_28-.Ltmp24, $3  }
0x2cb: {  	_ =	sdelay $0x1  }
0x2cc: {  	s0 =	simm.s32 $0x0;
	v21 =	vimm.f32 $0.0e+00  }
0x2cd: {  	v26 =	vimm.f32 $0.0e+00;
	v28 =	vimm.f32 $0.0e+00;
	v30 =	vmovc v1;
	p1 =	por $0x0, $0x0;
	p2 =	por $0x0, $0x0;
	p3 =	por $0x0, $0x0;
	v19 =	vimm.f32 $0.0e+00  }
.LBB2_8:
.Ltmp25:
0x2ce: {  	(pc) =	sbr.rel .LBB2_17-.Ltmp25, $3  }
0x2cf: {  	_ =	sdelay $0x1  }
0x2d0: {  	s0 =	simm.s32 $0x0;
	v29 =	vimm.f32 $0.0e+00;
	p3 =	por $0x0, $0x0  }
0x2d1: {  	v35 =	vimm.f32 $0.0e+00;
	v28 =	vimm.f32 $0.0e+00;
	v31 =	vmovc v2;
	p4 =	por $0x0, $0x0;
	p5 =	por $0x0, $0x0;
	v18 =	vimm.f32 $0.0e+00;
	p0 =	por $0x1, $0x1  }
.LBB2_20:
.Ltmp26:
0x2d2: {  	(pc) =	sbr.rel .LBB2_28-.Ltmp26, $3  }
0x2d3: {  	_ =	sdelay $0x1  }
0x2d4: {  	v21 =	vimm.f32 $0.0e+00  }
0x2d5: {  	s0 =	simm.s32 $0x0;
	v26 =	vimm.f32 $0.0e+00;
	v28 =	vimm.f32 $0.0e+00;
	v30 =	vmovc v1;
	p2 =	por $0x0, $0x0;
	p3 =	por $0x0, $0x0;
	v19 =	vimm.f32 $0.0e+00  }
.LBB2_10:
.Ltmp27:
0x2d6: {  	(pc) =	sbr.rel .LBB2_17-.Ltmp27, $3  }
0x2d7: {  	_ =	sdelay $0x1  }
0x2d8: {  	v29 =	vimm.f32 $0.0e+00;
	v36 =	vmov v15;
	v32 =	vmov v17  }
0x2d9: {  	v35 =	vimm.f32 $0.0e+00;
	v28 =	vimm.f32 $0.0e+00;
	v31 =	vmovc v2;
	p4 =	por $0x0, $0x0;
	p5 =	por $0x0, $0x0;
	p0 =	por $0x1, $0x1;
	v27 =	vmovc v18;
	v18 =	vimm.f32 $0.0e+00  }
.LBB2_22:
.Ltmp28:
0x2da: {  	(pc) =	sbr.rel .LBB2_28-.Ltmp28, $3  }
0x2db: {  	_ =	sdelay $0x1  }
0x2dc: {  	v21 =	vimm.f32 $0.0e+00;
	v38 =	vmov v23;
	v39 =	vmov v25  }
0x2dd: {  	v26 =	vimm.f32 $0.0e+00;
	v28 =	vimm.f32 $0.0e+00;
	v30 =	vmovc v1;
	p3 =	por $0x0, $0x0;
	v37 =	vmovc v19;
	v19 =	vimm.f32 $0.0e+00  }
.LBB2_12:
.Ltmp29:
0x2de: {  	_ = 	snop;
	(pc) =	sbr.rel .LBB2_17-.Ltmp29, $4  }
0x2df: {  	_ = 	snop  }
0x2e0: {  	v24 =	vmov v20  }
0x2e1: {  	v29 =	vimm.f32 $0.0e+00;
	v35 =	vimm.f32 $0.0e+00;
	v34 =	vmovc v15;
	v36 =	vmovc v21;
	v26 =	vmov v17  }
0x2e2: {  	v32 =	vmovc v23;
	v16 =	vmovc v22;
	v31 =	vmov v2;
	p5 =	por $0x0, $0x0;
	p0 =	por $0x1, $0x1;
	v28 =	vmov v18;
	v33 =	vmov v19  }
.LBB2_24:
.Ltmp30:
0x2e3: {  	_ = 	snop;
	(pc) =	sbr.rel .LBB2_28-.Ltmp30, $4  }
0x2e4: {  	_ = 	snop  }
0x2e5: {  	v27 =	vmov v29  }
0x2e6: {  	v21 =	vimm.f32 $0.0e+00;
	v26 =	vimm.f32 $0.0e+00;
	v35 =	vmovc v23;
	v38 =	vmovc v32;
	v36 =	vmov v25  }
0x2e7: {  	v39 =	vmovc v34;
	v24 =	vmovc v33;
	v30 =	vmov v1;
	v28 =	vmov v19;
	v31 =	vmov v22  }
.LBB2_14:
.Ltmp31:
0x2e8: {  	(pc) =	sbr.rel .LBB2_17-.Ltmp31, $2  }
0x2e9: {  	_ =	sdelay $0x2  }
0x2ea: {  	v29 =	vimm.f32 $0.0e+00;
	v35 =	vimm.f32 $0.0e+00;
	v34 =	vmovc v21;
	v26 =	vmov v23;
	p6 =	por $0x0, $0x0;
	p0 =	por $0x1, $0x1  }
.LBB2_26:
.Ltmp32:
0x2eb: {  	(pc) =	sbr.rel .LBB2_28-.Ltmp32, $2  }
0x2ec: {  	_ =	sdelay $0x2  }
0x2ed: {  	v21 =	vimm.f32 $0.0e+00;
	v26 =	vimm.f32 $0.0e+00;
	v35 =	vmovc v32;
	v36 =	vmov v34  }
.LBB2_45:
0x2ee: {  	_ =	swait.ge [sflag:s19], $0x2000  }
0x2ef: {  	[sflag:s19] =	ssyncset.done $0x0  }
0x2f0: {  	[sflag:s19] =	ssyncadd.s32 $0xFFFFE000  }
0x2f1: {  	s28 =	simm.s32 $0x0;
	_ =	swait.ge [sflag:s19], $0x2000  }
0x2f2: {  	s0 =	sand.u32 $0x40, s28;
	s3 =	sand.u32 $0x1E00, s28;
	[sflag:s19] =	ssyncset.done $0x0  }
0x2f3: {  	s3 =	sor.u32 s0, s3;
	[sflag:s19] =	ssyncadd.s32 $0xFFFFE000  }
0x2f4: {  	v4 =	vld [tilespmem:s3+$0x6000]  }
0x2f5: {  	s8 =	simm.s32 $0x40;
	s5 =	simm.s32 $0x100;
	v0 =	vld [tilespmem:s3+$0x6030]  }
0x2f6: {  	s5 =	sand.u32 $0x1E00, s5;
	s0 =	sand.u32 $0x40, s8;
	v5 =	vld [tilespmem:s3+$0x6010]  }
0x2f7: {  	s29 =	sor.u32 s0, s5;
	v8 =	vld [tilespmem:s3+$0x6020]  }
0x2f8: {  	v10 =	vld [tilespmem:s29+$0x6030]  }
0x2f9: {  	v9 =	vshll.u32 v4, $0x2  }
0x2fa: {  	v13 =	vld [tilespmem:s29+$0x6020];
	v6 =	vshll.u32 v0, $0x2;
	v4 =	vand.u32 $0x7F, v4;
	v9 =	vand.u32 $0xFFFFFE00, v9  }
0x2fb: {  	v0 =	vand.u32 $0x7F, v0;
	v6 =	vand.u32 $0xFFFFFE00, v6;
	v4 =	vor.u32 v4, v9  }
0x2fc: {  	s24 =	simm.s32 $0x80;
	s31 =	simm.s32 $0x200;
	v0 =	vor.u32 v0, v6;
	v9 =	vld [tilespmem:s29+$0x6000]  }
0x2fd: {  	s0 =	sand.u32 $0x40, s24;
	s5 =	sand.u32 $0x1E00, s31;
	v12 =	vld [tilespmem:s29+$0x6010];
	v11 =	vshll.u32 v5, $0x2;
	v14 =	vshll.u32 v8, $0x2;
	v15 =	vshll.u32 v10, $0x2  }
0x2fe: {  	s0 =	sor.u32 s0, s5;
	v5 =	vand.u32 $0x7F, v5;
	v10 =	vand.u32 $0x7F, v10;
	v15 =	vand.u32 $0xFFFFFE00, v15  }
0x2ff: {  	v8 =	vand.u32 $0x7F, v8;
	v16 =	vshll.u32 v13, $0x2;
	v10 =	vor.u32 v10, v15;
	v15 =	vld [tilespmem:s0+$0x6030]  }
0x300: {  	v11 =	vand.u32 $0xFFFFFE00, v11;
	v18 =	vand.u32 $0xFFFFFE00, v16;
	v17 =	vld.idx.msk [tilespmem:v4+s28+$0x0], $0xffff;
	v4 =	vand.u32 $0xFFFFFE00, v14  }
0x301: {  	v0 =	vld.idx.msk [tilespmem:v0+s28+$0x0], $0xffff;
	v14 =	vor.u32 v5, v11;
	v20 =	vor.u32 v8, v4;
	v4 =	vshll.u32 v9, $0x2  }
0x302: {  	v5 =	vshll.u32 v12, $0x2;
	v11 =	vld [tilespmem:s0+$0x6000];
	v9 =	vand.u32 $0x7F, v9;
	v4 =	vand.u32 $0xFFFFFE00, v4  }
0x303: {  	v12 =	vand.u32 $0x7F, v12;
	v5 =	vand.u32 $0xFFFFFE00, v5;
	v8 =	vld [tilespmem:s0+$0x6010];
	v16 =	vor.u32 v9, v4  }
0x304: {  	v13 =	vand.u32 $0x7F, v13;
	v19 =	vshll.u32 v15, $0x2;
	v9 =	vor.u32 v12, v5;
	v12 =	vld [tilespmem:s0+$0x6020]  }
0x305: {  	v6 =	vimm.f32 $0.0e+00;
	v10 =	vld.idx.msk [tilespmem:v10+s28+$0x0], $0xffff;
	v19 =	vand.u32 $0xFFFFFE00, v19;
	v5 =	vor.u32 v13, v18  }
0x306: {  	s30 =	simm.s32 $0xC0;
	s5 =	simm.s32 $0x300;
	v18 =	vand.u32 $0x7F, v15;
	v4 =	vadd.f32 v0, v6;
	v0 =	vadd.f32 v17, v3;
	v13 =	vld.idx.msk [tilespmem:v14+s28+$0x0], $0xffff  }
0x307: {  	s6 =	simm.s32 $0x100;
	s7 =	sand.u32 $0x40, s30;
	s8 =	sand.u32 $0x1E00, s5;
	v17 =	vshll.u32 v11, $0x2;
	v3 =	vimm.f32 $0.0e+00;
	v14 =	vimm.f32 $0.0e+00;
	v15 =	vld.idx.msk [tilespmem:v20+s28+$0x0], $0xffff  }
.LBB2_46:
0x308: {  	p0 =	sne.s32 s6, $0x7C0;
	s7 =	sor.u32 s7, s8;
	v17 =	vand.u32 $0xFFFFFE00, v17;
	v20 =	vshll.u32 v8, $0x2;
	v18 =	vor.u32 v18, v19;
	v19 =	vld.idx.msk [tilespmem:v16+s28+$0x0], $0xffff  }
0x309: {  	v16 =	vand.u32 $0x7F, v11;
	v21 =	vld [tilespmem:s7+$0x6030];
	v20 =	vand.u32 $0xFFFFFE00, v20;
	v22 =	vshll.u32 v12, $0x2  }
0x30a: {  	v23 =	vand.u32 $0x7F, v8;
	v24 =	vand.u32 $0x7F, v12;
	v11 =	vld [tilespmem:s7+$0x6000];
	v22 =	vand.u32 $0xFFFFFE00, v22  }
.Ltmp33:
0x30b: {  	v16 =	vor.u32 v16, v17;
	v17 =	vor.u32 v23, v20;
	v4 =	vadd.f32 v10, v4;
	v8 =	vld [tilespmem:s7+$0x6010];
	(pc) =	sbr.rel @p0 .LBB2_46-.Ltmp33, $4  }
0x30c: {  	v20 =	vor.u32 v24, v22;
	v3 =	vadd.f32 v13, v3;
	v12 =	vld [tilespmem:s7+$0x6020]  }
0x30d: {  	v14 =	vadd.f32 v15, v14;
	v10 =	vld.idx.msk [tilespmem:v18+s28+$0x0], $0xffff  }
0x30e: {  	s5 =	sadd.s32 $0x100, s5;
	v0 =	vadd.f32 v19, v0;
	v15 =	vshll.u32 v21, $0x2;
	v13 =	vld.idx.msk [tilespmem:v9+s28+$0x0], $0xffff;
	v9 =	vmov v17  }
0x30f: {  	s8 =	sand.u32 $0x1E00, s5;
	s7 =	sand.u32 $0x40, s6;
	s6 =	sadd.s32 $0x40, s6;
	v18 =	vand.u32 $0x7F, v21;
	v17 =	vshll.u32 v11, $0x2;
	v19 =	vand.u32 $0xFFFFFE00, v15;
	v15 =	vld.idx.msk [tilespmem:v5+s28+$0x0], $0xffff;
	v5 =	vmovc v20  }
0x310: {  	_ =	sdelay $0x3  }
0x311: {  	s5 =	sor.u32 s7, s8;
	v16 =	vld.idx.msk [tilespmem:v16+s28+$0x0], $0xffff  }
0x312: {  	v20 =	vld [tilespmem:s5+$0x6030]  }
0x313: {  	v18 =	vor.u32 v18, v19;
	v17 =	vand.u32 $0xFFFFFE00, v17;
	v11 =	vand.u32 $0x7F, v11;
	v19 =	vld [tilespmem:s5+$0x6000]  }
0x314: {  	v23 =	vshll.u32 v8, $0x2;
	v9 =	vld.idx.msk [tilespmem:v9+s28+$0x0], $0xffff;
	v11 =	vor.u32 v11, v17  }
0x315: {  	v8 =	vand.u32 $0x7F, v8;
	v5 =	vld.idx.msk [tilespmem:v5+s28+$0x0], $0xffff;
	v23 =	vand.u32 $0xFFFFFE00, v23  }
0x316: {  	v21 =	vld [tilespmem:s5+$0x6010];
	v8 =	vor.u32 v8, v23  }
0x317: {  	v17 =	vld [tilespmem:s5+$0x6020];
	v3 =	vadd.f32 v13, v3;
	v22 =	vshll.u32 v20, $0x2;
	v20 =	vand.u32 $0x7F, v20  }
0x318: {  	v18 =	vld.idx.msk [tilespmem:v18+s28+$0x0], $0xffff;
	v13 =	vshll.u32 v19, $0x2;
	v19 =	vand.u32 $0x7F, v19;
	v22 =	vand.u32 $0xFFFFFE00, v22  }
0x319: {  	v11 =	vld.idx.msk [tilespmem:v11+s28+$0x0], $0xffff;
	v13 =	vand.u32 $0xFFFFFE00, v13;
	v20 =	vor.u32 v20, v22;
	v22 =	vshll.u32 v12, $0x2  }
0x31a: {  	v12 =	vand.u32 $0x7F, v12;
	v13 =	vor.u32 v19, v13;
	v19 =	vld [tilespmem:s3+$0x6090];
	v22 =	vand.u32 $0xFFFFFE00, v22  }
0x31b: {  	v4 =	vadd.f32 v10, v4;
	v10 =	vor.u32 v12, v22;
	v12 =	vadd.f32 v15, v14;
	v14 =	vld [tilespmem:s3+$0x60B0]  }
0x31c: {  	v15 =	vshll.u32 v21, $0x2;
	v22 =	vld [tilespmem:s3+$0x6080]  }
0x31d: {  	v0 =	vadd.f32 v16, v0;
	v8 =	vld.idx.msk [tilespmem:v8+s28+$0x0], $0xffff;
	v21 =	vand.u32 $0x7F, v21;
	v15 =	vand.u32 $0xFFFFFE00, v15  }
0x31e: {  	v3 =	vadd.f32 v9, v3;
	v16 =	vshll.u32 v17, $0x2;
	v15 =	vor.u32 v21, v15;
	v20 =	vld.idx.msk [tilespmem:v20+s28+$0x0], $0xffff  }
0x31f: {  	v17 =	vand.u32 $0x7F, v17;
	v16 =	vand.u32 $0xFFFFFE00, v16;
	v4 =	vadd.f32 v18, v4;
	v13 =	vld.idx.msk [tilespmem:v13+s28+$0x0], $0xffff  }
0x320: {  	v16 =	vor.u32 v17, v16;
	v11 =	vadd.f32 v11, v0;
	v5 =	vadd.f32 v5, v12;
	v9 =	vld.idx.msk [tilespmem:v10+s28+$0x0], $0xffff  }
0x321: {  	v18 =	vshll.u32 v19, $0x2;
	v10 =	vld [tilespmem:s3+$0x60A0];
	v12 =	vshll.u32 v14, $0x2;
	v17 =	vshll.u32 v22, $0x2  }
0x322: {  	v21 =	vld [tilespmem:s29+$0x60B0];
	v14 =	vand.u32 $0x7F, v14;
	v12 =	vand.u32 $0xFFFFFE00, v12;
	v17 =	vand.u32 $0xFFFFFE00, v17  }
0x323: {  	v15 =	vld.idx.msk [tilespmem:v15+s28+$0x0], $0xffff;
	v12 =	vor.u32 v12, v14;
	v14 =	vand.u32 $0xFFFFFE00, v18;
	v18 =	vand.u32 $0x7F, v22  }
0x324: {  	v8 =	vadd.f32 v8, v3;
	v19 =	vand.u32 $0x7F, v19;
	v17 =	vor.u32 v17, v18;
	v18 =	vld [tilespmem:s29+$0x6080]  }
0x325: {  	v12 =	vor.u32 $0x80, v12;
	v14 =	vor.u32 v14, v19;
	v0 =	vadd.f32 v20, v4;
	v19 =	vld [tilespmem:s29+$0x6090]  }
0x326: {  	v3 =	vadd.f32 v13, v11;
	v17 =	vor.u32 $0x80, v17;
	v4 =	vshll.u32 v10, $0x2  }
0x327: {  	v22 =	vld [tilespmem:s0+$0x60B0];
	v14 =	vor.u32 $0x80, v14;
	v10 =	vand.u32 $0x7F, v10;
	v4 =	vand.u32 $0xFFFFFE00, v4  }
0x328: {  	v13 =	vand.u32 $0x7F, v21;
	v5 =	vadd.f32 v9, v5;
	v9 =	vor.u32 v4, v10;
	v10 =	vld [tilespmem:s29+$0x60A0]  }
0x329: {  	s3 =	simm.s32 $0x0;
	v20 =	vld.idx.msk [tilespmem:v16+s28+$0x0], $0xffff;
	v4 =	vadd.f32 v15, v8;
	v11 =	vor.u32 $0x80, v9;
	v9 =	vshll.u32 v21, $0x2  }
0x32a: {  	v8 =	vld.idx.msk [tilespmem:v12+s3+$0x0], $0xffff;
	v12 =	vshll.u32 v18, $0x2;
	v15 =	vshll.u32 v19, $0x2;
	v9 =	vand.u32 $0xFFFFFE00, v9  }
0x32b: {  	v16 =	vand.u32 $0x7F, v18;
	v21 =	vld.idx.msk [tilespmem:v17+s3+$0x0], $0xffff;
	v12 =	vand.u32 $0xFFFFFE00, v12;
	v9 =	vor.u32 v9, v13  }
0x32c: {  	v18 =	vand.u32 $0x7F, v19;
	v14 =	vld.idx.msk [tilespmem:v14+s3+$0x0], $0xffff;
	v12 =	vor.u32 v12, v16;
	v9 =	vor.u32 $0x80, v9  }
0x32d: {  	v15 =	vand.u32 $0xFFFFFE00, v15;
	v13 =	vld [tilespmem:s0+$0x6080];
	v23 =	vor.u32 $0x80, v12;
	v17 =	vshll.u32 v10, $0x2  }
0x32e: {  	v16 =	vld [tilespmem:s0+$0x6090];
	v12 =	vor.u32 v15, v18;
	v10 =	vand.u32 $0x7F, v10;
	v17 =	vand.u32 $0xFFFFFE00, v17  }
0x32f: {  	v15 =	vor.u32 $0x80, v12;
	v10 =	vor.u32 v17, v10;
	v17 =	vld [tilespmem:s0+$0x60A0]  }
0x330: {  	v5 =	vadd.f32 v20, v5;
	v19 =	vand.u32 $0x7F, v22;
	v18 =	vshll.u32 v22, $0x2  }
0x331: {  	v8 =	vadd.f32 v8, v6;
	v7 =	vadd.f32 v21, v7;
	v12 =	vor.u32 $0x80, v10;
	v10 =	vld.idx.msk [tilespmem:v9+s3+$0x0], $0xffff  }
0x332: {  	s24 =	simm.s32 $0x300;
	s6 =	sand.u32 $0x40, s30;
	v11 =	vld.idx.msk [tilespmem:v11+s3+$0x0], $0xffff;
	v21 =	vand.u32 $0xFFFFFE00, v18;
	v9 =	vadd.f32 v14, v6;
	v14 =	vshll.u32 v13, $0x2  }
0x333: {  	s7 =	sand.u32 $0x1E00, s24;
	s5 =	simm.s32 $0x100;
	s0 =	simm.s32 $0x0;
	v20 =	vshll.u32 v16, $0x2;
	v19 =	vor.u32 v21, v19;
	v18 =	vand.u32 $0xFFFFFE00, v14;
	v14 =	vld.idx.msk [tilespmem:v23+s3+$0x0], $0xffff  }
.LBB2_48:
0x334: {  	p0 =	sne.s32 s5, $0x7C0;
	s6 =	sor.u32 s6, s7;
	v20 =	vand.u32 $0xFFFFFE00, v20;
	v21 =	vshll.u32 v17, $0x2;
	v19 =	vor.u32 $0x80, v19;
	v22 =	vld.idx.msk [tilespmem:v15+s0+$0x0], $0xffff  }
0x335: {  	v15 =	vand.u32 $0x7F, v13;
	v24 =	vand.u32 $0x7F, v16;
	v23 =	vld [tilespmem:s6+$0x60B0];
	v21 =	vand.u32 $0xFFFFFE00, v21  }
0x336: {  	v17 =	vand.u32 $0x7F, v17;
	v15 =	vor.u32 v18, v15;
	v8 =	vadd.f32 v10, v8;
	v13 =	vld [tilespmem:s6+$0x6080]  }
0x337: {  	v10 =	vor.u32 v20, v24;
	v25 =	vor.u32 $0x80, v15;
	v18 =	vor.u32 v21, v17;
	v16 =	vld [tilespmem:s6+$0x6090]  }
.Ltmp34:
0x338: {  	v15 =	vor.u32 $0x80, v10;
	v6 =	vadd.f32 v11, v6;
	v18 =	vor.u32 $0x80, v18;
	v17 =	vld [tilespmem:s6+$0x60A0];
	(pc) =	sbr.rel @p0 .LBB2_48-.Ltmp34, $4  }
0x339: {  	v7 =	vadd.f32 v14, v7;
	v10 =	vld.idx.msk [tilespmem:v19+s3+$0x0], $0xffff  }
0x33a: {  	v9 =	vadd.f32 v22, v9;
	v14 =	vshll.u32 v23, $0x2;
	v11 =	vld.idx.msk [tilespmem:v12+s0+$0x0], $0xffff;
	v12 =	vmov v18;
	s0 =	smov.u32 s3  }
0x33b: {  	s24 =	sadd.s32 $0x100, s24;
	v19 =	vand.u32 $0x7F, v23;
	v18 =	vshll.u32 v13, $0x2;
	v14 =	vand.u32 $0xFFFFFE00, v14  }
0x33c: {  	s7 =	sand.u32 $0x1E00, s24;
	s6 =	sand.u32 $0x40, s5;
	s5 =	sadd.s32 $0x40, s5;
	v18 =	vand.u32 $0xFFFFFE00, v18;
	v20 =	vshll.u32 v16, $0x2;
	v19 =	vor.u32 v14, v19;
	v14 =	vld.idx.msk [tilespmem:v25+s0+$0x0], $0xffff  }
0x33d: {  	s3 =	sor.u32 s6, s7  }
0x33e: {  	v21 =	vld [tilespmem:s3+$0x60B0]  }
0x33f: {  	v22 =	vld [tilespmem:s3+$0x6080]  }
0x340: {  	v20 =	vand.u32 $0xFFFFFE00, v20;
	v23 =	vshll.u32 v17, $0x2;
	v19 =	vor.u32 $0x80, v19;
	v24 =	vld [tilespmem:s3+$0x6090]  }
0x341: {  	v13 =	vand.u32 $0x7F, v13;
	v16 =	vand.u32 $0x7F, v16;
	v17 =	vand.u32 $0x7F, v17  }
0x342: {  	v23 =	vand.u32 $0xFFFFFE00, v23;
	v13 =	vor.u32 v18, v13;
	v16 =	vor.u32 v20, v16;
	v18 =	vld [tilespmem:s3+$0x60A0]  }
0x343: {  	v13 =	vor.u32 $0x80, v13;
	v17 =	vor.u32 v23, v17;
	v16 =	vor.u32 $0x80, v16  }
0x344: {  	v17 =	vor.u32 $0x80, v17;
	v20 =	vshll.u32 v21, $0x2;
	v23 =	vshll.u32 v22, $0x2  }
0x345: {  	v21 =	vand.u32 $0x7F, v21;
	v25 =	vshll.u32 v24, $0x2;
	v22 =	vand.u32 $0x7F, v22  }
0x346: {  	v24 =	vand.u32 $0x7F, v24;
	v20 =	vand.u32 $0xFFFFFE00, v20;
	v23 =	vand.u32 $0xFFFFFE00, v23  }
0x347: {  	v15 =	vld.idx.msk [tilespmem:v15+s0+$0x0], $0xffff;
	v20 =	vor.u32 v20, v21;
	v21 =	vand.u32 $0xFFFFFE00, v25;
	v25 =	vshll.u32 v18, $0x2  }
0x348: {  	s28 =	simm.s32 $0x0;
	v12 =	vld.idx.msk [tilespmem:v12+s0+$0x0], $0xffff;
	v22 =	vor.u32 v23, v22;
	v18 =	vand.u32 $0x7F, v18;
	v20 =	vor.u32 $0x80, v20  }
0x349: {  	v19 =	vld.idx.msk [tilespmem:v19+s28+$0x0], $0xffff;
	v25 =	vand.u32 $0xFFFFFE00, v25;
	v22 =	vor.u32 $0x80, v22;
	v21 =	vor.u32 v21, v24  }
0x34a: {  	v13 =	vld.idx.msk [tilespmem:v13+s28+$0x0], $0xffff;
	v18 =	vor.u32 v25, v18;
	v21 =	vor.u32 $0x80, v21  }
0x34b: {  	v16 =	vld.idx.msk [tilespmem:v16+s28+$0x0], $0xffff;
	v18 =	vor.u32 $0x80, v18  }
0x34c: {  	v17 =	vld.idx.msk [tilespmem:v17+s28+$0x0], $0xffff  }
0x34d: {  	v20 =	vld.idx.msk [tilespmem:v20+s28+$0x0], $0xffff  }
0x34e: {  	v22 =	vld.idx.msk [tilespmem:v22+s28+$0x0], $0xffff  }
0x34f: {  	v6 =	vadd.f32 v11, v6;
	v11 =	vld.idx.msk [tilespmem:v21+s28+$0x0], $0xffff  }
0x350: {  	p0 =	por $0x1, $0x1;
	v8 =	vadd.f32 v10, v8;
	v7 =	vadd.f32 v14, v7;
	v14 =	vld.idx.msk [tilespmem:v18+s28+$0x0], $0xffff  }
.Ltmp35:
0x351: {  	v28 =	vimm.f32 $0.0e+00;
	v9 =	vadd.f32 v15, v9;
	v6 =	vadd.f32 v12, v6;
	(pc) =	sbr.rel @!p0 .LBB2_60-.Ltmp35, $4  }
0x352: {  	v34 =	vimm.f32 $0.0e+00;
	v8 =	vadd.f32 v19, v8;
	v10 =	vadd.f32 v13, v7  }
0x353: {  	p6 =	por $0x0, $0x0;
	s29 =	simm.s32 $0x1;
	s0 =	simm.s32 $0x0;
	v27 =	vimm.f32 $0.0e+00;
	v9 =	vadd.f32 v16, v9;
	v12 =	vadd.f32 v17, v6  }
0x354: {  	p2 =	por $0x0, $0x0;
	p3 =	por $0x0, $0x0;
	s29 =	simm.s32 @!p6 $0x0;
	v7 =	vimm.f32 $0.0e+00;
	v6 =	vadd.f32 v20, v8;
	v8 =	vadd.f32 v22, v10  }
0x355: {  	v30 =	vmovc v2;
	p4 =	por $0x0, $0x0;
	p5 =	por $0x0, $0x0;
	s3 =	smov.u32 s29;
	v17 =	vimm.f32 $0.0e+00;
	v10 =	vadd.f32 v11, v9;
	v9 =	vadd.f32 v14, v12  }
0x356: {  	s0 =	sshll.u32 s29, $0x6  }
0x357: {  	p0 =	por $0x1, $0x1;
	s0 =	sadd.s32 $0x0, s0  }
.Ltmp36:
0x358: {  	s3 =	sor.u32 $0x130, s0;
	(pc) =	sbr.rel @!p0 .LBB2_51-.Ltmp36, $4  }
0x359: {  	s5 =	sor.u32 $0x100, s0;
	v13 =	vld [tilespmem:s3+$0x6000]  }
0x35a: {  	s31 =	sor.u32 $0x110, s0;
	v26 =	vld [tilespmem:s5+$0x6000]  }
0x35b: {  	p1 =	por !p6, !p6;
	s0 =	sor.u32 $0x120, s0;
	v11 =	vld [tilespmem:s31+$0x6000];
	s3 =	simm.s32 $0x1  }
0x35c: {  	p2 =	por $0x1, $0x1;
	v12 =	vld [tilespmem:s0+$0x6000];
	s3 =	simm.s32 @!p1 $0x0  }
0x35d: {  	_ =	sdelay $0x1  }
0x35e: {  	s0 =	sshll.u32 s3, $0x6;
	v14 =	vshll.u32 v13, $0x2;
	v13 =	vand.u32 $0x7F, v13  }
0x35f: {  	p0 =	por $0x1, $0x1;
	s0 =	sadd.s32 $0x100, s0;
	v15 =	vshll.u32 v26, $0x2;
	v14 =	vand.u32 $0xFFFFFE00, v14;
	v16 =	vshll.u32 v11, $0x2  }
.Ltmp37:
0x360: {  	s24 =	sor.u32 $0x130, s0;
	v15 =	vand.u32 $0xFFFFFE00, v15;
	v14 =	vor.u32 v14, v13;
	v19 =	vand.u32 $0x7F, v11;
	(pc) =	sbr.rel @!p0 .LBB2_53-.Ltmp37, $4  }
0x361: {  	s5 =	sor.u32 $0x100, s0;
	v13 =	vld [tilespmem:s24+$0x6000];
	v16 =	vand.u32 $0xFFFFFE00, v16;
	v18 =	vshll.u32 v12, $0x2;
	v23 =	vor.u32 $0x100, v14  }
0x362: {  	s30 =	sor.u32 $0x110, s0;
	v17 =	vld [tilespmem:s5+$0x6000];
	v14 =	vand.u32 $0x7F, v26;
	v12 =	vand.u32 $0x7F, v12;
	v18 =	vand.u32 $0xFFFFFE00, v18  }
0x363: {  	p1 =	por !p1, !p1;
	s3 =	simm.s32 $0x1;
	s31 =	sor.u32 $0x120, s0;
	v11 =	vld [tilespmem:s30+$0x6000];
	v14 =	vor.u32 v15, v14;
	v16 =	vor.u32 v16, v19;
	v18 =	vor.u32 v18, v12  }
0x364: {  	p3 =	por $0x1, $0x1;
	s3 =	simm.s32 @!p1 $0x0;
	s0 =	simm.s32 $0x100;
	v12 =	vld [tilespmem:s31+$0x6000];
	v15 =	vor.u32 $0x100, v14;
	v14 =	vor.u32 $0x100, v16;
	v16 =	vor.u32 $0x100, v18  }
0x365: {  	_ =	sdelay $0x1  }
0x366: {  	s0 =	sshll.u32 s3, $0x6  }
0x367: {  	v18 =	vshll.u32 v13, $0x2;
	s0 =	sadd.s32 $0x200, s0;
	v13 =	vand.u32 $0x7F, v13;
	v19 =	vshll.u32 v17, $0x2  }
0x368: {  	v20 =	vld.idx.msk [tilespmem:v23+s28+$0x0], $0xffff;
	p0 =	por $0x1, $0x1;
	v18 =	vand.u32 $0xFFFFFE00, v18;
	s30 =	sor.u32 $0x130, s0;
	v21 =	vand.u32 $0xFFFFFE00, v19;
	v19 =	vshll.u32 v11, $0x2  }
.Ltmp38:
0x369: {  	s5 =	sor.u32 $0x100, s0;
	v17 =	vand.u32 $0x7F, v17;
	v18 =	vor.u32 v18, v13;
	v13 =	vld [tilespmem:s30+$0x6000];
	v22 =	vand.u32 $0xFFFFFE00, v19;
	(pc) =	sbr.rel @!p0 .LBB2_55-.Ltmp38, $4  }
0x36a: {  	s31 =	sor.u32 $0x110, s0;
	v26 =	vld [tilespmem:s5+$0x6000];
	v23 =	vshll.u32 v12, $0x2;
	v19 =	vor.u32 $0x100, v18;
	v18 =	vand.u32 $0x7F, v11  }
0x36b: {  	s0 =	sor.u32 $0x120, s0;
	v11 =	vld [tilespmem:s31+$0x6000];
	v17 =	vor.u32 v21, v17;
	v24 =	vand.u32 $0x7F, v12;
	v23 =	vand.u32 $0xFFFFFE00, v23  }
0x36c: {  	p1 =	por !p1, !p1;
	s3 =	simm.s32 $0x1;
	v12 =	vld [tilespmem:s0+$0x6000];
	v18 =	vor.u32 v22, v18;
	v21 =	vor.u32 $0x100, v17;
	v22 =	vor.u32 v23, v24  }
0x36d: {  	p4 =	por $0x1, $0x1;
	s3 =	simm.s32 @!p1 $0x0;
	s0 =	simm.s32 $0x200;
	v17 =	vadd.f32 v20, v7;
	v20 =	vor.u32 $0x100, v18;
	v18 =	vld.idx.msk [tilespmem:v15+s28+$0x0], $0xffff;
	v22 =	vor.u32 $0x100, v22  }
0x36e: {  	_ =	sdelay $0x3  }
0x36f: {  	s0 =	sshll.u32 s3, $0x6;
	v15 =	vshll.u32 v13, $0x2;
	v25 =	vld.idx.msk [tilespmem:v19+s28+$0x0], $0xffff;
	v13 =	vand.u32 $0x7F, v13;
	v23 =	vshll.u32 v26, $0x2  }
0x370: {  	v24 =	vld.idx.msk [tilespmem:v14+s28+$0x0], $0xffff;
	v34 =	vimm.f32 $0.0e+00;
	s0 =	sadd.s32 $0x300, s0;
	v15 =	vand.u32 $0xFFFFFE00, v15;
	v27 =	vand.u32 $0xFFFFFE00, v23  }
0x371: {  	v29 =	vld.idx.msk [tilespmem:v16+s28+$0x0], $0xffff;
	p0 =	por $0x1, $0x1;
	v23 =	vshll.u32 v11, $0x2;
	s24 =	sor.u32 $0x130, s0;
	v15 =	vor.u32 v15, v13;
	v31 =	vand.u32 $0x7F, v11  }
.Ltmp39:
0x372: {  	s5 =	sor.u32 $0x100, s0;
	v28 =	vand.u32 $0xFFFFFE00, v23;
	v30 =	vshll.u32 v12, $0x2;
	v13 =	vld [tilespmem:s24+$0x6000];
	v23 =	vor.u32 $0x100, v15;
	(pc) =	sbr.rel @!p0 .LBB2_57-.Ltmp39, $4  }
0x373: {  	v33 =	vmovc v20;
	s30 =	sor.u32 $0x110, s0;
	v15 =	vand.u32 $0x7F, v26;
	v26 =	vld [tilespmem:s5+$0x6000];
	v12 =	vand.u32 $0x7F, v12;
	v30 =	vand.u32 $0xFFFFFE00, v30  }
0x374: {  	s31 =	sor.u32 $0x120, s0;
	v11 =	vld [tilespmem:s30+$0x6000];
	v15 =	vor.u32 v27, v15;
	v28 =	vor.u32 v28, v31;
	v27 =	vadd.f32 v25, v17;
	v25 =	vmovc v22  }
0x375: {  	p6 =	por !p1, !p1;
	s3 =	simm.s32 $0x1;
	p5 =	por $0x1, $0x1;
	v15 =	vor.u32 $0x100, v15;
	v30 =	vor.u32 v30, v12;
	v12 =	vld [tilespmem:s31+$0x6000];
	v35 =	vor.u32 $0x100, v28  }
0x376: {  	v32 =	vld.idx.msk [tilespmem:v21+s28+$0x0], $0xffff;
	s3 =	simm.s32 @!p6 $0x0;
	s0 =	simm.s32 $0x300;
	s24 =	simm.s32 $0x140;
	v28 =	vimm.f32 $0.0e+00;
	v31 =	vor.u32 $0x100, v30;
	v30 =	vadd.f32 v18, v2  }
.LBB2_58:
0x377: {  	p1 =	sne.s32 s24, $0x7C0;
	s3 =	sshll.u32 s3, $0x6;
	v36 =	vshll.u32 v13, $0x2;
	s0 =	sadd.s32 $0x100, s0;
	v37 =	vld.idx.msk [tilespmem:v23+s28+$0x0], $0xffff;
	v28 =	vadd.f32 v24, v28;
	v34 =	vadd.f32 v29, v34  }
0x378: {  	v13 =	vand.u32 $0x7F, v13;
	s3 =	sadd.s32 s3, s0;
	v23 =	vshll.u32 v26, $0x2;
	v29 =	vand.u32 $0xFFFFFE00, v36;
	v24 =	vld.idx.msk [tilespmem:v33+s28+$0x0], $0xffff;
	v33 =	vmovc v35  }
0x379: {  	s5 =	sor.u32 $0x100, s3;
	s6 =	sor.u32 $0x110, s3;
	s7 =	sor.u32 $0x130, s3;
	v35 =	vand.u32 $0xFFFFFE00, v23;
	v23 =	vshll.u32 v11, $0x2;
	v36 =	vor.u32 v29, v13;
	v29 =	vld.idx.msk [tilespmem:v25+s28+$0x0], $0xffff;
	v25 =	vmovc v31  }
.Ltmp40:
0x37a: {  	s3 =	sor.u32 $0x120, s3;
	v13 =	vld [tilespmem:s7+$0x6000];
	v31 =	vand.u32 $0xFFFFFE00, v23;
	v38 =	vshll.u32 v12, $0x2;
	v23 =	vor.u32 $0x100, v36;
	(pc) =	sbr.rel @p1 .LBB2_58-.Ltmp40, $4  }
0x37b: {  	v39 =	vand.u32 $0x7F, v11;
	v36 =	vand.u32 $0x7F, v26;
	v26 =	vld [tilespmem:s5+$0x6000];
	v38 =	vand.u32 $0xFFFFFE00, v38  }
0x37c: {  	v35 =	vor.u32 v35, v36;
	v31 =	vor.u32 v31, v39;
	v36 =	vand.u32 $0x7F, v12;
	v11 =	vld [tilespmem:s6+$0x6000]  }
0x37d: {  	p6 =	por !p6, !p6;
	v39 =	vor.u32 $0x100, v35;
	v36 =	vor.u32 v38, v36;
	v27 =	vadd.f32 v37, v27;
	v12 =	vld [tilespmem:s3+$0x6000];
	s3 =	simm.s32 $0x1  }
0x37e: {  	s24 =	sadd.s32 $0x40, s24;
	v30 =	vadd.f32 v32, v30;
	v35 =	vor.u32 $0x100, v31;
	v31 =	vor.u32 $0x100, v36;
	s3 =	simm.s32 @!p6 $0x0;
	v32 =	vld.idx.msk [tilespmem:v15+s28+$0x0], $0xffff;
	v15 =	vmovc v39  }
0x37f: {  	p6 =	por $0x0, $0x0;
	p0 =	por $0x1, $0x1  }
.LBB2_60:
0x380: {  	_ =	sdelay $0x1  }
0x381: {  	v36 =	vshll.u32 @p2 v13, $0x2  }
0x382: {  	v24 =	vadd.f32 @p5 v24, v28;
	v28 =	vadd.f32 @p5 v29, v34;
	v29 =	vshll.u32 @p2 v26, $0x2  }
0x383: {  	s0 =	sadd.s32 @p2 $0x100, s0;
	v23 =	vld.idx.msk @p3 [tilespmem:v23+s28+$0x0], $0xffff;
	s5 =	simm.s32 $0x0;
	v13 =	vand.u32 @p2 $0x7F, v13;
	v26 =	vand.u32 @p2 $0x7F, v26;
	v34 =	vand.u32 @p2 $0xFFFFFE00, v36  }
0x384: {  	s3 =	sshll.u32 s3, $0x6;
	v33 =	vld.idx.msk @p4 [tilespmem:v33+s28+$0x0], $0xffff;
	v36 =	vshll.u32 @p2 v11, $0x2;
	s5 =	smov.u32 @p2 s0;
	v29 =	vand.u32 @p2 $0xFFFFFE00, v29;
	v11 =	vand.u32 @p2 $0x7F, v11  }
0x385: {  	v25 =	vld.idx.msk @p4 [tilespmem:v25+s28+$0x0], $0xffff;
	v13 =	vor.u32 @p2 v34, v13;
	v34 =	vand.u32 @p2 $0xFFFFFE00, v36;
	s0 =	sadd.s32 s3, s5;
	v36 =	vshll.u32 @p2 v12, $0x2  }
0x386: {  	v15 =	vld.idx.msk @p3 [tilespmem:v15+s28+$0x0], $0xffff;
	v26 =	vor.u32 @p2 v29, v26;
	v12 =	vand.u32 @p2 $0x7F, v12;
	v24 =	vpsel p5, v24, v7;
	s3 =	sor.u32 $0x130, s0  }
0x387: {  	v28 =	vpsel p5, v28, v7;
	v13 =	vor.u32 @p2 $0x100, v13;
	v36 =	vand.u32 @p2 $0xFFFFFE00, v36;
	s5 =	sor.u32 $0x100, s0;
	v48 =	vld [tilespmem:s3+$0x6000]  }
0x388: {  	v11 =	vor.u32 @p2 v34, v11;
	v26 =	vor.u32 @p2 $0x100, v26;
	s31 =	sor.u32 $0x110, s0;
	v30 =	vadd.f32 @p4 v32, v30;
	v49 =	vld [tilespmem:s5+$0x6000]  }
0x389: {  	s0 =	sor.u32 $0x120, s0;
	v12 =	vor.u32 @p2 v36, v12;
	v11 =	vor.u32 @p2 $0x100, v11;
	v50 =	vld [tilespmem:s31+$0x6000];
	v13 =	vpsel p2, v13, v19  }
0x38a: {  	v19 =	vmovc @p3 v31;
	v51 =	vld [tilespmem:s0+$0x6000];
	v23 =	vadd.f32 @p3 v23, v27;
	v12 =	vor.u32 @p2 $0x100, v12;
	v32 =	vpsel p4, v33, v0  }
0x38b: {  	v27 =	vmovc @p3 v35;
	v11 =	vpsel p2, v11, v20;
	v16 =	vpsel p3, v19, v16;
	v19 =	vpsel p2, v26, v21  }
0x38c: {  	v25 =	vpsel p4, v25, v0;
	v15 =	vpsel p3, v15, v18;
	v14 =	vpsel p3, v27, v14  }
0x38d: {  	v12 =	vpsel p2, v12, v22;
	v11 =	vpsel p2, v11, v0;
	v18 =	vadd.f32 @p4 v25, v28  }
0x38e: {  	v12 =	vpsel p2, v12, v0;
	v52 =	vshll.u32 v48, $0x2;
	v53 =	vshll.u32 v49, $0x2  }
0x38f: {  	v54 =	vand.u32 $0x7F, v48;
	v55 =	vshll.u32 v50, $0x2;
	v57 =	vshll.u32 v51, $0x2  }
0x390: {  	v58 =	vand.u32 $0x7F, v49;
	v59 =	vand.u32 $0x7F, v50;
	v20 =	vand.u32 $0xFFFFFE00, v52  }
0x391: {  	v13 =	vld.idx.msk @p2 [tilespmem:v13+s28+$0x0], $0xffff;
	v60 =	vand.u32 $0x7F, v51;
	v21 =	vand.u32 $0xFFFFFE00, v53;
	v20 =	vor.u32 v20, v54  }
0x392: {  	v56 =	vand.u32 $0xFFFFFE00, v55;
	v16 =	vld.idx.msk @p3 [tilespmem:v16+s28+$0x0], $0xffff;
	v21 =	vor.u32 v21, v58;
	v20 =	vor.u32 $0x100, v20  }
0x393: {  	v26 =	vand.u32 $0xFFFFFE00, v57;
	v14 =	vld.idx.msk @p3 [tilespmem:v14+s28+$0x0], $0xffff;
	v22 =	vor.u32 v56, v59;
	v21 =	vor.u32 $0x100, v21  }
0x394: {  	v17 =	vpsel p3, v23, v17;
	v19 =	vld.idx.msk @p2 [tilespmem:v19+s28+$0x0], $0xffff;
	v26 =	vor.u32 v26, v60;
	v22 =	vor.u32 $0x100, v22  }
0x395: {  	v23 =	vadd.f32 @p4 v32, v24;
	v11 =	vld.idx.msk @p2 [tilespmem:v11+s28+$0x0], $0xffff;
	v61 =	vor.u32 $0x100, v26;
	v26 =	vpsel p4, v30, v2  }
0x396: {  	v12 =	vld.idx.msk @p2 [tilespmem:v12+s28+$0x0], $0xffff;
	v15 =	vadd.f32 @p3 v15, v26  }
0x397: {  	v18 =	vpsel p4, v18, v7;
	v23 =	vpsel p4, v23, v7;
	v20 =	vld.idx.msk [tilespmem:v20+s28+$0x0], $0xffff  }
0x398: {  	v16 =	vpsel p3, v16, v0;
	v15 =	vpsel p3, v15, v2;
	v14 =	vpsel p3, v14, v0;
	v21 =	vld.idx.msk [tilespmem:v21+s28+$0x0], $0xffff  }
0x399: {  	v19 =	vpsel p2, v19, v0;
	v16 =	vadd.f32 @p3 v16, v18;
	v14 =	vadd.f32 @p3 v14, v23;
	v62 =	vld.idx.msk [tilespmem:v22+s28+$0x0], $0xffff  }
0x39a: {  	v13 =	vadd.f32 @p2 v13, v17;
	v15 =	vadd.f32 @p2 v19, v15;
	v11 =	vpsel p2, v11, v0;
	v63 =	vld.idx.msk [tilespmem:v61+s28+$0x0], $0xffff  }
.Ltmp41:
0x39b: {  	v12 =	vpsel p2, v12, v0;
	v16 =	vpsel p3, v16, v7;
	v14 =	vpsel p3, v14, v7;
	(pc) =	sbr.rel @!p0 .LBB2_61-.Ltmp41, $4  }
0x39c: {  	v13 =	vpsel p2, v13, v7;
	v12 =	vadd.f32 @p2 v12, v16;
	v14 =	vadd.f32 @p2 v11, v14  }
0x39d: {  	v2 =	vpsel p2, v15, v2;
	v11 =	vadd.f32 v20, v13  }
0x39e: {  	v2 =	vadd.f32 v21, v2;
	v13 =	vpsel p2, v14, v7;
	v14 =	vpsel p2, v12, v7  }
0x39f: {  	v12 =	vadd.f32 v62, v13;
	v13 =	vadd.f32 v63, v14  }
0x3a0: {  	s0 =	sshll.u32 s29, $0x6  }
0x3a1: {  	p0 =	por $0x1, $0x1;
	s0 =	sadd.s32 $0x0, s0  }
.Ltmp42:
0x3a2: {  	s3 =	sor.u32 $0x1B0, s0;
	(pc) =	sbr.rel @!p0 .LBB2_63-.Ltmp42, $4  }
0x3a3: {  	s5 =	sor.u32 $0x180, s0;
	v16 =	vld [tilespmem:s3+$0x6000]  }
0x3a4: {  	s31 =	sor.u32 $0x190, s0;
	v28 =	vld [tilespmem:s5+$0x6000]  }
0x3a5: {  	p2 =	por !p6, !p6;
	s29 =	simm.s32 $0x1;
	s0 =	sor.u32 $0x1A0, s0;
	v14 =	vld [tilespmem:s31+$0x6000]  }
0x3a6: {  	p1 =	por $0x1, $0x1;
	s29 =	simm.s32 @!p2 $0x0;
	v15 =	vld [tilespmem:s0+$0x6000]  }
0x3a7: {  	_ =	sdelay $0x1  }
0x3a8: {  	s0 =	sshll.u32 s29, $0x6;
	v17 =	vshll.u32 v16, $0x2;
	v16 =	vand.u32 $0x7F, v16  }
0x3a9: {  	p0 =	por $0x1, $0x1;
	s0 =	sadd.s32 $0x100, s0;
	v18 =	vshll.u32 v28, $0x2;
	v17 =	vand.u32 $0xFFFFFE00, v17;
	v19 =	vshll.u32 v14, $0x2  }
.Ltmp43:
0x3aa: {  	s3 =	sor.u32 $0x1B0, s0;
	v18 =	vand.u32 $0xFFFFFE00, v18;
	v17 =	vor.u32 v17, v16;
	v22 =	vand.u32 $0x7F, v14;
	(pc) =	sbr.rel @!p0 .LBB2_65-.Ltmp43, $4  }
0x3ab: {  	s5 =	sor.u32 $0x180, s0;
	v16 =	vld [tilespmem:s3+$0x6000];
	v19 =	vand.u32 $0xFFFFFE00, v19;
	v20 =	vshll.u32 v15, $0x2;
	v26 =	vor.u32 $0x180, v17  }
0x3ac: {  	s30 =	sor.u32 $0x190, s0;
	v21 =	vld [tilespmem:s5+$0x6000];
	v17 =	vand.u32 $0x7F, v28;
	v15 =	vand.u32 $0x7F, v15;
	v20 =	vand.u32 $0xFFFFFE00, v20  }
0x3ad: {  	p3 =	por !p2, !p2;
	s29 =	simm.s32 $0x1;
	s31 =	sor.u32 $0x1A0, s0;
	v14 =	vld [tilespmem:s30+$0x6000];
	v17 =	vor.u32 v18, v17;
	v18 =	vor.u32 v19, v22;
	v20 =	vor.u32 v20, v15  }
0x3ae: {  	p2 =	por $0x1, $0x1;
	s29 =	simm.s32 @!p3 $0x0;
	s0 =	simm.s32 $0x100;
	v15 =	vld [tilespmem:s31+$0x6000];
	v19 =	vor.u32 $0x180, v17;
	v17 =	vor.u32 $0x180, v18;
	v18 =	vor.u32 $0x180, v20  }
0x3af: {  	_ =	sdelay $0x1  }
0x3b0: {  	s0 =	sshll.u32 s29, $0x6  }
0x3b1: {  	v20 =	vshll.u32 v16, $0x2;
	s0 =	sadd.s32 $0x200, s0;
	v16 =	vand.u32 $0x7F, v16;
	v22 =	vshll.u32 v21, $0x2  }
0x3b2: {  	v23 =	vld.idx.msk [tilespmem:v26+s4+$0x0], $0xffff;
	p0 =	por $0x1, $0x1;
	v20 =	vand.u32 $0xFFFFFE00, v20;
	s3 =	sor.u32 $0x1B0, s0;
	v21 =	vand.u32 $0x7F, v21;
	v22 =	vand.u32 $0xFFFFFE00, v22  }
.Ltmp44:
0x3b3: {  	s5 =	sor.u32 $0x180, s0;
	v24 =	vshll.u32 v14, $0x2;
	v20 =	vor.u32 v20, v16;
	v16 =	vld [tilespmem:s3+$0x6000];
	v26 =	vand.u32 $0x7F, v14;
	(pc) =	sbr.rel @!p0 .LBB2_67-.Ltmp44, $4  }
0x3b4: {  	s31 =	sor.u32 $0x190, s0;
	v28 =	vld [tilespmem:s5+$0x6000];
	v24 =	vand.u32 $0xFFFFFE00, v24;
	v25 =	vshll.u32 v15, $0x2;
	v20 =	vor.u32 $0x180, v20  }
0x3b5: {  	s0 =	sor.u32 $0x1A0, s0;
	v14 =	vld [tilespmem:s31+$0x6000];
	v21 =	vor.u32 v22, v21;
	v27 =	vand.u32 $0x7F, v15;
	v25 =	vand.u32 $0xFFFFFE00, v25  }
0x3b6: {  	p4 =	por !p3, !p3;
	s29 =	simm.s32 $0x1;
	v15 =	vld [tilespmem:s0+$0x6000];
	v24 =	vor.u32 v24, v26;
	v22 =	vor.u32 $0x180, v21;
	v25 =	vor.u32 v25, v27  }
0x3b7: {  	p3 =	por $0x1, $0x1;
	s29 =	simm.s32 @!p4 $0x0;
	s0 =	simm.s32 $0x200;
	v23 =	vadd.f32 v23, v7;
	v21 =	vor.u32 $0x180, v24;
	v24 =	vor.u32 $0x180, v25;
	v25 =	vld.idx.msk [tilespmem:v19+s4+$0x0], $0xffff  }
0x3b8: {  	_ =	sdelay $0x3  }
0x3b9: {  	s0 =	sshll.u32 s29, $0x6;
	v19 =	vshll.u32 v16, $0x2;
	v30 =	vld.idx.msk [tilespmem:v20+s4+$0x0], $0xffff;
	v16 =	vand.u32 $0x7F, v16;
	v26 =	vshll.u32 v28, $0x2  }
0x3ba: {  	v27 =	vld.idx.msk [tilespmem:v17+s4+$0x0], $0xffff;
	v35 =	vimm.f32 $0.0e+00;
	s0 =	sadd.s32 $0x300, s0;
	v19 =	vand.u32 $0xFFFFFE00, v19;
	v31 =	vand.u32 $0xFFFFFE00, v26  }
0x3bb: {  	v29 =	vld.idx.msk [tilespmem:v18+s4+$0x0], $0xffff;
	p0 =	por $0x1, $0x1;
	v26 =	vshll.u32 v14, $0x2;
	s3 =	sor.u32 $0x1B0, s0;
	v19 =	vor.u32 v19, v16;
	v34 =	vand.u32 $0x7F, v14  }
.Ltmp45:
0x3bc: {  	s5 =	sor.u32 $0x180, s0;
	v32 =	vand.u32 $0xFFFFFE00, v26;
	v16 =	vld [tilespmem:s3+$0x6000];
	v26 =	vor.u32 $0x180, v19;
	v19 =	vand.u32 $0x7F, v28;
	(pc) =	sbr.rel @!p0 .LBB2_69-.Ltmp45, $4  }
0x3bd: {  	v36 =	vmovc v21;
	s30 =	sor.u32 $0x190, s0;
	v33 =	vshll.u32 v15, $0x2;
	v28 =	vld [tilespmem:s5+$0x6000];
	v15 =	vand.u32 $0x7F, v15;
	v19 =	vor.u32 v31, v19  }
0x3be: {  	v38 =	vmovc v24;
	s31 =	sor.u32 $0x1A0, s0;
	v14 =	vld [tilespmem:s30+$0x6000];
	v33 =	vand.u32 $0xFFFFFE00, v33;
	v32 =	vor.u32 v32, v34;
	v19 =	vor.u32 $0x180, v19  }
0x3bf: {  	p4 =	por !p4, !p4;
	s29 =	simm.s32 $0x1;
	p6 =	por $0x1, $0x1;
	v33 =	vor.u32 v33, v15;
	v15 =	vld [tilespmem:s31+$0x6000];
	v31 =	vadd.f32 v30, v23;
	v37 =	vor.u32 $0x180, v32  }
0x3c0: {  	s29 =	simm.s32 @!p4 $0x0;
	s0 =	simm.s32 $0x300;
	s3 =	simm.s32 $0x140;
	v34 =	vld.idx.msk [tilespmem:v22+s4+$0x0], $0xffff;
	v30 =	vimm.f32 $0.0e+00;
	v32 =	vor.u32 $0x180, v33;
	v33 =	vadd.f32 v25, v1  }
.LBB2_70:
0x3c1: {  	p5 =	sne.s32 s3, $0x7C0;
	s5 =	sshll.u32 s29, $0x6;
	v39 =	vshll.u32 v16, $0x2;
	s0 =	sadd.s32 $0x100, s0;
	v40 =	vld.idx.msk [tilespmem:v26+s4+$0x0], $0xffff;
	v30 =	vadd.f32 v27, v30;
	v35 =	vadd.f32 v29, v35  }
0x3c2: {  	v16 =	vand.u32 $0x7F, v16;
	s5 =	sadd.s32 s5, s0;
	v26 =	vshll.u32 v28, $0x2;
	v29 =	vand.u32 $0xFFFFFE00, v39;
	v27 =	vld.idx.msk [tilespmem:v36+s4+$0x0], $0xffff;
	v36 =	vmovc v37  }
0x3c3: {  	s6 =	sor.u32 $0x180, s5;
	s7 =	sor.u32 $0x190, s5;
	s8 =	sor.u32 $0x1B0, s5;
	v37 =	vand.u32 $0xFFFFFE00, v26;
	v26 =	vshll.u32 v14, $0x2;
	v39 =	vor.u32 v29, v16;
	v29 =	vld.idx.msk [tilespmem:v38+s4+$0x0], $0xffff;
	v38 =	vmovc v32  }
.Ltmp46:
0x3c4: {  	s5 =	sor.u32 $0x1A0, s5;
	v16 =	vld [tilespmem:s8+$0x6000];
	v32 =	vand.u32 $0xFFFFFE00, v26;
	v41 =	vshll.u32 v15, $0x2;
	v26 =	vor.u32 $0x180, v39;
	(pc) =	sbr.rel @p5 .LBB2_70-.Ltmp46, $4  }
0x3c5: {  	v42 =	vand.u32 $0x7F, v14;
	v39 =	vand.u32 $0x7F, v28;
	v28 =	vld [tilespmem:s6+$0x6000];
	v41 =	vand.u32 $0xFFFFFE00, v41  }
0x3c6: {  	v37 =	vor.u32 v37, v39;
	v32 =	vor.u32 v32, v42;
	v39 =	vand.u32 $0x7F, v15;
	v14 =	vld [tilespmem:s7+$0x6000]  }
0x3c7: {  	p4 =	por !p4, !p4;
	s29 =	simm.s32 $0x1;
	v42 =	vor.u32 $0x180, v37;
	v39 =	vor.u32 v41, v39;
	v31 =	vadd.f32 v40, v31;
	v15 =	vld [tilespmem:s5+$0x6000]  }
0x3c8: {  	s3 =	sadd.s32 $0x40, s3;
	s29 =	simm.s32 @!p4 $0x0;
	v33 =	vadd.f32 v34, v33;
	v37 =	vor.u32 $0x180, v32;
	v32 =	vor.u32 $0x180, v39;
	v34 =	vld.idx.msk [tilespmem:v19+s4+$0x0], $0xffff;
	v19 =	vmovc v42  }
.LBB2_71:
0x3c9: {  	v39 =	vshll.u32 @p1 v16, $0x2;
	v27 =	vadd.f32 @p6 v27, v30  }
0x3ca: {  	v29 =	vadd.f32 @p6 v29, v35;
	v16 =	vand.u32 @p1 $0x7F, v16;
	v3 =	vadd.f32 v4, v3  }
0x3cb: {  	v18 =	vpsel p2, v32, v18;
	v53 =	vadd.f32 v0, v5;
	v55 =	vadd.f32 v10, v8  }
0x3cc: {  	v6 =	vadd.f32 v6, v9;
	v30 =	vshll.u32 @p1 v28, $0x2;
	v35 =	vand.u32 @p1 $0xFFFFFE00, v39  }
0x3cd: {  	v26 =	vld.idx.msk @p2 [tilespmem:v26+s4+$0x0], $0xffff;
	s0 =	sadd.s32 @p1 $0x100, s0;
	v28 =	vand.u32 @p1 $0x7F, v28;
	v30 =	vand.u32 @p1 $0xFFFFFE00, v30;
	v39 =	vshll.u32 @p1 v14, $0x2  }
0x3ce: {  	s3 =	sshll.u32 s29, $0x6;
	v19 =	vld.idx.msk @p2 [tilespmem:v19+s4+$0x0], $0xffff;
	s28 =	smov.u32 @p1 s0;
	v16 =	vor.u32 @p1 v35, v16;
	v14 =	vand.u32 @p1 $0x7F, v14;
	v29 =	vpsel p6, v29, v7  }
0x3cf: {  	v35 =	vld.idx.msk @p3 [tilespmem:v36+s4+$0x0], $0xffff;
	s0 =	sadd.s32 s3, s28;
	v36 =	vand.u32 @p1 $0xFFFFFE00, v39;
	v39 =	vshll.u32 @p1 v15, $0x2;
	v16 =	vor.u32 @p1 $0x180, v16  }
0x3d0: {  	s3 =	sor.u32 $0x1B0, s0;
	v28 =	vor.u32 @p1 v30, v28;
	v15 =	vand.u32 @p1 $0x7F, v15;
	v39 =	vand.u32 @p1 $0xFFFFFE00, v39  }
0x3d1: {  	s5 =	sor.u32 $0x180, s0;
	v14 =	vor.u32 @p1 v36, v14;
	v63 =	vld [tilespmem:s3+$0x6000];
	v28 =	vor.u32 @p1 $0x180, v28;
	v33 =	vadd.f32 @p3 v34, v33  }
0x3d2: {  	s30 =	sor.u32 $0x190, s0;
	v40 =	vld [tilespmem:s5+$0x6000];
	v16 =	vpsel p1, v16, v20;
	v20 =	vpsel p6, v27, v7;
	v15 =	vor.u32 @p1 v39, v15  }
0x3d3: {  	s0 =	sor.u32 $0x1A0, s0;
	v41 =	vld [tilespmem:s30+$0x6000];
	v26 =	vadd.f32 @p2 v26, v31;
	v31 =	vmovc @p2 v37;
	v14 =	vor.u32 @p1 $0x180, v14;
	v22 =	vpsel p1, v28, v22  }
0x3d4: {  	v43 =	vld [tilespmem:s0+$0x6000];
	v19 =	vpsel p2, v19, v25;
	v15 =	vor.u32 @p1 $0x180, v15;
	v17 =	vpsel p2, v31, v17  }
0x3d5: {  	v14 =	vpsel p1, v14, v21;
	v27 =	vpsel p3, v35, v0;
	v15 =	vpsel p1, v15, v24  }
0x3d6: {  	v21 =	vpsel p2, v26, v23;
	v14 =	vpsel p1, v14, v0;
	v20 =	vadd.f32 @p3 v27, v20  }
0x3d7: {  	v15 =	vpsel p1, v15, v0;
	v42 =	vshll.u32 v63, $0x2;
	v44 =	vand.u32 $0x7F, v63  }
0x3d8: {  	v38 =	vld.idx.msk @p3 [tilespmem:v38+s4+$0x0], $0xffff;
	v45 =	vshll.u32 v40, $0x2;
	v46 =	vshll.u32 v41, $0x2;
	v47 =	vand.u32 $0x7F, v40  }
0x3d9: {  	v48 =	vshll.u32 v43, $0x2;
	v49 =	vand.u32 $0x7F, v41;
	v23 =	vand.u32 $0xFFFFFE00, v42  }
0x3da: {  	v18 =	vld.idx.msk @p2 [tilespmem:v18+s4+$0x0], $0xffff;
	v24 =	vand.u32 $0x7F, v43;
	v25 =	vand.u32 $0xFFFFFE00, v45;
	v23 =	vor.u32 v23, v44  }
0x3db: {  	v16 =	vld.idx.msk @p1 [tilespmem:v16+s4+$0x0], $0xffff;
	v27 =	vand.u32 $0xFFFFFE00, v46;
	v25 =	vor.u32 v25, v47;
	v23 =	vor.u32 $0x180, v23  }
0x3dc: {  	v28 =	vand.u32 $0xFFFFFE00, v48;
	v17 =	vld.idx.msk @p2 [tilespmem:v17+s4+$0x0], $0xffff;
	v27 =	vor.u32 v27, v49;
	v25 =	vor.u32 $0x180, v25  }
0x3dd: {  	v34 =	vpsel p3, v38, v0;
	v22 =	vld.idx.msk @p1 [tilespmem:v22+s4+$0x0], $0xffff;
	v24 =	vor.u32 v28, v24;
	v27 =	vor.u32 $0x180, v27  }
0x3de: {  	v29 =	vadd.f32 @p3 v34, v29;
	v26 =	vpsel p3, v33, v1;
	v50 =	vor.u32 $0x180, v24;
	v15 =	vld.idx.msk @p1 [tilespmem:v15+s4+$0x0], $0xffff  }
0x3df: {  	v2 =	vadd.f32 v12, v2;
	v19 =	vadd.f32 @p2 v19, v26;
	v14 =	vld.idx.msk @p1 [tilespmem:v14+s4+$0x0], $0xffff  }
0x3e0: {  	v20 =	vpsel p3, v20, v7;
	v18 =	vpsel p2, v18, v0;
	v24 =	vpsel p3, v29, v7;
	v23 =	vld.idx.msk [tilespmem:v23+s4+$0x0], $0xffff  }
0x3e1: {  	v19 =	vpsel p2, v19, v1;
	v18 =	vadd.f32 @p2 v18, v24;
	v17 =	vpsel p2, v17, v0;
	v25 =	vld.idx.msk [tilespmem:v25+s4+$0x0], $0xffff  }
0x3e2: {  	v16 =	vadd.f32 @p1 v16, v21;
	v22 =	vpsel p1, v22, v0;
	v17 =	vadd.f32 @p2 v17, v20;
	v51 =	vld.idx.msk [tilespmem:v27+s4+$0x0], $0xffff  }
0x3e3: {  	v18 =	vpsel p2, v18, v7;
	v19 =	vadd.f32 @p1 v22, v19;
	v21 =	vld.idx.msk [tilespmem:v50+s4+$0x0], $0xffff;
	v15 =	vpsel p1, v15, v0  }
0x3e4: {  	v14 =	vpsel p1, v14, v0;
	v17 =	vpsel p2, v17, v7;
	v15 =	vadd.f32 @p1 v15, v18  }
0x3e5: {  	v58 =	vadd.f32 v11, v13;
	v14 =	vadd.f32 @p1 v14, v17  }
0x3e6: {  	v16 =	vpsel p1, v16, v7;
	v52 =	vpsel p1, v19, v1;
	v54 =	vpsel p1, v15, v7  }
0x3e7: {  	_ =	swait.ge [sflag:s22], $0x2000;
	v16 =	vadd.f32 v23, v16;
	v1 =	vadd.f32 v25, v52;
	v14 =	vpsel p1, v14, v7  }
0x3e8: {  	[sflag:s22] =	ssyncset.done $0x0;
	v4 =	vadd.f32 v21, v54;
	v56 =	vadd.f32 v51, v14  }
0x3e9: {  	v57 =	vadd.f32 v6, v55;
	v0 =	vadd.f32 v53, v3;
	[sflag:s22] =	ssyncadd.s32 $0xFFFFE000  }
0x3ea: {  	_ =	swait.ge [sflag:s22], $0x2000;
	v4 =	vadd.f32 v16, v4;
	v1 =	vadd.f32 v56, v1  }
0x3eb: {  	v2 =	vadd.f32 v58, v2;
	(xrf2) =	vadd.scan.msk.f32 $0xffff, v0  }
0x3ec: {  	(xrf2) =	vadd.scan.msk.f32 $0xffff, v57;
	v59 =	vadd.f32 v4, v1  }
0x3ed: {  	(xrf2) =	vadd.scan.msk.f32 $0xffff, v2  }
0x3ee: {  	(xrf2) =	vadd.scan.msk.f32 $0xffff, v59;
	_ =	sdelay $0x6  }
0x3ef: {  	v60, _, _ =	vpop (xrf2)  }
0x3f0: {  	v61, _, _ =	vpop (xrf2);
	v0 =	vbroadcast v60, $0xF  }
0x3f1: {  	v2, _, _ =	vpop (xrf2);
	v1 =	vbroadcast v61, $0xF  }
0x3f2: {  	v0 =	vnsel vm3, $0x0, v0;
	v2 =	vbroadcast v2, $0xF;
	v62, _, _ =	vpop (xrf2)  }
0x3f3: {  	v0 =	vsel vm0, v0, v1;
	v63 =	vbroadcast v62, $0xF  }
0x3f4: {  	[sflag:s22] =	ssyncset.done $0x0;
	v0 =	vsel vm1, v0, v2  }
0x3f5: {  	s26 =	sadd.s32 $0x1, s26;
	[sflag:s22] =	ssyncadd.s32 $0xFFFFE000;
	v0 =	vsel vm2, v0, v63  }
0x3f6: {  	s31 =	simm.s32 $0xC000;
	p0 =	sne.s32 s26, s13;
	[tilespmem:$0xC000] =	vst v0  }
0x3f7: {  	[hbm4b:s12+s4] =	stream.linear.scatter [tilespmem:s31], [sflag:$0x4], $0x80, $0x38;
	[tilespmem:$0xC080] =	vst v63  }
.Ltmp47:
0x3f8: {  	_ = 	snop;
	(pc) =	sbr.rel @p0 .LBB2_1-.Ltmp47, $4  }
.Ltmp48:
0x3f9: {  	_ = 	snop;
	(pc) =	sbr.rel @!p0 .LBB2_72-.Ltmp48, $4  }
0x3fa: {  	_ =	swait.ge [sflag:s25], $0x80  }
0x3fb: {  	[sflag:s25] =	ssyncset.done $0x0  }
0x3fc: {  	[sflag:s25] =	ssyncadd.s32 $0xFFFFFF80  }
0x3fd: {  	_ = 	snop  }
.LBB2_61:
.Ltmp49:
0x3fe: {  	(pc) =	sbr.rel .LBB2_71-.Ltmp49, $3  }
0x3ff: {  	_ =	sdelay $0x1  }
0x400: {  	s0 =	simm.s32 $0x0;
	v30 =	vimm.f32 $0.0e+00  }
0x401: {  	v35 =	vimm.f32 $0.0e+00;
	v31 =	vimm.f32 $0.0e+00;
	v33 =	vmovc v1;
	p1 =	por $0x0, $0x0;
	p2 =	por $0x0, $0x0;
	p3 =	por $0x0, $0x0;
	v23 =	vimm.f32 $0.0e+00  }
.LBB2_51:
.Ltmp50:
0x402: {  	(pc) =	sbr.rel .LBB2_60-.Ltmp50, $3  }
0x403: {  	_ =	sdelay $0x1  }
0x404: {  	s0 =	simm.s32 $0x0;
	v28 =	vimm.f32 $0.0e+00;
	p3 =	por $0x0, $0x0  }
0x405: {  	v34 =	vimm.f32 $0.0e+00;
	v27 =	vimm.f32 $0.0e+00;
	v30 =	vmovc v2;
	p4 =	por $0x0, $0x0;
	p5 =	por $0x0, $0x0;
	v17 =	vimm.f32 $0.0e+00;
	p0 =	por $0x1, $0x1  }
.LBB2_63:
.Ltmp51:
0x406: {  	(pc) =	sbr.rel .LBB2_71-.Ltmp51, $3  }
0x407: {  	_ =	sdelay $0x1  }
0x408: {  	v30 =	vimm.f32 $0.0e+00  }
0x409: {  	s0 =	simm.s32 $0x0;
	v35 =	vimm.f32 $0.0e+00;
	v31 =	vimm.f32 $0.0e+00;
	v33 =	vmovc v1;
	p2 =	por $0x0, $0x0;
	p3 =	por $0x0, $0x0;
	v23 =	vimm.f32 $0.0e+00  }
.LBB2_53:
.Ltmp52:
0x40a: {  	(pc) =	sbr.rel .LBB2_60-.Ltmp52, $3  }
0x40b: {  	_ =	sdelay $0x1  }
0x40c: {  	v28 =	vimm.f32 $0.0e+00;
	v35 =	vmov v14;
	v31 =	vmov v16  }
0x40d: {  	v34 =	vimm.f32 $0.0e+00;
	v27 =	vimm.f32 $0.0e+00;
	v30 =	vmovc v2;
	p4 =	por $0x0, $0x0;
	p5 =	por $0x0, $0x0;
	p0 =	por $0x1, $0x1;
	v26 =	vmovc v17;
	v17 =	vimm.f32 $0.0e+00  }
.LBB2_65:
.Ltmp53:
0x40e: {  	(pc) =	sbr.rel .LBB2_71-.Ltmp53, $3  }
0x40f: {  	_ =	sdelay $0x1  }
0x410: {  	v30 =	vimm.f32 $0.0e+00;
	v37 =	vmov v17;
	v32 =	vmov v18  }
0x411: {  	v35 =	vimm.f32 $0.0e+00;
	v31 =	vimm.f32 $0.0e+00;
	v33 =	vmovc v1;
	p3 =	por $0x0, $0x0;
	v23 =	vimm.f32 $0.0e+00;
	v28 =	vmovc v21  }
.LBB2_55:
.Ltmp54:
0x412: {  	_ = 	snop;
	(pc) =	sbr.rel .LBB2_60-.Ltmp54, $4  }
0x413: {  	_ = 	snop  }
0x414: {  	v23 =	vmov v19  }
0x415: {  	v28 =	vimm.f32 $0.0e+00;
	v34 =	vimm.f32 $0.0e+00;
	v33 =	vmovc v14;
	v35 =	vmovc v20;
	v25 =	vmov v16  }
0x416: {  	v31 =	vmovc v22;
	v15 =	vmovc v21;
	v30 =	vmov v2;
	p5 =	por $0x0, $0x0;
	p0 =	por $0x1, $0x1;
	v27 =	vmov v17;
	v32 =	vmov v18  }
.LBB2_67:
.Ltmp55:
0x417: {  	_ = 	snop;
	(pc) =	sbr.rel .LBB2_71-.Ltmp55, $4  }
0x418: {  	_ = 	snop  }
0x419: {  	v26 =	vmov v20  }
0x41a: {  	v30 =	vimm.f32 $0.0e+00;
	v35 =	vimm.f32 $0.0e+00;
	v36 =	vmovc v17;
	v37 =	vmovc v21;
	v38 =	vmov v18  }
0x41b: {  	v32 =	vmovc v24;
	v19 =	vmovc v22;
	v33 =	vmov v1;
	v31 =	vmov v23;
	v34 =	vmov v25  }
.LBB2_57:
.Ltmp56:
0x41c: {  	(pc) =	sbr.rel .LBB2_60-.Ltmp56, $2  }
0x41d: {  	_ =	sdelay $0x2  }
0x41e: {  	v28 =	vimm.f32 $0.0e+00;
	v34 =	vimm.f32 $0.0e+00;
	v33 =	vmovc v20;
	v25 =	vmov v22;
	p6 =	por $0x0, $0x0;
	p0 =	por $0x1, $0x1  }
.LBB2_69:
.Ltmp57:
0x41f: {  	(pc) =	sbr.rel .LBB2_71-.Ltmp57, $2  }
0x420: {  	_ =	sdelay $0x2  }
0x421: {  	v30 =	vimm.f32 $0.0e+00;
	v35 =	vimm.f32 $0.0e+00;
	v36 =	vmovc v21;
	v38 =	vmov v24  }
.LBB2_72:
0x422: {  	_ =	sfence.sel $0x180000  }
0x423: {  	[bflag:$0x0] =	sbarrier.arrive $0xFFFF  }
0x424: {  	_ =	strace $0x90000047  }
0x425: {  	s0 =	stileid.u32;
	[bflag:$0x2] =	sbarrier.arrive $0xFFFF  }
0x426: {  	p0 =	sne.s32 s0, $0x0;
	s0 =	rddreg [dreg:$0x3]  }
0x427: {  	s0 =	sadd.s32 @!p0 $0x100000, s0  }
0x428: {  	[sflag:s0] =	ssyncadd.tile.s32 @!p0 $0x1;
	_ =	shalt  }
.Lfunc_end2:
_tile_overlayer_lowered:
.L_overlay_start_2:
0x429: {  	(tag) =	ssettag $0x2  }
0x42a: {  	s0 =	rddreg [dreg:$0x0];
	s2 =	stileid.u32  }
0x42b: {  	s1 =	rddreg [dreg:$0x1];
	p0 =	sne.s32 s2, $0x0  }
0x42c: {  	s3 =	rddreg [dreg:$0x2];
	[bflag:$0x3] =	sbarrier.arrive $0xFFFF;
	s2 =	simm.s32 @!p0 $0x1C04  }
0x42d: {  	[timem:s3], [sflag:s2] =	dma.local @!p0 [hbm:s0], s1  }
0x42e: {  	s0 =	simm.s32 @!p0 $0x4  }
0x42f: {  	_ =	swait.ge @!p0 [sflag:s0], s1  }
0x430: {  	s1 =	ssub.s32 @!p0 $0x0, s1;
	[sflag:s0] =	ssyncset.done @!p0 $0x0  }
0x431: {  	[sflag:s0] =	ssyncadd.s32 @!p0 s1  }
0x432: {  	[bflag:$0x3] =	sbarrier.arrive $0xFFFF  }
0x433: {  	_ =	shalt  }

</sc_bundles>
